<compile_context>
chip_gen: v7x
topology: tpu7x:2x2x1
jax: 0.10.2.dev20260603
libtpu: 0.0.44.dev20260713+nightly
codegen_flags: <defaults>
</compile_context>

<pallas_src>
import functools
import math

import jax
import jax.numpy as jnp
import numpy as np
from jax import lax
from jax.experimental import pallas as pl
from jax.experimental.pallas import tpu as pltpu
from jax.experimental.pallas import tpu_sc as plsc

D_MODEL = 64
VOCAB = 1000000
BATCH = 1024
SEQ = 200

NC = 2
NS = 16
NW = NC * NS

B_PER_W = BATCH // NW


def _make_pe():
    position = np.arange(0, SEQ, dtype=np.float32)[:, None]
    div_term = np.exp(
        np.arange(0, D_MODEL, 2, dtype=np.float32) * -(math.log(10000.0) / D_MODEL)
    )
    pe = np.zeros((SEQ, D_MODEL), dtype=np.float32)
    pe[:, 0::2] = np.sin(position * div_term)
    pe[:, 1::2] = np.cos(position * div_term)
    return pe


_PE = _make_pe()
_SCALE = math.sqrt(D_MODEL)


NGRP = SEQ // 16


@functools.partial(
    pl.kernel,
    mesh=plsc.VectorSubcoreMesh(core_axis_name="c", subcore_axis_name="s"),
    out_type=jax.ShapeDtypeStruct((BATCH * SEQ, D_MODEL), jnp.float32),
    compiler_params=pltpu.CompilerParams(
        use_tc_tiling_on_sc=True, needs_layout_passes=False),
    scratch_types=[
        pltpu.VMEM((SEQ, 128), jnp.int32),
        pltpu.VMEM((SEQ, D_MODEL), jnp.float32),
        pltpu.VMEM((SEQ, D_MODEL), jnp.float32),
        pltpu.VMEM((SEQ, D_MODEL), jnp.float32),
        pltpu.SemaphoreType.DMA,
        pltpu.SemaphoreType.DMA,
        pltpu.SemaphoreType.DMA,
        pltpu.SemaphoreType.DMA,
    ],
)
def _sc_gather(xt_hbm, pe_hbm, table_hbm, out_hbm,
               idx_v, pe_v, rows0, rows1, g0, g1, o0, o1):
    wid = lax.axis_index("s") * NC + lax.axis_index("c")
    rows = (rows0, rows1)
    gsem = (g0, g1)
    osem = (o0, o1)

    blk = (wid // 4) * 128
    coff = (wid % 4) * B_PER_W
    pltpu.sync_copy(xt_hbm.at[:, pl.ds(blk, 128)], idx_v)
    pltpu.sync_copy(pe_hbm, pe_v)

    iota16 = lax.iota(jnp.int32, 16)

    def enqueue_gathers(j, p):
        bcol = iota16 * 0 + (coff + j)

        def grp(g, carry):
            svec = g * 16 + iota16
            v = plsc.load_gather(idx_v, [svec, bcol])
            base = g * 16
            for t in range(16):
                pltpu.async_copy(
                    table_hbm.at[v[t]], rows[p].at[base + t], gsem[p])
            return carry

        lax.fori_loop(0, NGRP, grp, 0)
        svec = (SEQ - 16) + iota16
        v = plsc.load_gather(idx_v, [svec, bcol])
        for t in range(8, 16):
            pltpu.async_copy(
                table_hbm.at[v[t]], rows[p].at[SEQ - 16 + t], gsem[p])

    def wait_gathers(p):
        pltpu.make_async_copy(
            table_hbm.at[pl.ds(0, SEQ)], rows[p], gsem[p]).wait()

    def compute(p):
        rbuf = rows[p]

        @plsc.parallel_loop(0, SEQ, unroll=4)
        def row(j):
            for db in range(D_MODEL // 16):
                sl = pl.ds(db * 16, 16)
                rbuf[j, sl] = rbuf[j, sl] * _SCALE + pe_v[j, sl]

    def start_out(j, p):
        pltpu.async_copy(
            rows[p], out_hbm.at[pl.ds((wid * B_PER_W + j) * SEQ, SEQ)], osem[p])

    def wait_out(p):
        pltpu.make_async_copy(
            rows[p], out_hbm.at[pl.ds(0, SEQ)], osem[p]).wait()

    enqueue_gathers(0, 0)

    def step(k, carry):
        def for_parity(b, nb):
            @pl.when(k >= 1)
            def _():
                wait_out(nb)

            @pl.when(k + 1 < B_PER_W)
            def _():
                enqueue_gathers(k + 1, nb)

            wait_gathers(b)
            compute(b)
            start_out(k, b)

        @pl.when(k % 2 == 0)
        def _():
            for_parity(0, 1)

        @pl.when(k % 2 == 1)
        def _():
            for_parity(1, 0)

        return carry

    lax.fori_loop(0, B_PER_W, step, 0)
    wait_out((B_PER_W - 1) % 2)


def kernel(x, emb_table):
    out = _sc_gather(x.T, jnp.asarray(_PE), emb_table)
    return out.reshape(BATCH, SEQ, D_MODEL)

# --- scband reference (transcript-rebuilt; emitter-appended) ---
"""Pipeline reference for scband-positional-embedding-1262720385366 (READ-ONLY COPY).

The authoritative reference and input builder live on the scoring server;
editing this copy changes nothing except your own understanding.
"""

import jax, jax.numpy as jnp
import numpy as np
import math

D_MODEL = 64
VOCAB = 1000000
MAX_LEN = 512
BATCH = 1024
SEQ = 200


def _make_pe():
    position = np.arange(0, MAX_LEN, dtype=np.float32)[:, None]
    div_term = np.exp(np.arange(0, D_MODEL, 2, dtype=np.float32) * -(math.log(10000.0) / D_MODEL))
    pe = np.zeros((MAX_LEN, D_MODEL), dtype=np.float32)
    pe[:, 0::2] = np.sin(position * div_term)
    pe[:, 1::2] = np.cos(position * div_term)
    return jnp.asarray(pe[None])  # [1, MAX_LEN, D_MODEL]


def setup_inputs(seed: int = 0) -> dict:
    key = jax.random.key(seed)
    k1, k2 = jax.random.split(key)
    x = jax.random.randint(k1, (BATCH, SEQ), 0, VOCAB, dtype=jnp.int32)
    emb_table = jax.random.normal(k2, (VOCAB, D_MODEL), dtype=jnp.float32) * 0.02
    return {"x": x, "emb_table": emb_table}


def reference(x, emb_table):
    # embedding lookup (gather) scaled by sqrt(d_model)
    out = jnp.take(emb_table, x, axis=0) * math.sqrt(D_MODEL)
    # add fixed sinusoidal positional encoding (non-learned buffer)
    pe = _make_pe()
    out = out + pe[:, : x.shape[1]]
    # dropout p=0.0 -> identity
    return out

if __name__ == "__main__":
    import jax
    _d = setup_inputs()
    print(jax.jit(kernel)(*tuple(_d.values())))

</pallas_src>

<mosaic_0001>
#map = affine_map<(d0, d1) -> (0, 0)>
module attributes {stable_mosaic.version = 14 : i64} {
  func.func @_sc_gather(%arg0: i32, %arg1: i32, %arg2: memref<200x1024xi32, #tpu.memory_space<hbm>>, %arg3: memref<200x64xf32, #tpu.memory_space<hbm>>, %arg4: memref<1000000x64xf32, #tpu.memory_space<hbm>>, %arg5: memref<204800x64xf32, #tpu.memory_space<hbm>>, %arg6: memref<200x128xi32, #tpu.memory_space<vmem>>, %arg7: memref<200x64xf32, #tpu.memory_space<vmem>>, %arg8: memref<200x64xf32, #tpu.memory_space<vmem>>, %arg9: memref<200x64xf32, #tpu.memory_space<vmem>>, %arg10: memref<!tpu.dma_semaphore, #tpu.memory_space<semaphore_mem>>, %arg11: memref<!tpu.dma_semaphore, #tpu.memory_space<semaphore_mem>>, %arg12: memref<!tpu.dma_semaphore, #tpu.memory_space<semaphore_mem>>, %arg13: memref<!tpu.dma_semaphore, #tpu.memory_space<semaphore_mem>>) attributes {dimension_semantics = [#tpu.dimension_semantics<core_parallel>, #tpu.dimension_semantics<subcore_parallel>], iteration_bounds = array<i64: 2, 16>, scalar_prefetch = 0 : i64, scratch_operands = 8 : i64, tpu.core_type = #tpu.core_type<sc_vector_subcore>, window_params = [{transform_indices = #map}, {transform_indices = #map}, {transform_indices = #map}, {transform_indices = #map}]} {
    %mul3A = arith.constant 2 : i32
    %mul3A_0 = arith.muli %arg1, %mul3A : i32
    %add3A = arith.addi %mul3A_0, %arg0 : i32
    %jit3A = arith.constant 4 : i32
    %div3A = arith.divsi %add3A, %jit3A : i32
    %sign3A = arith.constant 0 : i32
    %sign3A_1 = arith.cmpi sgt, %add3A, %sign3A : i32
    %sign3A_2 = arith.extui %sign3A_1 : i1 to i32
    %sign3A_3 = arith.constant 0 : i32
    %sign3A_4 = arith.cmpi slt, %add3A, %sign3A_3 : i32
    %sign3A_5 = arith.extui %sign3A_4 : i1 to i32
    %sign3A_6 = arith.subi %sign3A_2, %sign3A_5 : i32
    %sign3A_7 = arith.constant 0 : i32
    %sign3A_8 = arith.cmpi sgt, %jit3A, %sign3A_7 : i32
    %sign3A_9 = arith.extui %sign3A_8 : i1 to i32
    %sign3A_10 = arith.constant 0 : i32
    %sign3A_11 = arith.cmpi slt, %jit3A, %sign3A_10 : i32
    %sign3A_12 = arith.extui %sign3A_11 : i1 to i32
    %sign3A_13 = arith.subi %sign3A_9, %sign3A_12 : i32
    %ne3A = arith.cmpi ne, %sign3A_6, %sign3A_13 : i32
    %rem3A = arith.remsi %add3A, %jit3A : i32
    %ne3A_14 = arith.constant 0 : i32
    %ne3A_15 = arith.cmpi ne, %rem3A, %ne3A_14 : i32
    %and3A = arith.andi %ne3A, %ne3A_15 : i1
    %sub3A = arith.constant 1 : i32
    %sub3A_16 = arith.subi %div3A, %sub3A : i32
    %select_n3A = arith.select %and3A, %sub3A_16, %div3A : i32
    %mul3A_17 = arith.constant 128 : i32
    %mul3A_18 = arith.muli %select_n3A, %mul3A_17 : i32
    %jit3A_19 = arith.constant 4 : i32
    %eq3A = arith.constant 0 : i32
    %eq3A_20 = arith.cmpi eq, %jit3A_19, %eq3A : i32
    %jit3A_21 = arith.constant 1 : i32
    %select_n3A_22 = arith.select %eq3A_20, %jit3A_21, %jit3A_19 : i32
    %rem3A_23 = arith.remsi %add3A, %select_n3A_22 : i32
    %ne3A_24 = arith.constant 0 : i32
    %ne3A_25 = arith.cmpi ne, %rem3A_23, %ne3A_24 : i32
    %lt3A = arith.constant 0 : i32
    %lt3A_26 = arith.cmpi slt, %rem3A_23, %lt3A : i32
    %lt3A_27 = arith.constant 0 : i32
    %lt3A_28 = arith.cmpi slt, %select_n3A_22, %lt3A_27 : i32
    %ne3A_29 = arith.xori %lt3A_26, %lt3A_28 : i1
    %and3A_30 = arith.andi %ne3A_29, %ne3A_25 : i1
    %add3A_31 = arith.addi %rem3A_23, %select_n3A_22 : i32
    %select_n3A_32 = arith.select %and3A_30, %add3A_31, %rem3A_23 : i32
    %mul3A_33 = arith.constant 32 : i32
    %mul3A_34 = arith.muli %select_n3A_32, %mul3A_33 : i32
    "tpu.region"() ({
      %run_scoped3A = tpu.sem_alloc : memref<!tpu.dma_semaphore, #tpu.memory_space<semaphore_mem>>
      %dma_start3A_178 = arith.constant 0 : i32
      %dma_start3A_179 = tpu.memref_slice %arg2[%dma_start3A_178, %mul3A_18] : memref<200x1024xi32, #tpu.memory_space<hbm>> -> memref<200x128xi32, #tpu.memory_space<hbm>>
      %dma_start3A_180 = arith.constant 0 : i32
      %dma_start3A_181 = tpu.memref_slice %arg2[%dma_start3A_180, %mul3A_18] : memref<200x1024xi32, #tpu.memory_space<hbm>> -> memref<200x128xi32, #tpu.memory_space<hbm>>
      tpu.enqueue_dma source(%dma_start3A_181 : memref<200x128xi32, #tpu.memory_space<hbm>>) target(%arg6 : memref<200x128xi32, #tpu.memory_space<vmem>>) target_semaphore(%run_scoped3A : memref<!tpu.dma_semaphore, #tpu.memory_space<semaphore_mem>>)
      %dma_wait3A_182 = arith.constant 0 : i32
      %dma_wait3A_183 = tpu.memref_slice %arg2[%dma_wait3A_182, %mul3A_18] : memref<200x1024xi32, #tpu.memory_space<hbm>> -> memref<200x128xi32, #tpu.memory_space<hbm>>
      %dma_wait3A_184 = arith.constant 0 : i32
      %dma_wait3A_185 = tpu.memref_slice %arg2[%dma_wait3A_184, %mul3A_18] : memref<200x1024xi32, #tpu.memory_space<hbm>> -> memref<200x128xi32, #tpu.memory_space<hbm>>
      tpu.wait_dma2 semaphore(%run_scoped3A : memref<!tpu.dma_semaphore, #tpu.memory_space<semaphore_mem>>) src(%dma_wait3A_185 : memref<200x128xi32, #tpu.memory_space<hbm>>) dst(%arg6 : memref<200x128xi32, #tpu.memory_space<vmem>>)
      tpu.yield
    }) : () -> ()
    "tpu.region"() ({
      %run_scoped3A = tpu.sem_alloc : memref<!tpu.dma_semaphore, #tpu.memory_space<semaphore_mem>>
      tpu.enqueue_dma source(%arg3 : memref<200x64xf32, #tpu.memory_space<hbm>>) target(%arg7 : memref<200x64xf32, #tpu.memory_space<vmem>>) target_semaphore(%run_scoped3A : memref<!tpu.dma_semaphore, #tpu.memory_space<semaphore_mem>>)
      tpu.wait_dma2 semaphore(%run_scoped3A : memref<!tpu.dma_semaphore, #tpu.memory_space<semaphore_mem>>) src(%arg3 : memref<200x64xf32, #tpu.memory_space<hbm>>) dst(%arg7 : memref<200x64xf32, #tpu.memory_space<vmem>>)
      tpu.yield
    }) : () -> ()
    %iota3A = tpu.iota {dimensions = array<i32: 0>} : vector<16xi32>
    %mul3A_35 = arith.constant 0 : i32
    %mul3A_36 = vector.broadcast %mul3A_35 : i32 to vector<16xi32>
    %mul3A_37 = arith.muli %iota3A, %mul3A_36 : vector<16xi32>
    %add3A_38 = arith.constant 0 : i32
    %add3A_39 = arith.addi %mul3A_34, %add3A_38 : i32
    %add3A_40 = vector.broadcast %add3A_39 : i32 to vector<16xi32>
    %add3A_41 = arith.addi %mul3A_37, %add3A_40 : vector<16xi32>
    %scan3A = arith.constant 0 : i32
    %scan3A_42 = arith.constant 0 : i32
    %scan3A_43 = arith.constant 12 : i32
    %scan3A_44 = arith.addi %scan3A_42, %scan3A_43 : i32
    %scan3A_45 = arith.constant 1 : i32
    scf.for %scan3A_178 = %scan3A_42 to %scan3A_44 step %scan3A_45  : i32 {
      %mul3A_179 = arith.constant 16 : i32
      %mul3A_180 = arith.muli %scan3A_178, %mul3A_179 : i32
      %add3A_181 = vector.broadcast %mul3A_180 : i32 to vector<16xi32>
      %add3A_182 = arith.addi %add3A_181, %iota3A : vector<16xi32>
      %gather3A_183 = tpu.vector_load_idx %arg6[%add3A_182, %add3A_41] : memref<200x128xi32, #tpu.memory_space<vmem>>[vector<16xi32>, vector<16xi32>], vector<16xi32>,
      %mul3A_184 = arith.constant 16 : i32
      %mul3A_185 = arith.muli %scan3A_178, %mul3A_184 : i32
      %slice3A_186 = vector.extract_strided_slice %gather3A_183 {offsets = [0], sizes = [1], strides = [1]} : vector<16xi32> to vector<1xi32>
      %squeeze3A_187 = vector.extract %slice3A_186[0] : i32 from vector<1xi32>
      %add3A_188 = arith.constant 0 : i32
      %add3A_189 = arith.addi %mul3A_185, %add3A_188 : i32
      %dma_start3A_190 = arith.constant 0 : i32
      %dma_start3A_191 = tpu.memref_slice %arg8[%add3A_189, %dma_start3A_190] : memref<200x64xf32, #tpu.memory_space<vmem>> -> memref<1x64xf32, #tpu.memory_space<vmem>>
      %dma_start3A_192 = tpu.memref_squeeze %dma_start3A_191 : memref<1x64xf32, #tpu.memory_space<vmem>> -> memref<64xf32, #tpu.memory_space<vmem>>
      %dma_start3A_193 = arith.constant 0 : i32
      %dma_start3A_194 = tpu.memref_slice %arg4[%squeeze3A_187, %dma_start3A_193] : memref<1000000x64xf32, #tpu.memory_space<hbm>> -> memref<1x64xf32, #tpu.memory_space<hbm>>
      %dma_start3A_195 = tpu.memref_squeeze %dma_start3A_194 : memref<1x64xf32, #tpu.memory_space<hbm>> -> memref<64xf32, #tpu.memory_space<hbm>>
      %dma_start3A_196 = arith.constant 0 : i32
      %dma_start3A_197 = tpu.memref_slice %arg8[%add3A_189, %dma_start3A_196] : memref<200x64xf32, #tpu.memory_space<vmem>> -> memref<1x64xf32, #tpu.memory_space<vmem>>
      %dma_start3A_198 = tpu.memref_squeeze %dma_start3A_197 : memref<1x64xf32, #tpu.memory_space<vmem>> -> memref<64xf32, #tpu.memory_space<vmem>>
      %dma_start3A_199 = arith.constant 0 : i32
      %dma_start3A_200 = tpu.memref_slice %arg4[%squeeze3A_187, %dma_start3A_199] : memref<1000000x64xf32, #tpu.memory_space<hbm>> -> memref<1x64xf32, #tpu.memory_space<hbm>>
      %dma_start3A_201 = tpu.memref_squeeze %dma_start3A_200 : memref<1x64xf32, #tpu.memory_space<hbm>> -> memref<64xf32, #tpu.memory_space<hbm>>
      tpu.enqueue_dma source(%dma_start3A_201 : memref<64xf32, #tpu.memory_space<hbm>>) target(%dma_start3A_198 : memref<64xf32, #tpu.memory_space<vmem>>) target_semaphore(%arg10 : memref<!tpu.dma_semaphore, #tpu.memory_space<semaphore_mem>>)
      %slice3A_202 = vector.extract_strided_slice %gather3A_183 {offsets = [1], sizes = [1], strides = [1]} : vector<16xi32> to vector<1xi32>
      %squeeze3A_203 = vector.extract %slice3A_202[0] : i32 from vector<1xi32>
      %add3A_204 = arith.constant 1 : i32
      %add3A_205 = arith.addi %mul3A_185, %add3A_204 : i32
      %dma_start3A_206 = arith.constant 0 : i32
      %dma_start3A_207 = tpu.memref_slice %arg8[%add3A_205, %dma_start3A_206] : memref<200x64xf32, #tpu.memory_space<vmem>> -> memref<1x64xf32, #tpu.memory_space<vmem>>
      %dma_start3A_208 = tpu.memref_squeeze %dma_start3A_207 : memref<1x64xf32, #tpu.memory_space<vmem>> -> memref<64xf32, #tpu.memory_space<vmem>>
      %dma_start3A_209 = arith.constant 0 : i32
      %dma_start3A_210 = tpu.memref_slice %arg4[%squeeze3A_203, %dma_start3A_209] : memref<1000000x64xf32, #tpu.memory_space<hbm>> -> memref<1x64xf32, #tpu.memory_space<hbm>>
      %dma_start3A_211 = tpu.memref_squeeze %dma_start3A_210 : memref<1x64xf32, #tpu.memory_space<hbm>> -> memref<64xf32, #tpu.memory_space<hbm>>
      %dma_start3A_212 = arith.constant 0 : i32
      %dma_start3A_213 = tpu.memref_slice %arg8[%add3A_205, %dma_start3A_212] : memref<200x64xf32, #tpu.memory_space<vmem>> -> memref<1x64xf32, #tpu.memory_space<vmem>>
      %dma_start3A_214 = tpu.memref_squeeze %dma_start3A_213 : memref<1x64xf32, #tpu.memory_space<vmem>> -> memref<64xf32, #tpu.memory_space<vmem>>
      %dma_start3A_215 = arith.constant 0 : i32
      %dma_start3A_216 = tpu.memref_slice %arg4[%squeeze3A_203, %dma_start3A_215] : memref<1000000x64xf32, #tpu.memory_space<hbm>> -> memref<1x64xf32, #tpu.memory_space<hbm>>
      %dma_start3A_217 = tpu.memref_squeeze %dma_start3A_216 : memref<1x64xf32, #tpu.memory_space<hbm>> -> memref<64xf32, #tpu.memory_space<hbm>>
      tpu.enqueue_dma source(%dma_start3A_217 : memref<64xf32, #tpu.memory_space<hbm>>) target(%dma_start3A_214 : memref<64xf32, #tpu.memory_space<vmem>>) target_semaphore(%arg10 : memref<!tpu.dma_semaphore, #tpu.memory_space<semaphore_mem>>)
      %slice3A_218 = vector.extract_strided_slice %gather3A_183 {offsets = [2], sizes = [1], strides = [1]} : vector<16xi32> to vector<1xi32>
      %squeeze3A_219 = vector.extract %slice3A_218[0] : i32 from vector<1xi32>
      %add3A_220 = arith.constant 2 : i32
      %add3A_221 = arith.addi %mul3A_185, %add3A_220 : i32
      %dma_start3A_222 = arith.constant 0 : i32
      %dma_start3A_223 = tpu.memref_slice %arg8[%add3A_221, %dma_start3A_222] : memref<200x64xf32, #tpu.memory_space<vmem>> -> memref<1x64xf32, #tpu.memory_space<vmem>>
      %dma_start3A_224 = tpu.memref_squeeze %dma_start3A_223 : memref<1x64xf32, #tpu.memory_space<vmem>> -> memref<64xf32, #tpu.memory_space<vmem>>
      %dma_start3A_225 = arith.constant 0 : i32
      %dma_start3A_226 = tpu.memref_slice %arg4[%squeeze3A_219, %dma_start3A_225] : memref<1000000x64xf32, #tpu.memory_space<hbm>> -> memref<1x64xf32, #tpu.memory_space<hbm>>
      %dma_start3A_227 = tpu.memref_squeeze %dma_start3A_226 : memref<1x64xf32, #tpu.memory_space<hbm>> -> memref<64xf32, #tpu.memory_space<hbm>>
      %dma_start3A_228 = arith.constant 0 : i32
      %dma_start3A_229 = tpu.memref_slice %arg8[%add3A_221, %dma_start3A_228] : memref<200x64xf32, #tpu.memory_space<vmem>> -> memref<1x64xf32, #tpu.memory_space<vmem>>
      %dma_start3A_230 = tpu.memref_squeeze %dma_start3A_229 : memref<1x64xf32, #tpu.memory_space<vmem>> -> memref<64xf32, #tpu.memory_space<vmem>>
      %dma_start3A_231 = arith.constant 0 : i32
      %dma_start3A_232 = tpu.memref_slice %arg4[%squeeze3A_219, %dma_start3A_231] : memref<1000000x64xf32, #tpu.memory_space<hbm>> -> memref<1x64xf32, #tpu.memory_space<hbm>>
      %dma_start3A_233 = tpu.memref_squeeze %dma_start3A_232 : memref<1x64xf32, #tpu.memory_space<hbm>> -> memref<64xf32, #tpu.memory_space<hbm>>
      tpu.enqueue_dma source(%dma_start3A_233 : memref<64xf32, #tpu.memory_space<hbm>>) target(%dma_start3A_230 : memref<64xf32, #tpu.memory_space<vmem>>) target_semaphore(%arg10 : memref<!tpu.dma_semaphore, #tpu.memory_space<semaphore_mem>>)
      %slice3A_234 = vector.extract_strided_slice %gather3A_183 {offsets = [3], sizes = [1], strides = [1]} : vector<16xi32> to vector<1xi32>
      %squeeze3A_235 = vector.extract %slice3A_234[0] : i32 from vector<1xi32>
      %add3A_236 = arith.constant 3 : i32
      %add3A_237 = arith.addi %mul3A_185, %add3A_236 : i32
      %dma_start3A_238 = arith.constant 0 : i32
      %dma_start3A_239 = tpu.memref_slice %arg8[%add3A_237, %dma_start3A_238] : memref<200x64xf32, #tpu.memory_space<vmem>> -> memref<1x64xf32, #tpu.memory_space<vmem>>
      %dma_start3A_240 = tpu.memref_squeeze %dma_start3A_239 : memref<1x64xf32, #tpu.memory_space<vmem>> -> memref<64xf32, #tpu.memory_space<vmem>>
      %dma_start3A_241 = arith.constant 0 : i32
      %dma_start3A_242 = tpu.memref_slice %arg4[%squeeze3A_235, %dma_start3A_241] : memref<1000000x64xf32, #tpu.memory_space<hbm>> -> memref<1x64xf32, #tpu.memory_space<hbm>>
      %dma_start3A_243 = tpu.memref_squeeze %dma_start3A_242 : memref<1x64xf32, #tpu.memory_space<hbm>> -> memref<64xf32, #tpu.memory_space<hbm>>
      %dma_start3A_244 = arith.constant 0 : i32
      %dma_start3A_245 = tpu.memref_slice %arg8[%add3A_237, %dma_start3A_244] : memref<200x64xf32, #tpu.memory_space<vmem>> -> memref<1x64xf32, #tpu.memory_space<vmem>>
      %dma_start3A_246 = tpu.memref_squeeze %dma_start3A_245 : memref<1x64xf32, #tpu.memory_space<vmem>> -> memref<64xf32, #tpu.memory_space<vmem>>
      %dma_start3A_247 = arith.constant 0 : i32
      %dma_start3A_248 = tpu.memref_slice %arg4[%squeeze3A_235, %dma_start3A_247] : memref<1000000x64xf32, #tpu.memory_space<hbm>> -> memref<1x64xf32, #tpu.memory_space<hbm>>
      %dma_start3A_249 = tpu.memref_squeeze %dma_start3A_248 : memref<1x64xf32, #tpu.memory_space<hbm>> -> memref<64xf32, #tpu.memory_space<hbm>>
      tpu.enqueue_dma source(%dma_start3A_249 : memref<64xf32, #tpu.memory_space<hbm>>) target(%dma_start3A_246 : memref<64xf32, #tpu.memory_space<vmem>>) target_semaphore(%arg10 : memref<!tpu.dma_semaphore, #tpu.memory_space<semaphore_mem>>)
      %slice3A_250 = vector.extract_strided_slice %gather3A_183 {offsets = [4], sizes = [1], strides = [1]} : vector<16xi32> to vector<1xi32>
      %squeeze3A_251 = vector.extract %slice3A_250[0] : i32 from vector<1xi32>
      %add3A_252 = arith.constant 4 : i32
      %add3A_253 = arith.addi %mul3A_185, %add3A_252 : i32
      %dma_start3A_254 = arith.constant 0 : i32
      %dma_start3A_255 = tpu.memref_slice %arg8[%add3A_253, %dma_start3A_254] : memref<200x64xf32, #tpu.memory_space<vmem>> -> memref<1x64xf32, #tpu.memory_space<vmem>>
      %dma_start3A_256 = tpu.memref_squeeze %dma_start3A_255 : memref<1x64xf32, #tpu.memory_space<vmem>> -> memref<64xf32, #tpu.memory_space<vmem>>
      %dma_start3A_257 = arith.constant 0 : i32
      %dma_start3A_258 = tpu.memref_slice %arg4[%squeeze3A_251, %dma_start3A_257] : memref<1000000x64xf32, #tpu.memory_space<hbm>> -> memref<1x64xf32, #tpu.memory_space<hbm>>
      %dma_start3A_259 = tpu.memref_squeeze %dma_start3A_258 : memref<1x64xf32, #tpu.memory_space<hbm>> -> memref<64xf32, #tpu.memory_space<hbm>>
      %dma_start3A_260 = arith.constant 0 : i32
      %dma_start3A_261 = tpu.memref_slice %arg8[%add3A_253, %dma_start3A_260] : memref<200x64xf32, #tpu.memory_space<vmem>> -> memref<1x64xf32, #tpu.memory_space<vmem>>
      %dma_start3A_262 = tpu.memref_squeeze %dma_start3A_261 : memref<1x64xf32, #tpu.memory_space<vmem>> -> memref<64xf32, #tpu.memory_space<vmem>>
      %dma_start3A_263 = arith.constant 0 : i32
      %dma_start3A_264 = tpu.memref_slice %arg4[%squeeze3A_251, %dma_start3A_263] : memref<1000000x64xf32, #tpu.memory_space<hbm>> -> memref<1x64xf32, #tpu.memory_space<hbm>>
      %dma_start3A_265 = tpu.memref_squeeze %dma_start3A_264 : memref<1x64xf32, #tpu.memory_space<hbm>> -> memref<64xf32, #tpu.memory_space<hbm>>
      tpu.enqueue_dma source(%dma_start3A_265 : memref<64xf32, #tpu.memory_space<hbm>>) target(%dma_start3A_262 : memref<64xf32, #tpu.memory_space<vmem>>) target_semaphore(%arg10 : memref<!tpu.dma_semaphore, #tpu.memory_space<semaphore_mem>>)
      %slice3A_266 = vector.extract_strided_slice %gather3A_183 {offsets = [5], sizes = [1], strides = [1]} : vector<16xi32> to vector<1xi32>
      %squeeze3A_267 = vector.extract %slice3A_266[0] : i32 from vector<1xi32>
      %add3A_268 = arith.constant 5 : i32
      %add3A_269 = arith.addi %mul3A_185, %add3A_268 : i32
      %dma_start3A_270 = arith.constant 0 : i32
      %dma_start3A_271 = tpu.memref_slice %arg8[%add3A_269, %dma_start3A_270] : memref<200x64xf32, #tpu.memory_space<vmem>> -> memref<1x64xf32, #tpu.memory_space<vmem>>
      %dma_start3A_272 = tpu.memref_squeeze %dma_start3A_271 : memref<1x64xf32, #tpu.memory_space<vmem>> -> memref<64xf32, #tpu.memory_space<vmem>>
      %dma_start3A_273 = arith.constant 0 : i32
      %dma_start3A_274 = tpu.memref_slice %arg4[%squeeze3A_267, %dma_start3A_273] : memref<1000000x64xf32, #tpu.memory_space<hbm>> -> memref<1x64xf32, #tpu.memory_space<hbm>>
      %dma_start3A_275 = tpu.memref_squeeze %dma_start3A_274 : memref<1x64xf32, #tpu.memory_space<hbm>> -> memref<64xf32, #tpu.memory_space<hbm>>
      %dma_start3A_276 = arith.constant 0 : i32
      %dma_start3A_277 = tpu.memref_slice %arg8[%add3A_269, %dma_start3A_276] : memref<200x64xf32, #tpu.memory_space<vmem>> -> memref<1x64xf32, #tpu.memory_space<vmem>>
      %dma_start3A_278 = tpu.memref_squeeze %dma_start3A_277 : memref<1x64xf32, #tpu.memory_space<vmem>> -> memref<64xf32, #tpu.memory_space<vmem>>
      %dma_start3A_279 = arith.constant 0 : i32
      %dma_start3A_280 = tpu.memref_slice %arg4[%squeeze3A_267, %dma_start3A_279] : memref<1000000x64xf32, #tpu.memory_space<hbm>> -> memref<1x64xf32, #tpu.memory_space<hbm>>
      %dma_start3A_281 = tpu.memref_squeeze %dma_start3A_280 : memref<1x64xf32, #tpu.memory_space<hbm>> -> memref<64xf32, #tpu.memory_space<hbm>>
      tpu.enqueue_dma source(%dma_start3A_281 : memref<64xf32, #tpu.memory_space<hbm>>) target(%dma_start3A_278 : memref<64xf32, #tpu.memory_space<vmem>>) target_semaphore(%arg10 : memref<!tpu.dma_semaphore, #tpu.memory_space<semaphore_mem>>)
      %slice3A_282 = vector.extract_strided_slice %gather3A_183 {offsets = [6], sizes = [1], strides = [1]} : vector<16xi32> to vector<1xi32>
      %squeeze3A_283 = vector.extract %slice3A_282[0] : i32 from vector<1xi32>
      %add3A_284 = arith.constant 6 : i32
      %add3A_285 = arith.addi %mul3A_185, %add3A_284 : i32
      %dma_start3A_286 = arith.constant 0 : i32
      %dma_start3A_287 = tpu.memref_slice %arg8[%add3A_285, %dma_start3A_286] : memref<200x64xf32, #tpu.memory_space<vmem>> -> memref<1x64xf32, #tpu.memory_space<vmem>>
      %dma_start3A_288 = tpu.memref_squeeze %dma_start3A_287 : memref<1x64xf32, #tpu.memory_space<vmem>> -> memref<64xf32, #tpu.memory_space<vmem>>
      %dma_start3A_289 = arith.constant 0 : i32
      %dma_start3A_290 = tpu.memref_slice %arg4[%squeeze3A_283, %dma_start3A_289] : memref<1000000x64xf32, #tpu.memory_space<hbm>> -> memref<1x64xf32, #tpu.memory_space<hbm>>
      %dma_start3A_291 = tpu.memref_squeeze %dma_start3A_290 : memref<1x64xf32, #tpu.memory_space<hbm>> -> memref<64xf32, #tpu.memory_space<hbm>>
      %dma_start3A_292 = arith.constant 0 : i32
      %dma_start3A_293 = tpu.memref_slice %arg8[%add3A_285, %dma_start3A_292] : memref<200x64xf32, #tpu.memory_space<vmem>> -> memref<1x64xf32, #tpu.memory_space<vmem>>
      %dma_start3A_294 = tpu.memref_squeeze %dma_start3A_293 : memref<1x64xf32, #tpu.memory_space<vmem>> -> memref<64xf32, #tpu.memory_space<vmem>>
      %dma_start3A_295 = arith.constant 0 : i32
      %dma_start3A_296 = tpu.memref_slice %arg4[%squeeze3A_283, %dma_start3A_295] : memref<1000000x64xf32, #tpu.memory_space<hbm>> -> memref<1x64xf32, #tpu.memory_space<hbm>>
      %dma_start3A_297 = tpu.memref_squeeze %dma_start3A_296 : memref<1x64xf32, #tpu.memory_space<hbm>> -> memref<64xf32, #tpu.memory_space<hbm>>
      tpu.enqueue_dma source(%dma_start3A_297 : memref<64xf32, #tpu.memory_space<hbm>>) target(%dma_start3A_294 : memref<64xf32, #tpu.memory_space<vmem>>) target_semaphore(%arg10 : memref<!tpu.dma_semaphore, #tpu.memory_space<semaphore_mem>>)
      %slice3A_298 = vector.extract_strided_slice %gather3A_183 {offsets = [7], sizes = [1], strides = [1]} : vector<16xi32> to vector<1xi32>
      %squeeze3A_299 = vector.extract %slice3A_298[0] : i32 from vector<1xi32>
      %add3A_300 = arith.constant 7 : i32
      %add3A_301 = arith.addi %mul3A_185, %add3A_300 : i32
      %dma_start3A_302 = arith.constant 0 : i32
      %dma_start3A_303 = tpu.memref_slice %arg8[%add3A_301, %dma_start3A_302] : memref<200x64xf32, #tpu.memory_space<vmem>> -> memref<1x64xf32, #tpu.memory_space<vmem>>
      %dma_start3A_304 = tpu.memref_squeeze %dma_start3A_303 : memref<1x64xf32, #tpu.memory_space<vmem>> -> memref<64xf32, #tpu.memory_space<vmem>>
      %dma_start3A_305 = arith.constant 0 : i32
      %dma_start3A_306 = tpu.memref_slice %arg4[%squeeze3A_299, %dma_start3A_305] : memref<1000000x64xf32, #tpu.memory_space<hbm>> -> memref<1x64xf32, #tpu.memory_space<hbm>>
      %dma_start3A_307 = tpu.memref_squeeze %dma_start3A_306 : memref<1x64xf32, #tpu.memory_space<hbm>> -> memref<64xf32, #tpu.memory_space<hbm>>
      %dma_start3A_308 = arith.constant 0 : i32
      %dma_start3A_309 = tpu.memref_slice %arg8[%add3A_301, %dma_start3A_308] : memref<200x64xf32, #tpu.memory_space<vmem>> -> memref<1x64xf32, #tpu.memory_space<vmem>>
      %dma_start3A_310 = tpu.memref_squeeze %dma_start3A_309 : memref<1x64xf32, #tpu.memory_space<vmem>> -> memref<64xf32, #tpu.memory_space<vmem>>
      %dma_start3A_311 = arith.constant 0 : i32
      %dma_start3A_312 = tpu.memref_slice %arg4[%squeeze3A_299, %dma_start3A_311] : memref<1000000x64xf32, #tpu.memory_space<hbm>> -> memref<1x64xf32, #tpu.memory_space<hbm>>
      %dma_start3A_313 = tpu.memref_squeeze %dma_start3A_312 : memref<1x64xf32, #tpu.memory_space<hbm>> -> memref<64xf32, #tpu.memory_space<hbm>>
      tpu.enqueue_dma source(%dma_start3A_313 : memref<64xf32, #tpu.memory_space<hbm>>) target(%dma_start3A_310 : memref<64xf32, #tpu.memory_space<vmem>>) target_semaphore(%arg10 : memref<!tpu.dma_semaphore, #tpu.memory_space<semaphore_mem>>)
      %slice3A_314 = vector.extract_strided_slice %gather3A_183 {offsets = [8], sizes = [1], strides = [1]} : vector<16xi32> to vector<1xi32>
      %squeeze3A_315 = vector.extract %slice3A_314[0] : i32 from vector<1xi32>
      %add3A_316 = arith.constant 8 : i32
      %add3A_317 = arith.addi %mul3A_185, %add3A_316 : i32
      %dma_start3A_318 = arith.constant 0 : i32
      %dma_start3A_319 = tpu.memref_slice %arg8[%add3A_317, %dma_start3A_318] : memref<200x64xf32, #tpu.memory_space<vmem>> -> memref<1x64xf32, #tpu.memory_space<vmem>>
      %dma_start3A_320 = tpu.memref_squeeze %dma_start3A_319 : memref<1x64xf32, #tpu.memory_space<vmem>> -> memref<64xf32, #tpu.memory_space<vmem>>
      %dma_start3A_321 = arith.constant 0 : i32
      %dma_start3A_322 = tpu.memref_slice %arg4[%squeeze3A_315, %dma_start3A_321] : memref<1000000x64xf32, #tpu.memory_space<hbm>> -> memref<1x64xf32, #tpu.memory_space<hbm>>
      %dma_start3A_323 = tpu.memref_squeeze %dma_start3A_322 : memref<1x64xf32, #tpu.memory_space<hbm>> -> memref<64xf32, #tpu.memory_space<hbm>>
      %dma_start3A_324 = arith.constant 0 : i32
      %dma_start3A_325 = tpu.memref_slice %arg8[%add3A_317, %dma_start3A_324] : memref<200x64xf32, #tpu.memory_space<vmem>> -> memref<1x64xf32, #tpu.memory_space<vmem>>
      %dma_start3A_326 = tpu.memref_squeeze %dma_start3A_325 : memref<1x64xf32, #tpu.memory_space<vmem>> -> memref<64xf32, #tpu.memory_space<vmem>>
      %dma_start3A_327 = arith.constant 0 : i32
      %dma_start3A_328 = tpu.memref_slice %arg4[%squeeze3A_315, %dma_start3A_327] : memref<1000000x64xf32, #tpu.memory_space<hbm>> -> memref<1x64xf32, #tpu.memory_space<hbm>>
      %dma_start3A_329 = tpu.memref_squeeze %dma_start3A_328 : memref<1x64xf32, #tpu.memory_space<hbm>> -> memref<64xf32, #tpu.memory_space<hbm>>
      tpu.enqueue_dma source(%dma_start3A_329 : memref<64xf32, #tpu.memory_space<hbm>>) target(%dma_start3A_326 : memref<64xf32, #tpu.memory_space<vmem>>) target_semaphore(%arg10 : memref<!tpu.dma_semaphore, #tpu.memory_space<semaphore_mem>>)
      %slice3A_330 = vector.extract_strided_slice %gather3A_183 {offsets = [9], sizes = [1], strides = [1]} : vector<16xi32> to vector<1xi32>
      %squeeze3A_331 = vector.extract %slice3A_330[0] : i32 from vector<1xi32>
      %add3A_332 = arith.constant 9 : i32
      %add3A_333 = arith.addi %mul3A_185, %add3A_332 : i32
      %dma_start3A_334 = arith.constant 0 : i32
      %dma_start3A_335 = tpu.memref_slice %arg8[%add3A_333, %dma_start3A_334] : memref<200x64xf32, #tpu.memory_space<vmem>> -> memref<1x64xf32, #tpu.memory_space<vmem>>
      %dma_start3A_336 = tpu.memref_squeeze %dma_start3A_335 : memref<1x64xf32, #tpu.memory_space<vmem>> -> memref<64xf32, #tpu.memory_space<vmem>>
      %dma_start3A_337 = arith.constant 0 : i32
      %dma_start3A_338 = tpu.memref_slice %arg4[%squeeze3A_331, %dma_start3A_337] : memref<1000000x64xf32, #tpu.memory_space<hbm>> -> memref<1x64xf32, #tpu.memory_space<hbm>>
      %dma_start3A_339 = tpu.memref_squeeze %dma_start3A_338 : memref<1x64xf32, #tpu.memory_space<hbm>> -> memref<64xf32, #tpu.memory_space<hbm>>
      %dma_start3A_340 = arith.constant 0 : i32
      %dma_start3A_341 = tpu.memref_slice %arg8[%add3A_333, %dma_start3A_340] : memref<200x64xf32, #tpu.memory_space<vmem>> -> memref<1x64xf32, #tpu.memory_space<vmem>>
      %dma_start3A_342 = tpu.memref_squeeze %dma_start3A_341 : memref<1x64xf32, #tpu.memory_space<vmem>> -> memref<64xf32, #tpu.memory_space<vmem>>
      %dma_start3A_343 = arith.constant 0 : i32
      %dma_start3A_344 = tpu.memref_slice %arg4[%squeeze3A_331, %dma_start3A_343] : memref<1000000x64xf32, #tpu.memory_space<hbm>> -> memref<1x64xf32, #tpu.memory_space<hbm>>
      %dma_start3A_345 = tpu.memref_squeeze %dma_start3A_344 : memref<1x64xf32, #tpu.memory_space<hbm>> -> memref<64xf32, #tpu.memory_space<hbm>>
      tpu.enqueue_dma source(%dma_start3A_345 : memref<64xf32, #tpu.memory_space<hbm>>) target(%dma_start3A_342 : memref<64xf32, #tpu.memory_space<vmem>>) target_semaphore(%arg10 : memref<!tpu.dma_semaphore, #tpu.memory_space<semaphore_mem>>)
      %slice3A_346 = vector.extract_strided_slice %gather3A_183 {offsets = [10], sizes = [1], strides = [1]} : vector<16xi32> to vector<1xi32>
      %squeeze3A_347 = vector.extract %slice3A_346[0] : i32 from vector<1xi32>
      %add3A_348 = arith.constant 10 : i32
      %add3A_349 = arith.addi %mul3A_185, %add3A_348 : i32
      %dma_start3A_350 = arith.constant 0 : i32
      %dma_start3A_351 = tpu.memref_slice %arg8[%add3A_349, %dma_start3A_350] : memref<200x64xf32, #tpu.memory_space<vmem>> -> memref<1x64xf32, #tpu.memory_space<vmem>>
      %dma_start3A_352 = tpu.memref_squeeze %dma_start3A_351 : memref<1x64xf32, #tpu.memory_space<vmem>> -> memref<64xf32, #tpu.memory_space<vmem>>
      %dma_start3A_353 = arith.constant 0 : i32
      %dma_start3A_354 = tpu.memref_slice %arg4[%squeeze3A_347, %dma_start3A_353] : memref<1000000x64xf32, #tpu.memory_space<hbm>> -> memref<1x64xf32, #tpu.memory_space<hbm>>
      %dma_start3A_355 = tpu.memref_squeeze %dma_start3A_354 : memref<1x64xf32, #tpu.memory_space<hbm>> -> memref<64xf32, #tpu.memory_space<hbm>>
      %dma_start3A_356 = arith.constant 0 : i32
      %dma_start3A_357 = tpu.memref_slice %arg8[%add3A_349, %dma_start3A_356] : memref<200x64xf32, #tpu.memory_space<vmem>> -> memref<1x64xf32, #tpu.memory_space<vmem>>
      %dma_start3A_358 = tpu.memref_squeeze %dma_start3A_357 : memref<1x64xf32, #tpu.memory_space<vmem>> -> memref<64xf32, #tpu.memory_space<vmem>>
      %dma_start3A_359 = arith.constant 0 : i32
      %dma_start3A_360 = tpu.memref_slice %arg4[%squeeze3A_347, %dma_start3A_359] : memref<1000000x64xf32, #tpu.memory_space<hbm>> -> memref<1x64xf32, #tpu.memory_space<hbm>>
      %dma_start3A_361 = tpu.memref_squeeze %dma_start3A_360 : memref<1x64xf32, #tpu.memory_space<hbm>> -> memref<64xf32, #tpu.memory_space<hbm>>
      tpu.enqueue_dma source(%dma_start3A_361 : memref<64xf32, #tpu.memory_space<hbm>>) target(%dma_start3A_358 : memref<64xf32, #tpu.memory_space<vmem>>) target_semaphore(%arg10 : memref<!tpu.dma_semaphore, #tpu.memory_space<semaphore_mem>>)
      %slice3A_362 = vector.extract_strided_slice %gather3A_183 {offsets = [11], sizes = [1], strides = [1]} : vector<16xi32> to vector<1xi32>
      %squeeze3A_363 = vector.extract %slice3A_362[0] : i32 from vector<1xi32>
      %add3A_364 = arith.constant 11 : i32
      %add3A_365 = arith.addi %mul3A_185, %add3A_364 : i32
      %dma_start3A_366 = arith.constant 0 : i32
      %dma_start3A_367 = tpu.memref_slice %arg8[%add3A_365, %dma_start3A_366] : memref<200x64xf32, #tpu.memory_space<vmem>> -> memref<1x64xf32, #tpu.memory_space<vmem>>
      %dma_start3A_368 = tpu.memref_squeeze %dma_start3A_367 : memref<1x64xf32, #tpu.memory_space<vmem>> -> memref<64xf32, #tpu.memory_space<vmem>>
      %dma_start3A_369 = arith.constant 0 : i32
      %dma_start3A_370 = tpu.memref_slice %arg4[%squeeze3A_363, %dma_start3A_369] : memref<1000000x64xf32, #tpu.memory_space<hbm>> -> memref<1x64xf32, #tpu.memory_space<hbm>>
      %dma_start3A_371 = tpu.memref_squeeze %dma_start3A_370 : memref<1x64xf32, #tpu.memory_space<hbm>> -> memref<64xf32, #tpu.memory_space<hbm>>
      %dma_start3A_372 = arith.constant 0 : i32
      %dma_start3A_373 = tpu.memref_slice %arg8[%add3A_365, %dma_start3A_372] : memref<200x64xf32, #tpu.memory_space<vmem>> -> memref<1x64xf32, #tpu.memory_space<vmem>>
      %dma_start3A_374 = tpu.memref_squeeze %dma_start3A_373 : memref<1x64xf32, #tpu.memory_space<vmem>> -> memref<64xf32, #tpu.memory_space<vmem>>
      %dma_start3A_375 = arith.constant 0 : i32
      %dma_start3A_376 = tpu.memref_slice %arg4[%squeeze3A_363, %dma_start3A_375] : memref<1000000x64xf32, #tpu.memory_space<hbm>> -> memref<1x64xf32, #tpu.memory_space<hbm>>
      %dma_start3A_377 = tpu.memref_squeeze %dma_start3A_376 : memref<1x64xf32, #tpu.memory_space<hbm>> -> memref<64xf32, #tpu.memory_space<hbm>>
      tpu.enqueue_dma source(%dma_start3A_377 : memref<64xf32, #tpu.memory_space<hbm>>) target(%dma_start3A_374 : memref<64xf32, #tpu.memory_space<vmem>>) target_semaphore(%arg10 : memref<!tpu.dma_semaphore, #tpu.memory_space<semaphore_mem>>)
      %slice3A_378 = vector.extract_strided_slice %gather3A_183 {offsets = [12], sizes = [1], strides = [1]} : vector<16xi32> to vector<1xi32>
      %squeeze3A_379 = vector.extract %slice3A_378[0] : i32 from vector<1xi32>
      %add3A_380 = arith.constant 12 : i32
      %add3A_381 = arith.addi %mul3A_185, %add3A_380 : i32
      %dma_start3A_382 = arith.constant 0 : i32
      %dma_start3A_383 = tpu.memref_slice %arg8[%add3A_381, %dma_start3A_382] : memref<200x64xf32, #tpu.memory_space<vmem>> -> memref<1x64xf32, #tpu.memory_space<vmem>>
      %dma_start3A_384 = tpu.memref_squeeze %dma_start3A_383 : memref<1x64xf32, #tpu.memory_space<vmem>> -> memref<64xf32, #tpu.memory_space<vmem>>
      %dma_start3A_385 = arith.constant 0 : i32
      %dma_start3A_386 = tpu.memref_slice %arg4[%squeeze3A_379, %dma_start3A_385] : memref<1000000x64xf32, #tpu.memory_space<hbm>> -> memref<1x64xf32, #tpu.memory_space<hbm>>
      %dma_start3A_387 = tpu.memref_squeeze %dma_start3A_386 : memref<1x64xf32, #tpu.memory_space<hbm>> -> memref<64xf32, #tpu.memory_space<hbm>>
      %dma_start3A_388 = arith.constant 0 : i32
      %dma_start3A_389 = tpu.memref_slice %arg8[%add3A_381, %dma_start3A_388] : memref<200x64xf32, #tpu.memory_space<vmem>> -> memref<1x64xf32, #tpu.memory_space<vmem>>
      %dma_start3A_390 = tpu.memref_squeeze %dma_start3A_389 : memref<1x64xf32, #tpu.memory_space<vmem>> -> memref<64xf32, #tpu.memory_space<vmem>>
      %dma_start3A_391 = arith.constant 0 : i32
      %dma_start3A_392 = tpu.memref_slice %arg4[%squeeze3A_379, %dma_start3A_391] : memref<1000000x64xf32, #tpu.memory_space<hbm>> -> memref<1x64xf32, #tpu.memory_space<hbm>>
      %dma_start3A_393 = tpu.memref_squeeze %dma_start3A_392 : memref<1x64xf32, #tpu.memory_space<hbm>> -> memref<64xf32, #tpu.memory_space<hbm>>
      tpu.enqueue_dma source(%dma_start3A_393 : memref<64xf32, #tpu.memory_space<hbm>>) target(%dma_start3A_390 : memref<64xf32, #tpu.memory_space<vmem>>) target_semaphore(%arg10 : memref<!tpu.dma_semaphore, #tpu.memory_space<semaphore_mem>>)
      %slice3A_394 = vector.extract_strided_slice %gather3A_183 {offsets = [13], sizes = [1], strides = [1]} : vector<16xi32> to vector<1xi32>
      %squeeze3A_395 = vector.extract %slice3A_394[0] : i32 from vector<1xi32>
      %add3A_396 = arith.constant 13 : i32
      %add3A_397 = arith.addi %mul3A_185, %add3A_396 : i32
      %dma_start3A_398 = arith.constant 0 : i32
      %dma_start3A_399 = tpu.memref_slice %arg8[%add3A_397, %dma_start3A_398] : memref<200x64xf32, #tpu.memory_space<vmem>> -> memref<1x64xf32, #tpu.memory_space<vmem>>
      %dma_start3A_400 = tpu.memref_squeeze %dma_start3A_399 : memref<1x64xf32, #tpu.memory_space<vmem>> -> memref<64xf32, #tpu.memory_space<vmem>>
      %dma_start3A_401 = arith.constant 0 : i32
      %dma_start3A_402 = tpu.memref_slice %arg4[%squeeze3A_395, %dma_start3A_401] : memref<1000000x64xf32, #tpu.memory_space<hbm>> -> memref<1x64xf32, #tpu.memory_space<hbm>>
      %dma_start3A_403 = tpu.memref_squeeze %dma_start3A_402 : memref<1x64xf32, #tpu.memory_space<hbm>> -> memref<64xf32, #tpu.memory_space<hbm>>
      %dma_start3A_404 = arith.constant 0 : i32
      %dma_start3A_405 = tpu.memref_slice %arg8[%add3A_397, %dma_start3A_404] : memref<200x64xf32, #tpu.memory_space<vmem>> -> memref<1x64xf32, #tpu.memory_space<vmem>>
      %dma_start3A_406 = tpu.memref_squeeze %dma_start3A_405 : memref<1x64xf32, #tpu.memory_space<vmem>> -> memref<64xf32, #tpu.memory_space<vmem>>
      %dma_start3A_407 = arith.constant 0 : i32
      %dma_start3A_408 = tpu.memref_slice %arg4[%squeeze3A_395, %dma_start3A_407] : memref<1000000x64xf32, #tpu.memory_space<hbm>> -> memref<1x64xf32, #tpu.memory_space<hbm>>
      %dma_start3A_409 = tpu.memref_squeeze %dma_start3A_408 : memref<1x64xf32, #tpu.memory_space<hbm>> -> memref<64xf32, #tpu.memory_space<hbm>>
      tpu.enqueue_dma source(%dma_start3A_409 : memref<64xf32, #tpu.memory_space<hbm>>) target(%dma_start3A_406 : memref<64xf32, #tpu.memory_space<vmem>>) target_semaphore(%arg10 : memref<!tpu.dma_semaphore, #tpu.memory_space<semaphore_mem>>)
      %slice3A_410 = vector.extract_strided_slice %gather3A_183 {offsets = [14], sizes = [1], strides = [1]} : vector<16xi32> to vector<1xi32>
      %squeeze3A_411 = vector.extract %slice3A_410[0] : i32 from vector<1xi32>
      %add3A_412 = arith.constant 14 : i32
      %add3A_413 = arith.addi %mul3A_185, %add3A_412 : i32
      %dma_start3A_414 = arith.constant 0 : i32
      %dma_start3A_415 = tpu.memref_slice %arg8[%add3A_413, %dma_start3A_414] : memref<200x64xf32, #tpu.memory_space<vmem>> -> memref<1x64xf32, #tpu.memory_space<vmem>>
      %dma_start3A_416 = tpu.memref_squeeze %dma_start3A_415 : memref<1x64xf32, #tpu.memory_space<vmem>> -> memref<64xf32, #tpu.memory_space<vmem>>
      %dma_start3A_417 = arith.constant 0 : i32
      %dma_start3A_418 = tpu.memref_slice %arg4[%squeeze3A_411, %dma_start3A_417] : memref<1000000x64xf32, #tpu.memory_space<hbm>> -> memref<1x64xf32, #tpu.memory_space<hbm>>
      %dma_start3A_419 = tpu.memref_squeeze %dma_start3A_418 : memref<1x64xf32, #tpu.memory_space<hbm>> -> memref<64xf32, #tpu.memory_space<hbm>>
      %dma_start3A_420 = arith.constant 0 : i32
      %dma_start3A_421 = tpu.memref_slice %arg8[%add3A_413, %dma_start3A_420] : memref<200x64xf32, #tpu.memory_space<vmem>> -> memref<1x64xf32, #tpu.memory_space<vmem>>
      %dma_start3A_422 = tpu.memref_squeeze %dma_start3A_421 : memref<1x64xf32, #tpu.memory_space<vmem>> -> memref<64xf32, #tpu.memory_space<vmem>>
      %dma_start3A_423 = arith.constant 0 : i32
      %dma_start3A_424 = tpu.memref_slice %arg4[%squeeze3A_411, %dma_start3A_423] : memref<1000000x64xf32, #tpu.memory_space<hbm>> -> memref<1x64xf32, #tpu.memory_space<hbm>>
      %dma_start3A_425 = tpu.memref_squeeze %dma_start3A_424 : memref<1x64xf32, #tpu.memory_space<hbm>> -> memref<64xf32, #tpu.memory_space<hbm>>
      tpu.enqueue_dma source(%dma_start3A_425 : memref<64xf32, #tpu.memory_space<hbm>>) target(%dma_start3A_422 : memref<64xf32, #tpu.memory_space<vmem>>) target_semaphore(%arg10 : memref<!tpu.dma_semaphore, #tpu.memory_space<semaphore_mem>>)
      %slice3A_426 = vector.extract_strided_slice %gather3A_183 {offsets = [15], sizes = [1], strides = [1]} : vector<16xi32> to vector<1xi32>
      %squeeze3A_427 = vector.extract %slice3A_426[0] : i32 from vector<1xi32>
      %add3A_428 = arith.constant 15 : i32
      %add3A_429 = arith.addi %mul3A_185, %add3A_428 : i32
      %dma_start3A_430 = arith.constant 0 : i32
      %dma_start3A_431 = tpu.memref_slice %arg8[%add3A_429, %dma_start3A_430] : memref<200x64xf32, #tpu.memory_space<vmem>> -> memref<1x64xf32, #tpu.memory_space<vmem>>
      %dma_start3A_432 = tpu.memref_squeeze %dma_start3A_431 : memref<1x64xf32, #tpu.memory_space<vmem>> -> memref<64xf32, #tpu.memory_space<vmem>>
      %dma_start3A_433 = arith.constant 0 : i32
      %dma_start3A_434 = tpu.memref_slice %arg4[%squeeze3A_427, %dma_start3A_433] : memref<1000000x64xf32, #tpu.memory_space<hbm>> -> memref<1x64xf32, #tpu.memory_space<hbm>>
      %dma_start3A_435 = tpu.memref_squeeze %dma_start3A_434 : memref<1x64xf32, #tpu.memory_space<hbm>> -> memref<64xf32, #tpu.memory_space<hbm>>
      %dma_start3A_436 = arith.constant 0 : i32
      %dma_start3A_437 = tpu.memref_slice %arg8[%add3A_429, %dma_start3A_436] : memref<200x64xf32, #tpu.memory_space<vmem>> -> memref<1x64xf32, #tpu.memory_space<vmem>>
      %dma_start3A_438 = tpu.memref_squeeze %dma_start3A_437 : memref<1x64xf32, #tpu.memory_space<vmem>> -> memref<64xf32, #tpu.memory_space<vmem>>
      %dma_start3A_439 = arith.constant 0 : i32
      %dma_start3A_440 = tpu.memref_slice %arg4[%squeeze3A_427, %dma_start3A_439] : memref<1000000x64xf32, #tpu.memory_space<hbm>> -> memref<1x64xf32, #tpu.memory_space<hbm>>
      %dma_start3A_441 = tpu.memref_squeeze %dma_start3A_440 : memref<1x64xf32, #tpu.memory_space<hbm>> -> memref<64xf32, #tpu.memory_space<hbm>>
      tpu.enqueue_dma source(%dma_start3A_441 : memref<64xf32, #tpu.memory_space<hbm>>) target(%dma_start3A_438 : memref<64xf32, #tpu.memory_space<vmem>>) target_semaphore(%arg10 : memref<!tpu.dma_semaphore, #tpu.memory_space<semaphore_mem>>)
    }
    %scan3A_46 = arith.constant 12 : i32
    %add3A_47 = arith.constant 184 : i32
    %add3A_48 = vector.broadcast %add3A_47 : i32 to vector<16xi32>
    %add3A_49 = arith.addi %add3A_48, %iota3A : vector<16xi32>
    %gather3A = tpu.vector_load_idx %arg6[%add3A_49, %add3A_41] : memref<200x128xi32, #tpu.memory_space<vmem>>[vector<16xi32>, vector<16xi32>], vector<16xi32>,
    %slice3A = vector.extract_strided_slice %gather3A {offsets = [8], sizes = [1], strides = [1]} : vector<16xi32> to vector<1xi32>
    %squeeze3A = vector.extract %slice3A[0] : i32 from vector<1xi32>
    %dma_start3A = arith.constant 192 : i32
    %dma_start3A_50 = arith.constant 0 : i32
    %dma_start3A_51 = tpu.memref_slice %arg8[%dma_start3A, %dma_start3A_50] : memref<200x64xf32, #tpu.memory_space<vmem>> -> memref<1x64xf32, #tpu.memory_space<vmem>>
    %dma_start3A_52 = tpu.memref_squeeze %dma_start3A_51 : memref<1x64xf32, #tpu.memory_space<vmem>> -> memref<64xf32, #tpu.memory_space<vmem>>
    %dma_start3A_53 = arith.constant 0 : i32
    %dma_start3A_54 = tpu.memref_slice %arg4[%squeeze3A, %dma_start3A_53] : memref<1000000x64xf32, #tpu.memory_space<hbm>> -> memref<1x64xf32, #tpu.memory_space<hbm>>
    %dma_start3A_55 = tpu.memref_squeeze %dma_start3A_54 : memref<1x64xf32, #tpu.memory_space<hbm>> -> memref<64xf32, #tpu.memory_space<hbm>>
    %dma_start3A_56 = arith.constant 0 : i32
    %dma_start3A_57 = tpu.memref_slice %arg8[%dma_start3A, %dma_start3A_56] : memref<200x64xf32, #tpu.memory_space<vmem>> -> memref<1x64xf32, #tpu.memory_space<vmem>>
    %dma_start3A_58 = tpu.memref_squeeze %dma_start3A_57 : memref<1x64xf32, #tpu.memory_space<vmem>> -> memref<64xf32, #tpu.memory_space<vmem>>
    %dma_start3A_59 = arith.constant 0 : i32
    %dma_start3A_60 = tpu.memref_slice %arg4[%squeeze3A, %dma_start3A_59] : memref<1000000x64xf32, #tpu.memory_space<hbm>> -> memref<1x64xf32, #tpu.memory_space<hbm>>
    %dma_start3A_61 = tpu.memref_squeeze %dma_start3A_60 : memref<1x64xf32, #tpu.memory_space<hbm>> -> memref<64xf32, #tpu.memory_space<hbm>>
    tpu.enqueue_dma source(%dma_start3A_61 : memref<64xf32, #tpu.memory_space<hbm>>) target(%dma_start3A_58 : memref<64xf32, #tpu.memory_space<vmem>>) target_semaphore(%arg10 : memref<!tpu.dma_semaphore, #tpu.memory_space<semaphore_mem>>)
    %slice3A_62 = vector.extract_strided_slice %gather3A {offsets = [9], sizes = [1], strides = [1]} : vector<16xi32> to vector<1xi32>
    %squeeze3A_63 = vector.extract %slice3A_62[0] : i32 from vector<1xi32>
    %dma_start3A_64 = arith.constant 193 : i32
    %dma_start3A_65 = arith.constant 0 : i32
    %dma_start3A_66 = tpu.memref_slice %arg8[%dma_start3A_64, %dma_start3A_65] : memref<200x64xf32, #tpu.memory_space<vmem>> -> memref<1x64xf32, #tpu.memory_space<vmem>>
    %dma_start3A_67 = tpu.memref_squeeze %dma_start3A_66 : memref<1x64xf32, #tpu.memory_space<vmem>> -> memref<64xf32, #tpu.memory_space<vmem>>
    %dma_start3A_68 = arith.constant 0 : i32
    %dma_start3A_69 = tpu.memref_slice %arg4[%squeeze3A_63, %dma_start3A_68] : memref<1000000x64xf32, #tpu.memory_space<hbm>> -> memref<1x64xf32, #tpu.memory_space<hbm>>
    %dma_start3A_70 = tpu.memref_squeeze %dma_start3A_69 : memref<1x64xf32, #tpu.memory_space<hbm>> -> memref<64xf32, #tpu.memory_space<hbm>>
    %dma_start3A_71 = arith.constant 0 : i32
    %dma_start3A_72 = tpu.memref_slice %arg8[%dma_start3A_64, %dma_start3A_71] : memref<200x64xf32, #tpu.memory_space<vmem>> -> memref<1x64xf32, #tpu.memory_space<vmem>>
    %dma_start3A_73 = tpu.memref_squeeze %dma_start3A_72 : memref<1x64xf32, #tpu.memory_space<vmem>> -> memref<64xf32, #tpu.memory_space<vmem>>
    %dma_start3A_74 = arith.constant 0 : i32
    %dma_start3A_75 = tpu.memref_slice %arg4[%squeeze3A_63, %dma_start3A_74] : memref<1000000x64xf32, #tpu.memory_space<hbm>> -> memref<1x64xf32, #tpu.memory_space<hbm>>
    %dma_start3A_76 = tpu.memref_squeeze %dma_start3A_75 : memref<1x64xf32, #tpu.memory_space<hbm>> -> memref<64xf32, #tpu.memory_space<hbm>>
    tpu.enqueue_dma source(%dma_start3A_76 : memref<64xf32, #tpu.memory_space<hbm>>) target(%dma_start3A_73 : memref<64xf32, #tpu.memory_space<vmem>>) target_semaphore(%arg10 : memref<!tpu.dma_semaphore, #tpu.memory_space<semaphore_mem>>)
    %slice3A_77 = vector.extract_strided_slice %gather3A {offsets = [10], sizes = [1], strides = [1]} : vector<16xi32> to vector<1xi32>
    %squeeze3A_78 = vector.extract %slice3A_77[0] : i32 from vector<1xi32>
    %dma_start3A_79 = arith.constant 194 : i32
    %dma_start3A_80 = arith.constant 0 : i32
    %dma_start3A_81 = tpu.memref_slice %arg8[%dma_start3A_79, %dma_start3A_80] : memref<200x64xf32, #tpu.memory_space<vmem>> -> memref<1x64xf32, #tpu.memory_space<vmem>>
    %dma_start3A_82 = tpu.memref_squeeze %dma_start3A_81 : memref<1x64xf32, #tpu.memory_space<vmem>> -> memref<64xf32, #tpu.memory_space<vmem>>
    %dma_start3A_83 = arith.constant 0 : i32
    %dma_start3A_84 = tpu.memref_slice %arg4[%squeeze3A_78, %dma_start3A_83] : memref<1000000x64xf32, #tpu.memory_space<hbm>> -> memref<1x64xf32, #tpu.memory_space<hbm>>
    %dma_start3A_85 = tpu.memref_squeeze %dma_start3A_84 : memref<1x64xf32, #tpu.memory_space<hbm>> -> memref<64xf32, #tpu.memory_space<hbm>>
    %dma_start3A_86 = arith.constant 0 : i32
    %dma_start3A_87 = tpu.memref_slice %arg8[%dma_start3A_79, %dma_start3A_86] : memref<200x64xf32, #tpu.memory_space<vmem>> -> memref<1x64xf32, #tpu.memory_space<vmem>>
    %dma_start3A_88 = tpu.memref_squeeze %dma_start3A_87 : memref<1x64xf32, #tpu.memory_space<vmem>> -> memref<64xf32, #tpu.memory_space<vmem>>
    %dma_start3A_89 = arith.constant 0 : i32
    %dma_start3A_90 = tpu.memref_slice %arg4[%squeeze3A_78, %dma_start3A_89] : memref<1000000x64xf32, #tpu.memory_space<hbm>> -> memref<1x64xf32, #tpu.memory_space<hbm>>
    %dma_start3A_91 = tpu.memref_squeeze %dma_start3A_90 : memref<1x64xf32, #tpu.memory_space<hbm>> -> memref<64xf32, #tpu.memory_space<hbm>>
    tpu.enqueue_dma source(%dma_start3A_91 : memref<64xf32, #tpu.memory_space<hbm>>) target(%dma_start3A_88 : memref<64xf32, #tpu.memory_space<vmem>>) target_semaphore(%arg10 : memref<!tpu.dma_semaphore, #tpu.memory_space<semaphore_mem>>)
    %slice3A_92 = vector.extract_strided_slice %gather3A {offsets = [11], sizes = [1], strides = [1]} : vector<16xi32> to vector<1xi32>
    %squeeze3A_93 = vector.extract %slice3A_92[0] : i32 from vector<1xi32>
    %dma_start3A_94 = arith.constant 195 : i32
    %dma_start3A_95 = arith.constant 0 : i32
    %dma_start3A_96 = tpu.memref_slice %arg8[%dma_start3A_94, %dma_start3A_95] : memref<200x64xf32, #tpu.memory_space<vmem>> -> memref<1x64xf32, #tpu.memory_space<vmem>>
    %dma_start3A_97 = tpu.memref_squeeze %dma_start3A_96 : memref<1x64xf32, #tpu.memory_space<vmem>> -> memref<64xf32, #tpu.memory_space<vmem>>
    %dma_start3A_98 = arith.constant 0 : i32
    %dma_start3A_99 = tpu.memref_slice %arg4[%squeeze3A_93, %dma_start3A_98] : memref<1000000x64xf32, #tpu.memory_space<hbm>> -> memref<1x64xf32, #tpu.memory_space<hbm>>
    %dma_start3A_100 = tpu.memref_squeeze %dma_start3A_99 : memref<1x64xf32, #tpu.memory_space<hbm>> -> memref<64xf32, #tpu.memory_space<hbm>>
    %dma_start3A_101 = arith.constant 0 : i32
    %dma_start3A_102 = tpu.memref_slice %arg8[%dma_start3A_94, %dma_start3A_101] : memref<200x64xf32, #tpu.memory_space<vmem>> -> memref<1x64xf32, #tpu.memory_space<vmem>>
    %dma_start3A_103 = tpu.memref_squeeze %dma_start3A_102 : memref<1x64xf32, #tpu.memory_space<vmem>> -> memref<64xf32, #tpu.memory_space<vmem>>
    %dma_start3A_104 = arith.constant 0 : i32
    %dma_start3A_105 = tpu.memref_slice %arg4[%squeeze3A_93, %dma_start3A_104] : memref<1000000x64xf32, #tpu.memory_space<hbm>> -> memref<1x64xf32, #tpu.memory_space<hbm>>
    %dma_start3A_106 = tpu.memref_squeeze %dma_start3A_105 : memref<1x64xf32, #tpu.memory_space<hbm>> -> memref<64xf32, #tpu.memory_space<hbm>>
    tpu.enqueue_dma source(%dma_start3A_106 : memref<64xf32, #tpu.memory_space<hbm>>) target(%dma_start3A_103 : memref<64xf32, #tpu.memory_space<vmem>>) target_semaphore(%arg10 : memref<!tpu.dma_semaphore, #tpu.memory_space<semaphore_mem>>)
    %slice3A_107 = vector.extract_strided_slice %gather3A {offsets = [12], sizes = [1], strides = [1]} : vector<16xi32> to vector<1xi32>
    %squeeze3A_108 = vector.extract %slice3A_107[0] : i32 from vector<1xi32>
    %dma_start3A_109 = arith.constant 196 : i32
    %dma_start3A_110 = arith.constant 0 : i32
    %dma_start3A_111 = tpu.memref_slice %arg8[%dma_start3A_109, %dma_start3A_110] : memref<200x64xf32, #tpu.memory_space<vmem>> -> memref<1x64xf32, #tpu.memory_space<vmem>>
    %dma_start3A_112 = tpu.memref_squeeze %dma_start3A_111 : memref<1x64xf32, #tpu.memory_space<vmem>> -> memref<64xf32, #tpu.memory_space<vmem>>
    %dma_start3A_113 = arith.constant 0 : i32
    %dma_start3A_114 = tpu.memref_slice %arg4[%squeeze3A_108, %dma_start3A_113] : memref<1000000x64xf32, #tpu.memory_space<hbm>> -> memref<1x64xf32, #tpu.memory_space<hbm>>
    %dma_start3A_115 = tpu.memref_squeeze %dma_start3A_114 : memref<1x64xf32, #tpu.memory_space<hbm>> -> memref<64xf32, #tpu.memory_space<hbm>>
    %dma_start3A_116 = arith.constant 0 : i32
    %dma_start3A_117 = tpu.memref_slice %arg8[%dma_start3A_109, %dma_start3A_116] : memref<200x64xf32, #tpu.memory_space<vmem>> -> memref<1x64xf32, #tpu.memory_space<vmem>>
    %dma_start3A_118 = tpu.memref_squeeze %dma_start3A_117 : memref<1x64xf32, #tpu.memory_space<vmem>> -> memref<64xf32, #tpu.memory_space<vmem>>
    %dma_start3A_119 = arith.constant 0 : i32
    %dma_start3A_120 = tpu.memref_slice %arg4[%squeeze3A_108, %dma_start3A_119] : memref<1000000x64xf32, #tpu.memory_space<hbm>> -> memref<1x64xf32, #tpu.memory_space<hbm>>
    %dma_start3A_121 = tpu.memref_squeeze %dma_start3A_120 : memref<1x64xf32, #tpu.memory_space<hbm>> -> memref<64xf32, #tpu.memory_space<hbm>>
    tpu.enqueue_dma source(%dma_start3A_121 : memref<64xf32, #tpu.memory_space<hbm>>) target(%dma_start3A_118 : memref<64xf32, #tpu.memory_space<vmem>>) target_semaphore(%arg10 : memref<!tpu.dma_semaphore, #tpu.memory_space<semaphore_mem>>)
    %slice3A_122 = vector.extract_strided_slice %gather3A {offsets = [13], sizes = [1], strides = [1]} : vector<16xi32> to vector<1xi32>
    %squeeze3A_123 = vector.extract %slice3A_122[0] : i32 from vector<1xi32>
    %dma_start3A_124 = arith.constant 197 : i32
    %dma_start3A_125 = arith.constant 0 : i32
    %dma_start3A_126 = tpu.memref_slice %arg8[%dma_start3A_124, %dma_start3A_125] : memref<200x64xf32, #tpu.memory_space<vmem>> -> memref<1x64xf32, #tpu.memory_space<vmem>>
    %dma_start3A_127 = tpu.memref_squeeze %dma_start3A_126 : memref<1x64xf32, #tpu.memory_space<vmem>> -> memref<64xf32, #tpu.memory_space<vmem>>
    %dma_start3A_128 = arith.constant 0 : i32
    %dma_start3A_129 = tpu.memref_slice %arg4[%squeeze3A_123, %dma_start3A_128] : memref<1000000x64xf32, #tpu.memory_space<hbm>> -> memref<1x64xf32, #tpu.memory_space<hbm>>
    %dma_start3A_130 = tpu.memref_squeeze %dma_start3A_129 : memref<1x64xf32, #tpu.memory_space<hbm>> -> memref<64xf32, #tpu.memory_space<hbm>>
    %dma_start3A_131 = arith.constant 0 : i32
    %dma_start3A_132 = tpu.memref_slice %arg8[%dma_start3A_124, %dma_start3A_131] : memref<200x64xf32, #tpu.memory_space<vmem>> -> memref<1x64xf32, #tpu.memory_space<vmem>>
    %dma_start3A_133 = tpu.memref_squeeze %dma_start3A_132 : memref<1x64xf32, #tpu.memory_space<vmem>> -> memref<64xf32, #tpu.memory_space<vmem>>
    %dma_start3A_134 = arith.constant 0 : i32
    %dma_start3A_135 = tpu.memref_slice %arg4[%squeeze3A_123, %dma_start3A_134] : memref<1000000x64xf32, #tpu.memory_space<hbm>> -> memref<1x64xf32, #tpu.memory_space<hbm>>
    %dma_start3A_136 = tpu.memref_squeeze %dma_start3A_135 : memref<1x64xf32, #tpu.memory_space<hbm>> -> memref<64xf32, #tpu.memory_space<hbm>>
    tpu.enqueue_dma source(%dma_start3A_136 : memref<64xf32, #tpu.memory_space<hbm>>) target(%dma_start3A_133 : memref<64xf32, #tpu.memory_space<vmem>>) target_semaphore(%arg10 : memref<!tpu.dma_semaphore, #tpu.memory_space<semaphore_mem>>)
    %slice3A_137 = vector.extract_strided_slice %gather3A {offsets = [14], sizes = [1], strides = [1]} : vector<16xi32> to vector<1xi32>
    %squeeze3A_138 = vector.extract %slice3A_137[0] : i32 from vector<1xi32>
    %dma_start3A_139 = arith.constant 198 : i32
    %dma_start3A_140 = arith.constant 0 : i32
    %dma_start3A_141 = tpu.memref_slice %arg8[%dma_start3A_139, %dma_start3A_140] : memref<200x64xf32, #tpu.memory_space<vmem>> -> memref<1x64xf32, #tpu.memory_space<vmem>>
    %dma_start3A_142 = tpu.memref_squeeze %dma_start3A_141 : memref<1x64xf32, #tpu.memory_space<vmem>> -> memref<64xf32, #tpu.memory_space<vmem>>
    %dma_start3A_143 = arith.constant 0 : i32
    %dma_start3A_144 = tpu.memref_slice %arg4[%squeeze3A_138, %dma_start3A_143] : memref<1000000x64xf32, #tpu.memory_space<hbm>> -> memref<1x64xf32, #tpu.memory_space<hbm>>
    %dma_start3A_145 = tpu.memref_squeeze %dma_start3A_144 : memref<1x64xf32, #tpu.memory_space<hbm>> -> memref<64xf32, #tpu.memory_space<hbm>>
    %dma_start3A_146 = arith.constant 0 : i32
    %dma_start3A_147 = tpu.memref_slice %arg8[%dma_start3A_139, %dma_start3A_146] : memref<200x64xf32, #tpu.memory_space<vmem>> -> memref<1x64xf32, #tpu.memory_space<vmem>>
    %dma_start3A_148 = tpu.memref_squeeze %dma_start3A_147 : memref<1x64xf32, #tpu.memory_space<vmem>> -> memref<64xf32, #tpu.memory_space<vmem>>
    %dma_start3A_149 = arith.constant 0 : i32
    %dma_start3A_150 = tpu.memref_slice %arg4[%squeeze3A_138, %dma_start3A_149] : memref<1000000x64xf32, #tpu.memory_space<hbm>> -> memref<1x64xf32, #tpu.memory_space<hbm>>
    %dma_start3A_151 = tpu.memref_squeeze %dma_start3A_150 : memref<1x64xf32, #tpu.memory_space<hbm>> -> memref<64xf32, #tpu.memory_space<hbm>>
    tpu.enqueue_dma source(%dma_start3A_151 : memref<64xf32, #tpu.memory_space<hbm>>) target(%dma_start3A_148 : memref<64xf32, #tpu.memory_space<vmem>>) target_semaphore(%arg10 : memref<!tpu.dma_semaphore, #tpu.memory_space<semaphore_mem>>)
    %slice3A_152 = vector.extract_strided_slice %gather3A {offsets = [15], sizes = [1], strides = [1]} : vector<16xi32> to vector<1xi32>
    %squeeze3A_153 = vector.extract %slice3A_152[0] : i32 from vector<1xi32>
    %dma_start3A_154 = arith.constant 199 : i32
    %dma_start3A_155 = arith.constant 0 : i32
    %dma_start3A_156 = tpu.memref_slice %arg8[%dma_start3A_154, %dma_start3A_155] : memref<200x64xf32, #tpu.memory_space<vmem>> -> memref<1x64xf32, #tpu.memory_space<vmem>>
    %dma_start3A_157 = tpu.memref_squeeze %dma_start3A_156 : memref<1x64xf32, #tpu.memory_space<vmem>> -> memref<64xf32, #tpu.memory_space<vmem>>
    %dma_start3A_158 = arith.constant 0 : i32
    %dma_start3A_159 = tpu.memref_slice %arg4[%squeeze3A_153, %dma_start3A_158] : memref<1000000x64xf32, #tpu.memory_space<hbm>> -> memref<1x64xf32, #tpu.memory_space<hbm>>
    %dma_start3A_160 = tpu.memref_squeeze %dma_start3A_159 : memref<1x64xf32, #tpu.memory_space<hbm>> -> memref<64xf32, #tpu.memory_space<hbm>>
    %dma_start3A_161 = arith.constant 0 : i32
    %dma_start3A_162 = tpu.memref_slice %arg8[%dma_start3A_154, %dma_start3A_161] : memref<200x64xf32, #tpu.memory_space<vmem>> -> memref<1x64xf32, #tpu.memory_space<vmem>>
    %dma_start3A_163 = tpu.memref_squeeze %dma_start3A_162 : memref<1x64xf32, #tpu.memory_space<vmem>> -> memref<64xf32, #tpu.memory_space<vmem>>
    %dma_start3A_164 = arith.constant 0 : i32
    %dma_start3A_165 = tpu.memref_slice %arg4[%squeeze3A_153, %dma_start3A_164] : memref<1000000x64xf32, #tpu.memory_space<hbm>> -> memref<1x64xf32, #tpu.memory_space<hbm>>
    %dma_start3A_166 = tpu.memref_squeeze %dma_start3A_165 : memref<1x64xf32, #tpu.memory_space<hbm>> -> memref<64xf32, #tpu.memory_space<hbm>>
    tpu.enqueue_dma source(%dma_start3A_166 : memref<64xf32, #tpu.memory_space<hbm>>) target(%dma_start3A_163 : memref<64xf32, #tpu.memory_space<vmem>>) target_semaphore(%arg10 : memref<!tpu.dma_semaphore, #tpu.memory_space<semaphore_mem>>)
    %scan3A_167 = arith.constant 0 : i32
    %scan3A_168 = arith.constant 0 : i32
    %scan3A_169 = arith.constant 32 : i32
    %scan3A_170 = arith.addi %scan3A_168, %scan3A_169 : i32
    %scan3A_171 = arith.constant 1 : i32
    scf.for %scan3A_178 = %scan3A_168 to %scan3A_170 step %scan3A_171  : i32 {
      %jit3A_179 = arith.constant 2 : i32
      %eq3A_180 = arith.constant 0 : i32
      %eq3A_181 = arith.cmpi eq, %jit3A_179, %eq3A_180 : i32
      %jit3A_182 = arith.constant 1 : i32
      %select_n3A_183 = arith.select %eq3A_181, %jit3A_182, %jit3A_179 : i32
      %rem3A_184 = arith.remsi %scan3A_178, %select_n3A_183 : i32
      %ne3A_185 = arith.constant 0 : i32
      %ne3A_186 = arith.cmpi ne, %rem3A_184, %ne3A_185 : i32
      %lt3A_187 = arith.constant 0 : i32
      %lt3A_188 = arith.cmpi slt, %rem3A_184, %lt3A_187 : i32
      %lt3A_189 = arith.constant 0 : i32
      %lt3A_190 = arith.cmpi slt, %select_n3A_183, %lt3A_189 : i32
      %ne3A_191 = arith.xori %lt3A_188, %lt3A_190 : i1
      %and3A_192 = arith.andi %ne3A_191, %ne3A_186 : i1
      %add3A_193 = arith.addi %rem3A_184, %select_n3A_183 : i32
      %select_n3A_194 = arith.select %and3A_192, %add3A_193, %rem3A_184 : i32
      %eq3A_195 = arith.constant 0 : i32
      %eq3A_196 = arith.cmpi eq, %select_n3A_194, %eq3A_195 : i32
      %convert_element_type3A = arith.extui %eq3A_196 : i1 to i32
      %cond3A = arith.constant 0 : i32
      %cond3A_197 = arith.cmpi ne, %convert_element_type3A, %cond3A : i32
      scf.if %cond3A_197 {
        %ge3A = arith.constant 1 : i32
        %ge3A_219 = arith.cmpi sge, %scan3A_178, %ge3A : i32
        %convert_element_type3A_220 = arith.extui %ge3A_219 : i1 to i32
        %cond3A_221 = arith.constant 0 : i32
        %cond3A_222 = arith.cmpi ne, %convert_element_type3A_220, %cond3A_221 : i32
        scf.if %cond3A_222 {
          %dma_wait3A_247 = arith.constant 0 : i32
          %dma_wait3A_248 = arith.constant 0 : i32
          %dma_wait3A_249 = tpu.memref_slice %arg5[%dma_wait3A_247, %dma_wait3A_248] : memref<204800x64xf32, #tpu.memory_space<hbm>> -> memref<200x64xf32, #tpu.memory_space<hbm>>
          %dma_wait3A_250 = arith.constant 0 : i32
          %dma_wait3A_251 = arith.constant 0 : i32
          %dma_wait3A_252 = tpu.memref_slice %arg5[%dma_wait3A_250, %dma_wait3A_251] : memref<204800x64xf32, #tpu.memory_space<hbm>> -> memref<200x64xf32, #tpu.memory_space<hbm>>
          tpu.wait_dma2 semaphore(%arg13 : memref<!tpu.dma_semaphore, #tpu.memory_space<semaphore_mem>>) src(%arg9 : memref<200x64xf32, #tpu.memory_space<vmem>>) dst(%dma_wait3A_252 : memref<200x64xf32, #tpu.memory_space<hbm>>)
        } else {
        }
        %add3A_223 = arith.constant 1 : i32
        %add3A_224 = arith.addi %scan3A_178, %add3A_223 : i32
        %lt3A_225 = arith.constant 32 : i32
        %lt3A_226 = arith.cmpi slt, %add3A_224, %lt3A_225 : i32
        %convert_element_type3A_227 = arith.extui %lt3A_226 : i1 to i32
        %cond3A_228 = arith.constant 0 : i32
        %cond3A_229 = arith.cmpi ne, %convert_element_type3A_227, %cond3A_228 : i32
        scf.if %cond3A_229 {
          %add3A_247 = arith.constant 1 : i32
          %add3A_248 = arith.addi %scan3A_178, %add3A_247 : i32
          %mul3A_249 = arith.constant 0 : i32
          %mul3A_250 = vector.broadcast %mul3A_249 : i32 to vector<16xi32>
          %mul3A_251 = arith.muli %iota3A, %mul3A_250 : vector<16xi32>
          %add3A_252 = arith.addi %mul3A_34, %add3A_248 : i32
          %add3A_253 = vector.broadcast %add3A_252 : i32 to vector<16xi32>
          %add3A_254 = arith.addi %mul3A_251, %add3A_253 : vector<16xi32>
          %scan3A_255 = arith.constant 0 : i32
          %scan3A_256 = arith.constant 0 : i32
          %scan3A_257 = arith.constant 12 : i32
          %scan3A_258 = arith.addi %scan3A_256, %scan3A_257 : i32
          %scan3A_259 = arith.constant 1 : i32
          scf.for %scan3A_385 = %scan3A_256 to %scan3A_258 step %scan3A_259  : i32 {
            %mul3A_386 = arith.constant 16 : i32
            %mul3A_387 = arith.muli %scan3A_385, %mul3A_386 : i32
            %add3A_388 = vector.broadcast %mul3A_387 : i32 to vector<16xi32>
            %add3A_389 = arith.addi %add3A_388, %iota3A : vector<16xi32>
            %gather3A_390 = tpu.vector_load_idx %arg6[%add3A_389, %add3A_254] : memref<200x128xi32, #tpu.memory_space<vmem>>[vector<16xi32>, vector<16xi32>], vector<16xi32>,
            %mul3A_391 = arith.constant 16 : i32
            %mul3A_392 = arith.muli %scan3A_385, %mul3A_391 : i32
            %slice3A_393 = vector.extract_strided_slice %gather3A_390 {offsets = [0], sizes = [1], strides = [1]} : vector<16xi32> to vector<1xi32>
            %squeeze3A_394 = vector.extract %slice3A_393[0] : i32 from vector<1xi32>
            %add3A_395 = arith.constant 0 : i32
            %add3A_396 = arith.addi %mul3A_392, %add3A_395 : i32
            %dma_start3A_397 = arith.constant 0 : i32
            %dma_start3A_398 = tpu.memref_slice %arg9[%add3A_396, %dma_start3A_397] : memref<200x64xf32, #tpu.memory_space<vmem>> -> memref<1x64xf32, #tpu.memory_space<vmem>>
            %dma_start3A_399 = tpu.memref_squeeze %dma_start3A_398 : memref<1x64xf32, #tpu.memory_space<vmem>> -> memref<64xf32, #tpu.memory_space<vmem>>
            %dma_start3A_400 = arith.constant 0 : i32
            %dma_start3A_401 = tpu.memref_slice %arg4[%squeeze3A_394, %dma_start3A_400] : memref<1000000x64xf32, #tpu.memory_space<hbm>> -> memref<1x64xf32, #tpu.memory_space<hbm>>
            %dma_start3A_402 = tpu.memref_squeeze %dma_start3A_401 : memref<1x64xf32, #tpu.memory_space<hbm>> -> memref<64xf32, #tpu.memory_space<hbm>>
            %dma_start3A_403 = arith.constant 0 : i32
            %dma_start3A_404 = tpu.memref_slice %arg9[%add3A_396, %dma_start3A_403] : memref<200x64xf32, #tpu.memory_space<vmem>> -> memref<1x64xf32, #tpu.memory_space<vmem>>
            %dma_start3A_405 = tpu.memref_squeeze %dma_start3A_404 : memref<1x64xf32, #tpu.memory_space<vmem>> -> memref<64xf32, #tpu.memory_space<vmem>>
            %dma_start3A_406 = arith.constant 0 : i32
            %dma_start3A_407 = tpu.memref_slice %arg4[%squeeze3A_394, %dma_start3A_406] : memref<1000000x64xf32, #tpu.memory_space<hbm>> -> memref<1x64xf32, #tpu.memory_space<hbm>>
            %dma_start3A_408 = tpu.memref_squeeze %dma_start3A_407 : memref<1x64xf32, #tpu.memory_space<hbm>> -> memref<64xf32, #tpu.memory_space<hbm>>
            tpu.enqueue_dma source(%dma_start3A_408 : memref<64xf32, #tpu.memory_space<hbm>>) target(%dma_start3A_405 : memref<64xf32, #tpu.memory_space<vmem>>) target_semaphore(%arg11 : memref<!tpu.dma_semaphore, #tpu.memory_space<semaphore_mem>>)
            %slice3A_409 = vector.extract_strided_slice %gather3A_390 {offsets = [1], sizes = [1], strides = [1]} : vector<16xi32> to vector<1xi32>
            %squeeze3A_410 = vector.extract %slice3A_409[0] : i32 from vector<1xi32>
            %add3A_411 = arith.constant 1 : i32
            %add3A_412 = arith.addi %mul3A_392, %add3A_411 : i32
            %dma_start3A_413 = arith.constant 0 : i32
            %dma_start3A_414 = tpu.memref_slice %arg9[%add3A_412, %dma_start3A_413] : memref<200x64xf32, #tpu.memory_space<vmem>> -> memref<1x64xf32, #tpu.memory_space<vmem>>
            %dma_start3A_415 = tpu.memref_squeeze %dma_start3A_414 : memref<1x64xf32, #tpu.memory_space<vmem>> -> memref<64xf32, #tpu.memory_space<vmem>>
            %dma_start3A_416 = arith.constant 0 : i32
            %dma_start3A_417 = tpu.memref_slice %arg4[%squeeze3A_410, %dma_start3A_416] : memref<1000000x64xf32, #tpu.memory_space<hbm>> -> memref<1x64xf32, #tpu.memory_space<hbm>>
            %dma_start3A_418 = tpu.memref_squeeze %dma_start3A_417 : memref<1x64xf32, #tpu.memory_space<hbm>> -> memref<64xf32, #tpu.memory_space<hbm>>
            %dma_start3A_419 = arith.constant 0 : i32
            %dma_start3A_420 = tpu.memref_slice %arg9[%add3A_412, %dma_start3A_419] : memref<200x64xf32, #tpu.memory_space<vmem>> -> memref<1x64xf32, #tpu.memory_space<vmem>>
            %dma_start3A_421 = tpu.memref_squeeze %dma_start3A_420 : memref<1x64xf32, #tpu.memory_space<vmem>> -> memref<64xf32, #tpu.memory_space<vmem>>
            %dma_start3A_422 = arith.constant 0 : i32
            %dma_start3A_423 = tpu.memref_slice %arg4[%squeeze3A_410, %dma_start3A_422] : memref<1000000x64xf32, #tpu.memory_space<hbm>> -> memref<1x64xf32, #tpu.memory_space<hbm>>
            %dma_start3A_424 = tpu.memref_squeeze %dma_start3A_423 : memref<1x64xf32, #tpu.memory_space<hbm>> -> memref<64xf32, #tpu.memory_space<hbm>>
            tpu.enqueue_dma source(%dma_start3A_424 : memref<64xf32, #tpu.memory_space<hbm>>) target(%dma_start3A_421 : memref<64xf32, #tpu.memory_space<vmem>>) target_semaphore(%arg11 : memref<!tpu.dma_semaphore, #tpu.memory_space<semaphore_mem>>)
            %slice3A_425 = vector.extract_strided_slice %gather3A_390 {offsets = [2], sizes = [1], strides = [1]} : vector<16xi32> to vector<1xi32>
            %squeeze3A_426 = vector.extract %slice3A_425[0] : i32 from vector<1xi32>
            %add3A_427 = arith.constant 2 : i32
            %add3A_428 = arith.addi %mul3A_392, %add3A_427 : i32
            %dma_start3A_429 = arith.constant 0 : i32
            %dma_start3A_430 = tpu.memref_slice %arg9[%add3A_428, %dma_start3A_429] : memref<200x64xf32, #tpu.memory_space<vmem>> -> memref<1x64xf32, #tpu.memory_space<vmem>>
            %dma_start3A_431 = tpu.memref_squeeze %dma_start3A_430 : memref<1x64xf32, #tpu.memory_space<vmem>> -> memref<64xf32, #tpu.memory_space<vmem>>
            %dma_start3A_432 = arith.constant 0 : i32
            %dma_start3A_433 = tpu.memref_slice %arg4[%squeeze3A_426, %dma_start3A_432] : memref<1000000x64xf32, #tpu.memory_space<hbm>> -> memref<1x64xf32, #tpu.memory_space<hbm>>
            %dma_start3A_434 = tpu.memref_squeeze %dma_start3A_433 : memref<1x64xf32, #tpu.memory_space<hbm>> -> memref<64xf32, #tpu.memory_space<hbm>>
            %dma_start3A_435 = arith.constant 0 : i32
            %dma_start3A_436 = tpu.memref_slice %arg9[%add3A_428, %dma_start3A_435] : memref<200x64xf32, #tpu.memory_space<vmem>> -> memref<1x64xf32, #tpu.memory_space<vmem>>
            %dma_start3A_437 = tpu.memref_squeeze %dma_start3A_436 : memref<1x64xf32, #tpu.memory_space<vmem>> -> memref<64xf32, #tpu.memory_space<vmem>>
            %dma_start3A_438 = arith.constant 0 : i32
            %dma_start3A_439 = tpu.memref_slice %arg4[%squeeze3A_426, %dma_start3A_438] : memref<1000000x64xf32, #tpu.memory_space<hbm>> -> memref<1x64xf32, #tpu.memory_space<hbm>>
            %dma_start3A_440 = tpu.memref_squeeze %dma_start3A_439 : memref<1x64xf32, #tpu.memory_space<hbm>> -> memref<64xf32, #tpu.memory_space<hbm>>
            tpu.enqueue_dma source(%dma_start3A_440 : memref<64xf32, #tpu.memory_space<hbm>>) target(%dma_start3A_437 : memref<64xf32, #tpu.memory_space<vmem>>) target_semaphore(%arg11 : memref<!tpu.dma_semaphore, #tpu.memory_space<semaphore_mem>>)
            %slice3A_441 = vector.extract_strided_slice %gather3A_390 {offsets = [3], sizes = [1], strides = [1]} : vector<16xi32> to vector<1xi32>
            %squeeze3A_442 = vector.extract %slice3A_441[0] : i32 from vector<1xi32>
            %add3A_443 = arith.constant 3 : i32
            %add3A_444 = arith.addi %mul3A_392, %add3A_443 : i32
            %dma_start3A_445 = arith.constant 0 : i32
            %dma_start3A_446 = tpu.memref_slice %arg9[%add3A_444, %dma_start3A_445] : memref<200x64xf32, #tpu.memory_space<vmem>> -> memref<1x64xf32, #tpu.memory_space<vmem>>
            %dma_start3A_447 = tpu.memref_squeeze %dma_start3A_446 : memref<1x64xf32, #tpu.memory_space<vmem>> -> memref<64xf32, #tpu.memory_space<vmem>>
            %dma_start3A_448 = arith.constant 0 : i32
            %dma_start3A_449 = tpu.memref_slice %arg4[%squeeze3A_442, %dma_start3A_448] : memref<1000000x64xf32, #tpu.memory_space<hbm>> -> memref<1x64xf32, #tpu.memory_space<hbm>>
            %dma_start3A_450 = tpu.memref_squeeze %dma_start3A_449 : memref<1x64xf32, #tpu.memory_space<hbm>> -> memref<64xf32, #tpu.memory_space<hbm>>
            %dma_start3A_451 = arith.constant 0 : i32
            %dma_start3A_452 = tpu.memref_slice %arg9[%add3A_444, %dma_start3A_451] : memref<200x64xf32, #tpu.memory_space<vmem>> -> memref<1x64xf32, #tpu.memory_space<vmem>>
            %dma_start3A_453 = tpu.memref_squeeze %dma_start3A_452 : memref<1x64xf32, #tpu.memory_space<vmem>> -> memref<64xf32, #tpu.memory_space<vmem>>
            %dma_start3A_454 = arith.constant 0 : i32
            %dma_start3A_455 = tpu.memref_slice %arg4[%squeeze3A_442, %dma_start3A_454] : memref<1000000x64xf32, #tpu.memory_space<hbm>> -> memref<1x64xf32, #tpu.memory_space<hbm>>
            %dma_start3A_456 = tpu.memref_squeeze %dma_start3A_455 : memref<1x64xf32, #tpu.memory_space<hbm>> -> memref<64xf32, #tpu.memory_space<hbm>>
            tpu.enqueue_dma source(%dma_start3A_456 : memref<64xf32, #tpu.memory_space<hbm>>) target(%dma_start3A_453 : memref<64xf32, #tpu.memory_space<vmem>>) target_semaphore(%arg11 : memref<!tpu.dma_semaphore, #tpu.memory_space<semaphore_mem>>)
            %slice3A_457 = vector.extract_strided_slice %gather3A_390 {offsets = [4], sizes = [1], strides = [1]} : vector<16xi32> to vector<1xi32>
            %squeeze3A_458 = vector.extract %slice3A_457[0] : i32 from vector<1xi32>
            %add3A_459 = arith.constant 4 : i32
            %add3A_460 = arith.addi %mul3A_392, %add3A_459 : i32
            %dma_start3A_461 = arith.constant 0 : i32
            %dma_start3A_462 = tpu.memref_slice %arg9[%add3A_460, %dma_start3A_461] : memref<200x64xf32, #tpu.memory_space<vmem>> -> memref<1x64xf32, #tpu.memory_space<vmem>>
            %dma_start3A_463 = tpu.memref_squeeze %dma_start3A_462 : memref<1x64xf32, #tpu.memory_space<vmem>> -> memref<64xf32, #tpu.memory_space<vmem>>
            %dma_start3A_464 = arith.constant 0 : i32
            %dma_start3A_465 = tpu.memref_slice %arg4[%squeeze3A_458, %dma_start3A_464] : memref<1000000x64xf32, #tpu.memory_space<hbm>> -> memref<1x64xf32, #tpu.memory_space<hbm>>
            %dma_start3A_466 = tpu.memref_squeeze %dma_start3A_465 : memref<1x64xf32, #tpu.memory_space<hbm>> -> memref<64xf32, #tpu.memory_space<hbm>>
            %dma_start3A_467 = arith.constant 0 : i32
            %dma_start3A_468 = tpu.memref_slice %arg9[%add3A_460, %dma_start3A_467] : memref<200x64xf32, #tpu.memory_space<vmem>> -> memref<1x64xf32, #tpu.memory_space<vmem>>
            %dma_start3A_469 = tpu.memref_squeeze %dma_start3A_468 : memref<1x64xf32, #tpu.memory_space<vmem>> -> memref<64xf32, #tpu.memory_space<vmem>>
            %dma_start3A_470 = arith.constant 0 : i32
            %dma_start3A_471 = tpu.memref_slice %arg4[%squeeze3A_458, %dma_start3A_470] : memref<1000000x64xf32, #tpu.memory_space<hbm>> -> memref<1x64xf32, #tpu.memory_space<hbm>>
            %dma_start3A_472 = tpu.memref_squeeze %dma_start3A_471 : memref<1x64xf32, #tpu.memory_space<hbm>> -> memref<64xf32, #tpu.memory_space<hbm>>
            tpu.enqueue_dma source(%dma_start3A_472 : memref<64xf32, #tpu.memory_space<hbm>>) target(%dma_start3A_469 : memref<64xf32, #tpu.memory_space<vmem>>) target_semaphore(%arg11 : memref<!tpu.dma_semaphore, #tpu.memory_space<semaphore_mem>>)
            %slice3A_473 = vector.extract_strided_slice %gather3A_390 {offsets = [5], sizes = [1], strides = [1]} : vector<16xi32> to vector<1xi32>
            %squeeze3A_474 = vector.extract %slice3A_473[0] : i32 from vector<1xi32>
            %add3A_475 = arith.constant 5 : i32
            %add3A_476 = arith.addi %mul3A_392, %add3A_475 : i32
            %dma_start3A_477 = arith.constant 0 : i32
            %dma_start3A_478 = tpu.memref_slice %arg9[%add3A_476, %dma_start3A_477] : memref<200x64xf32, #tpu.memory_space<vmem>> -> memref<1x64xf32, #tpu.memory_space<vmem>>
            %dma_start3A_479 = tpu.memref_squeeze %dma_start3A_478 : memref<1x64xf32, #tpu.memory_space<vmem>> -> memref<64xf32, #tpu.memory_space<vmem>>
            %dma_start3A_480 = arith.constant 0 : i32
            %dma_start3A_481 = tpu.memref_slice %arg4[%squeeze3A_474, %dma_start3A_480] : memref<1000000x64xf32, #tpu.memory_space<hbm>> -> memref<1x64xf32, #tpu.memory_space<hbm>>
            %dma_start3A_482 = tpu.memref_squeeze %dma_start3A_481 : memref<1x64xf32, #tpu.memory_space<hbm>> -> memref<64xf32, #tpu.memory_space<hbm>>
            %dma_start3A_483 = arith.constant 0 : i32
            %dma_start3A_484 = tpu.memref_slice %arg9[%add3A_476, %dma_start3A_483] : memref<200x64xf32, #tpu.memory_space<vmem>> -> memref<1x64xf32, #tpu.memory_space<vmem>>
            %dma_start3A_485 = tpu.memref_squeeze %dma_start3A_484 : memref<1x64xf32, #tpu.memory_space<vmem>> -> memref<64xf32, #tpu.memory_space<vmem>>
            %dma_start3A_486 = arith.constant 0 : i32
            %dma_start3A_487 = tpu.memref_slice %arg4[%squeeze3A_474, %dma_start3A_486] : memref<1000000x64xf32, #tpu.memory_space<hbm>> -> memref<1x64xf32, #tpu.memory_space<hbm>>
            %dma_start3A_488 = tpu.memref_squeeze %dma_start3A_487 : memref<1x64xf32, #tpu.memory_space<hbm>> -> memref<64xf32, #tpu.memory_space<hbm>>
            tpu.enqueue_dma source(%dma_start3A_488 : memref<64xf32, #tpu.memory_space<hbm>>) target(%dma_start3A_485 : memref<64xf32, #tpu.memory_space<vmem>>) target_semaphore(%arg11 : memref<!tpu.dma_semaphore, #tpu.memory_space<semaphore_mem>>)
            %slice3A_489 = vector.extract_strided_slice %gather3A_390 {offsets = [6], sizes = [1], strides = [1]} : vector<16xi32> to vector<1xi32>
            %squeeze3A_490 = vector.extract %slice3A_489[0] : i32 from vector<1xi32>
            %add3A_491 = arith.constant 6 : i32
            %add3A_492 = arith.addi %mul3A_392, %add3A_491 : i32
            %dma_start3A_493 = arith.constant 0 : i32
            %dma_start3A_494 = tpu.memref_slice %arg9[%add3A_492, %dma_start3A_493] : memref<200x64xf32, #tpu.memory_space<vmem>> -> memref<1x64xf32, #tpu.memory_space<vmem>>
            %dma_start3A_495 = tpu.memref_squeeze %dma_start3A_494 : memref<1x64xf32, #tpu.memory_space<vmem>> -> memref<64xf32, #tpu.memory_space<vmem>>
            %dma_start3A_496 = arith.constant 0 : i32
            %dma_start3A_497 = tpu.memref_slice %arg4[%squeeze3A_490, %dma_start3A_496] : memref<1000000x64xf32, #tpu.memory_space<hbm>> -> memref<1x64xf32, #tpu.memory_space<hbm>>
            %dma_start3A_498 = tpu.memref_squeeze %dma_start3A_497 : memref<1x64xf32, #tpu.memory_space<hbm>> -> memref<64xf32, #tpu.memory_space<hbm>>
            %dma_start3A_499 = arith.constant 0 : i32
            %dma_start3A_500 = tpu.memref_slice %arg9[%add3A_492, %dma_start3A_499] : memref<200x64xf32, #tpu.memory_space<vmem>> -> memref<1x64xf32, #tpu.memory_space<vmem>>
            %dma_start3A_501 = tpu.memref_squeeze %dma_start3A_500 : memref<1x64xf32, #tpu.memory_space<vmem>> -> memref<64xf32, #tpu.memory_space<vmem>>
            %dma_start3A_502 = arith.constant 0 : i32
            %dma_start3A_503 = tpu.memref_slice %arg4[%squeeze3A_490, %dma_start3A_502] : memref<1000000x64xf32, #tpu.memory_space<hbm>> -> memref<1x64xf32, #tpu.memory_space<hbm>>
            %dma_start3A_504 = tpu.memref_squeeze %dma_start3A_503 : memref<1x64xf32, #tpu.memory_space<hbm>> -> memref<64xf32, #tpu.memory_space<hbm>>
            tpu.enqueue_dma source(%dma_start3A_504 : memref<64xf32, #tpu.memory_space<hbm>>) target(%dma_start3A_501 : memref<64xf32, #tpu.memory_space<vmem>>) target_semaphore(%arg11 : memref<!tpu.dma_semaphore, #tpu.memory_space<semaphore_mem>>)
            %slice3A_505 = vector.extract_strided_slice %gather3A_390 {offsets = [7], sizes = [1], strides = [1]} : vector<16xi32> to vector<1xi32>
            %squeeze3A_506 = vector.extract %slice3A_505[0] : i32 from vector<1xi32>
            %add3A_507 = arith.constant 7 : i32
            %add3A_508 = arith.addi %mul3A_392, %add3A_507 : i32
            %dma_start3A_509 = arith.constant 0 : i32
            %dma_start3A_510 = tpu.memref_slice %arg9[%add3A_508, %dma_start3A_509] : memref<200x64xf32, #tpu.memory_space<vmem>> -> memref<1x64xf32, #tpu.memory_space<vmem>>
            %dma_start3A_511 = tpu.memref_squeeze %dma_start3A_510 : memref<1x64xf32, #tpu.memory_space<vmem>> -> memref<64xf32, #tpu.memory_space<vmem>>
            %dma_start3A_512 = arith.constant 0 : i32
            %dma_start3A_513 = tpu.memref_slice %arg4[%squeeze3A_506, %dma_start3A_512] : memref<1000000x64xf32, #tpu.memory_space<hbm>> -> memref<1x64xf32, #tpu.memory_space<hbm>>
            %dma_start3A_514 = tpu.memref_squeeze %dma_start3A_513 : memref<1x64xf32, #tpu.memory_space<hbm>> -> memref<64xf32, #tpu.memory_space<hbm>>
            %dma_start3A_515 = arith.constant 0 : i32
            %dma_start3A_516 = tpu.memref_slice %arg9[%add3A_508, %dma_start3A_515] : memref<200x64xf32, #tpu.memory_space<vmem>> -> memref<1x64xf32, #tpu.memory_space<vmem>>
            %dma_start3A_517 = tpu.memref_squeeze %dma_start3A_516 : memref<1x64xf32, #tpu.memory_space<vmem>> -> memref<64xf32, #tpu.memory_space<vmem>>
            %dma_start3A_518 = arith.constant 0 : i32
            %dma_start3A_519 = tpu.memref_slice %arg4[%squeeze3A_506, %dma_start3A_518] : memref<1000000x64xf32, #tpu.memory_space<hbm>> -> memref<1x64xf32, #tpu.memory_space<hbm>>
            %dma_start3A_520 = tpu.memref_squeeze %dma_start3A_519 : memref<1x64xf32, #tpu.memory_space<hbm>> -> memref<64xf32, #tpu.memory_space<hbm>>
            tpu.enqueue_dma source(%dma_start3A_520 : memref<64xf32, #tpu.memory_space<hbm>>) target(%dma_start3A_517 : memref<64xf32, #tpu.memory_space<vmem>>) target_semaphore(%arg11 : memref<!tpu.dma_semaphore, #tpu.memory_space<semaphore_mem>>)
            %slice3A_521 = vector.extract_strided_slice %gather3A_390 {offsets = [8], sizes = [1], strides = [1]} : vector<16xi32> to vector<1xi32>
            %squeeze3A_522 = vector.extract %slice3A_521[0] : i32 from vector<1xi32>
            %add3A_523 = arith.constant 8 : i32
            %add3A_524 = arith.addi %mul3A_392, %add3A_523 : i32
            %dma_start3A_525 = arith.constant 0 : i32
            %dma_start3A_526 = tpu.memref_slice %arg9[%add3A_524, %dma_start3A_525] : memref<200x64xf32, #tpu.memory_space<vmem>> -> memref<1x64xf32, #tpu.memory_space<vmem>>
            %dma_start3A_527 = tpu.memref_squeeze %dma_start3A_526 : memref<1x64xf32, #tpu.memory_space<vmem>> -> memref<64xf32, #tpu.memory_space<vmem>>
            %dma_start3A_528 = arith.constant 0 : i32
            %dma_start3A_529 = tpu.memref_slice %arg4[%squeeze3A_522, %dma_start3A_528] : memref<1000000x64xf32, #tpu.memory_space<hbm>> -> memref<1x64xf32, #tpu.memory_space<hbm>>
            %dma_start3A_530 = tpu.memref_squeeze %dma_start3A_529 : memref<1x64xf32, #tpu.memory_space<hbm>> -> memref<64xf32, #tpu.memory_space<hbm>>
            %dma_start3A_531 = arith.constant 0 : i32
            %dma_start3A_532 = tpu.memref_slice %arg9[%add3A_524, %dma_start3A_531] : memref<200x64xf32, #tpu.memory_space<vmem>> -> memref<1x64xf32, #tpu.memory_space<vmem>>
            %dma_start3A_533 = tpu.memref_squeeze %dma_start3A_532 : memref<1x64xf32, #tpu.memory_space<vmem>> -> memref<64xf32, #tpu.memory_space<vmem>>
            %dma_start3A_534 = arith.constant 0 : i32
            %dma_start3A_535 = tpu.memref_slice %arg4[%squeeze3A_522, %dma_start3A_534] : memref<1000000x64xf32, #tpu.memory_space<hbm>> -> memref<1x64xf32, #tpu.memory_space<hbm>>
            %dma_start3A_536 = tpu.memref_squeeze %dma_start3A_535 : memref<1x64xf32, #tpu.memory_space<hbm>> -> memref<64xf32, #tpu.memory_space<hbm>>
            tpu.enqueue_dma source(%dma_start3A_536 : memref<64xf32, #tpu.memory_space<hbm>>) target(%dma_start3A_533 : memref<64xf32, #tpu.memory_space<vmem>>) target_semaphore(%arg11 : memref<!tpu.dma_semaphore, #tpu.memory_space<semaphore_mem>>)
            %slice3A_537 = vector.extract_strided_slice %gather3A_390 {offsets = [9], sizes = [1], strides = [1]} : vector<16xi32> to vector<1xi32>
            %squeeze3A_538 = vector.extract %slice3A_537[0] : i32 from vector<1xi32>
            %add3A_539 = arith.constant 9 : i32
            %add3A_540 = arith.addi %mul3A_392, %add3A_539 : i32
            %dma_start3A_541 = arith.constant 0 : i32
            %dma_start3A_542 = tpu.memref_slice %arg9[%add3A_540, %dma_start3A_541] : memref<200x64xf32, #tpu.memory_space<vmem>> -> memref<1x64xf32, #tpu.memory_space<vmem>>
            %dma_start3A_543 = tpu.memref_squeeze %dma_start3A_542 : memref<1x64xf32, #tpu.memory_space<vmem>> -> memref<64xf32, #tpu.memory_space<vmem>>
            %dma_start3A_544 = arith.constant 0 : i32
            %dma_start3A_545 = tpu.memref_slice %arg4[%squeeze3A_538, %dma_start3A_544] : memref<1000000x64xf32, #tpu.memory_space<hbm>> -> memref<1x64xf32, #tpu.memory_space<hbm>>
            %dma_start3A_546 = tpu.memref_squeeze %dma_start3A_545 : memref<1x64xf32, #tpu.memory_space<hbm>> -> memref<64xf32, #tpu.memory_space<hbm>>
            %dma_start3A_547 = arith.constant 0 : i32
            %dma_start3A_548 = tpu.memref_slice %arg9[%add3A_540, %dma_start3A_547] : memref<200x64xf32, #tpu.memory_space<vmem>> -> memref<1x64xf32, #tpu.memory_space<vmem>>
            %dma_start3A_549 = tpu.memref_squeeze %dma_start3A_548 : memref<1x64xf32, #tpu.memory_space<vmem>> -> memref<64xf32, #tpu.memory_space<vmem>>
            %dma_start3A_550 = arith.constant 0 : i32
            %dma_start3A_551 = tpu.memref_slice %arg4[%squeeze3A_538, %dma_start3A_550] : memref<1000000x64xf32, #tpu.memory_space<hbm>> -> memref<1x64xf32, #tpu.memory_space<hbm>>
            %dma_start3A_552 = tpu.memref_squeeze %dma_start3A_551 : memref<1x64xf32, #tpu.memory_space<hbm>> -> memref<64xf32, #tpu.memory_space<hbm>>
            tpu.enqueue_dma source(%dma_start3A_552 : memref<64xf32, #tpu.memory_space<hbm>>) target(%dma_start3A_549 : memref<64xf32, #tpu.memory_space<vmem>>) target_semaphore(%arg11 : memref<!tpu.dma_semaphore, #tpu.memory_space<semaphore_mem>>)
            %slice3A_553 = vector.extract_strided_slice %gather3A_390 {offsets = [10], sizes = [1], strides = [1]} : vector<16xi32> to vector<1xi32>
            %squeeze3A_554 = vector.extract %slice3A_553[0] : i32 from vector<1xi32>
            %add3A_555 = arith.constant 10 : i32
            %add3A_556 = arith.addi %mul3A_392, %add3A_555 : i32
            %dma_start3A_557 = arith.constant 0 : i32
            %dma_start3A_558 = tpu.memref_slice %arg9[%add3A_556, %dma_start3A_557] : memref<200x64xf32, #tpu.memory_space<vmem>> -> memref<1x64xf32, #tpu.memory_space<vmem>>
            %dma_start3A_559 = tpu.memref_squeeze %dma_start3A_558 : memref<1x64xf32, #tpu.memory_space<vmem>> -> memref<64xf32, #tpu.memory_space<vmem>>
            %dma_start3A_560 = arith.constant 0 : i32
            %dma_start3A_561 = tpu.memref_slice %arg4[%squeeze3A_554, %dma_start3A_560] : memref<1000000x64xf32, #tpu.memory_space<hbm>> -> memref<1x64xf32, #tpu.memory_space<hbm>>
            %dma_start3A_562 = tpu.memref_squeeze %dma_start3A_561 : memref<1x64xf32, #tpu.memory_space<hbm>> -> memref<64xf32, #tpu.memory_space<hbm>>
            %dma_start3A_563 = arith.constant 0 : i32
            %dma_start3A_564 = tpu.memref_slice %arg9[%add3A_556, %dma_start3A_563] : memref<200x64xf32, #tpu.memory_space<vmem>> -> memref<1x64xf32, #tpu.memory_space<vmem>>
            %dma_start3A_565 = tpu.memref_squeeze %dma_start3A_564 : memref<1x64xf32, #tpu.memory_space<vmem>> -> memref<64xf32, #tpu.memory_space<vmem>>
            %dma_start3A_566 = arith.constant 0 : i32
            %dma_start3A_567 = tpu.memref_slice %arg4[%squeeze3A_554, %dma_start3A_566] : memref<1000000x64xf32, #tpu.memory_space<hbm>> -> memref<1x64xf32, #tpu.memory_space<hbm>>
            %dma_start3A_568 = tpu.memref_squeeze %dma_start3A_567 : memref<1x64xf32, #tpu.memory_space<hbm>> -> memref<64xf32, #tpu.memory_space<hbm>>
            tpu.enqueue_dma source(%dma_start3A_568 : memref<64xf32, #tpu.memory_space<hbm>>) target(%dma_start3A_565 : memref<64xf32, #tpu.memory_space<vmem>>) target_semaphore(%arg11 : memref<!tpu.dma_semaphore, #tpu.memory_space<semaphore_mem>>)
            %slice3A_569 = vector.extract_strided_slice %gather3A_390 {offsets = [11], sizes = [1], strides = [1]} : vector<16xi32> to vector<1xi32>
            %squeeze3A_570 = vector.extract %slice3A_569[0] : i32 from vector<1xi32>
            %add3A_571 = arith.constant 11 : i32
            %add3A_572 = arith.addi %mul3A_392, %add3A_571 : i32
            %dma_start3A_573 = arith.constant 0 : i32
            %dma_start3A_574 = tpu.memref_slice %arg9[%add3A_572, %dma_start3A_573] : memref<200x64xf32, #tpu.memory_space<vmem>> -> memref<1x64xf32, #tpu.memory_space<vmem>>
            %dma_start3A_575 = tpu.memref_squeeze %dma_start3A_574 : memref<1x64xf32, #tpu.memory_space<vmem>> -> memref<64xf32, #tpu.memory_space<vmem>>
            %dma_start3A_576 = arith.constant 0 : i32
            %dma_start3A_577 = tpu.memref_slice %arg4[%squeeze3A_570, %dma_start3A_576] : memref<1000000x64xf32, #tpu.memory_space<hbm>> -> memref<1x64xf32, #tpu.memory_space<hbm>>
            %dma_start3A_578 = tpu.memref_squeeze %dma_start3A_577 : memref<1x64xf32, #tpu.memory_space<hbm>> -> memref<64xf32, #tpu.memory_space<hbm>>
            %dma_start3A_579 = arith.constant 0 : i32
            %dma_start3A_580 = tpu.memref_slice %arg9[%add3A_572, %dma_start3A_579] : memref<200x64xf32, #tpu.memory_space<vmem>> -> memref<1x64xf32, #tpu.memory_space<vmem>>
            %dma_start3A_581 = tpu.memref_squeeze %dma_start3A_580 : memref<1x64xf32, #tpu.memory_space<vmem>> -> memref<64xf32, #tpu.memory_space<vmem>>
            %dma_start3A_582 = arith.constant 0 : i32
            %dma_start3A_583 = tpu.memref_slice %arg4[%squeeze3A_570, %dma_start3A_582] : memref<1000000x64xf32, #tpu.memory_space<hbm>> -> memref<1x64xf32, #tpu.memory_space<hbm>>
            %dma_start3A_584 = tpu.memref_squeeze %dma_start3A_583 : memref<1x64xf32, #tpu.memory_space<hbm>> -> memref<64xf32, #tpu.memory_space<hbm>>
            tpu.enqueue_dma source(%dma_start3A_584 : memref<64xf32, #tpu.memory_space<hbm>>) target(%dma_start3A_581 : memref<64xf32, #tpu.memory_space<vmem>>) target_semaphore(%arg11 : memref<!tpu.dma_semaphore, #tpu.memory_space<semaphore_mem>>)
            %slice3A_585 = vector.extract_strided_slice %gather3A_390 {offsets = [12], sizes = [1], strides = [1]} : vector<16xi32> to vector<1xi32>
            %squeeze3A_586 = vector.extract %slice3A_585[0] : i32 from vector<1xi32>
            %add3A_587 = arith.constant 12 : i32
            %add3A_588 = arith.addi %mul3A_392, %add3A_587 : i32
            %dma_start3A_589 = arith.constant 0 : i32
            %dma_start3A_590 = tpu.memref_slice %arg9[%add3A_588, %dma_start3A_589] : memref<200x64xf32, #tpu.memory_space<vmem>> -> memref<1x64xf32, #tpu.memory_space<vmem>>
            %dma_start3A_591 = tpu.memref_squeeze %dma_start3A_590 : memref<1x64xf32, #tpu.memory_space<vmem>> -> memref<64xf32, #tpu.memory_space<vmem>>
            %dma_start3A_592 = arith.constant 0 : i32
            %dma_start3A_593 = tpu.memref_slice %arg4[%squeeze3A_586, %dma_start3A_592] : memref<1000000x64xf32, #tpu.memory_space<hbm>> -> memref<1x64xf32, #tpu.memory_space<hbm>>
            %dma_start3A_594 = tpu.memref_squeeze %dma_start3A_593 : memref<1x64xf32, #tpu.memory_space<hbm>> -> memref<64xf32, #tpu.memory_space<hbm>>
            %dma_start3A_595 = arith.constant 0 : i32
            %dma_start3A_596 = tpu.memref_slice %arg9[%add3A_588, %dma_start3A_595] : memref<200x64xf32, #tpu.memory_space<vmem>> -> memref<1x64xf32, #tpu.memory_space<vmem>>
            %dma_start3A_597 = tpu.memref_squeeze %dma_start3A_596 : memref<1x64xf32, #tpu.memory_space<vmem>> -> memref<64xf32, #tpu.memory_space<vmem>>
            %dma_start3A_598 = arith.constant 0 : i32
            %dma_start3A_599 = tpu.memref_slice %arg4[%squeeze3A_586, %dma_start3A_598] : memref<1000000x64xf32, #tpu.memory_space<hbm>> -> memref<1x64xf32, #tpu.memory_space<hbm>>
            %dma_start3A_600 = tpu.memref_squeeze %dma_start3A_599 : memref<1x64xf32, #tpu.memory_space<hbm>> -> memref<64xf32, #tpu.memory_space<hbm>>
            tpu.enqueue_dma source(%dma_start3A_600 : memref<64xf32, #tpu.memory_space<hbm>>) target(%dma_start3A_597 : memref<64xf32, #tpu.memory_space<vmem>>) target_semaphore(%arg11 : memref<!tpu.dma_semaphore, #tpu.memory_space<semaphore_mem>>)
            %slice3A_601 = vector.extract_strided_slice %gather3A_390 {offsets = [13], sizes = [1], strides = [1]} : vector<16xi32> to vector<1xi32>
            %squeeze3A_602 = vector.extract %slice3A_601[0] : i32 from vector<1xi32>
            %add3A_603 = arith.constant 13 : i32
            %add3A_604 = arith.addi %mul3A_392, %add3A_603 : i32
            %dma_start3A_605 = arith.constant 0 : i32
            %dma_start3A_606 = tpu.memref_slice %arg9[%add3A_604, %dma_start3A_605] : memref<200x64xf32, #tpu.memory_space<vmem>> -> memref<1x64xf32, #tpu.memory_space<vmem>>
            %dma_start3A_607 = tpu.memref_squeeze %dma_start3A_606 : memref<1x64xf32, #tpu.memory_space<vmem>> -> memref<64xf32, #tpu.memory_space<vmem>>
            %dma_start3A_608 = arith.constant 0 : i32
            %dma_start3A_609 = tpu.memref_slice %arg4[%squeeze3A_602, %dma_start3A_608] : memref<1000000x64xf32, #tpu.memory_space<hbm>> -> memref<1x64xf32, #tpu.memory_space<hbm>>
            %dma_start3A_610 = tpu.memref_squeeze %dma_start3A_609 : memref<1x64xf32, #tpu.memory_space<hbm>> -> memref<64xf32, #tpu.memory_space<hbm>>
            %dma_start3A_611 = arith.constant 0 : i32
            %dma_start3A_612 = tpu.memref_slice %arg9[%add3A_604, %dma_start3A_611] : memref<200x64xf32, #tpu.memory_space<vmem>> -> memref<1x64xf32, #tpu.memory_space<vmem>>
            %dma_start3A_613 = tpu.memref_squeeze %dma_start3A_612 : memref<1x64xf32, #tpu.memory_space<vmem>> -> memref<64xf32, #tpu.memory_space<vmem>>
            %dma_start3A_614 = arith.constant 0 : i32
            %dma_start3A_615 = tpu.memref_slice %arg4[%squeeze3A_602, %dma_start3A_614] : memref<1000000x64xf32, #tpu.memory_space<hbm>> -> memref<1x64xf32, #tpu.memory_space<hbm>>
            %dma_start3A_616 = tpu.memref_squeeze %dma_start3A_615 : memref<1x64xf32, #tpu.memory_space<hbm>> -> memref<64xf32, #tpu.memory_space<hbm>>
            tpu.enqueue_dma source(%dma_start3A_616 : memref<64xf32, #tpu.memory_space<hbm>>) target(%dma_start3A_613 : memref<64xf32, #tpu.memory_space<vmem>>) target_semaphore(%arg11 : memref<!tpu.dma_semaphore, #tpu.memory_space<semaphore_mem>>)
            %slice3A_617 = vector.extract_strided_slice %gather3A_390 {offsets = [14], sizes = [1], strides = [1]} : vector<16xi32> to vector<1xi32>
            %squeeze3A_618 = vector.extract %slice3A_617[0] : i32 from vector<1xi32>
            %add3A_619 = arith.constant 14 : i32
            %add3A_620 = arith.addi %mul3A_392, %add3A_619 : i32
            %dma_start3A_621 = arith.constant 0 : i32
            %dma_start3A_622 = tpu.memref_slice %arg9[%add3A_620, %dma_start3A_621] : memref<200x64xf32, #tpu.memory_space<vmem>> -> memref<1x64xf32, #tpu.memory_space<vmem>>
            %dma_start3A_623 = tpu.memref_squeeze %dma_start3A_622 : memref<1x64xf32, #tpu.memory_space<vmem>> -> memref<64xf32, #tpu.memory_space<vmem>>
            %dma_start3A_624 = arith.constant 0 : i32
            %dma_start3A_625 = tpu.memref_slice %arg4[%squeeze3A_618, %dma_start3A_624] : memref<1000000x64xf32, #tpu.memory_space<hbm>> -> memref<1x64xf32, #tpu.memory_space<hbm>>
            %dma_start3A_626 = tpu.memref_squeeze %dma_start3A_625 : memref<1x64xf32, #tpu.memory_space<hbm>> -> memref<64xf32, #tpu.memory_space<hbm>>
            %dma_start3A_627 = arith.constant 0 : i32
            %dma_start3A_628 = tpu.memref_slice %arg9[%add3A_620, %dma_start3A_627] : memref<200x64xf32, #tpu.memory_space<vmem>> -> memref<1x64xf32, #tpu.memory_space<vmem>>
            %dma_start3A_629 = tpu.memref_squeeze %dma_start3A_628 : memref<1x64xf32, #tpu.memory_space<vmem>> -> memref<64xf32, #tpu.memory_space<vmem>>
            %dma_start3A_630 = arith.constant 0 : i32
            %dma_start3A_631 = tpu.memref_slice %arg4[%squeeze3A_618, %dma_start3A_630] : memref<1000000x64xf32, #tpu.memory_space<hbm>> -> memref<1x64xf32, #tpu.memory_space<hbm>>
            %dma_start3A_632 = tpu.memref_squeeze %dma_start3A_631 : memref<1x64xf32, #tpu.memory_space<hbm>> -> memref<64xf32, #tpu.memory_space<hbm>>
            tpu.enqueue_dma source(%dma_start3A_632 : memref<64xf32, #tpu.memory_space<hbm>>) target(%dma_start3A_629 : memref<64xf32, #tpu.memory_space<vmem>>) target_semaphore(%arg11 : memref<!tpu.dma_semaphore, #tpu.memory_space<semaphore_mem>>)
            %slice3A_633 = vector.extract_strided_slice %gather3A_390 {offsets = [15], sizes = [1], strides = [1]} : vector<16xi32> to vector<1xi32>
            %squeeze3A_634 = vector.extract %slice3A_633[0] : i32 from vector<1xi32>
            %add3A_635 = arith.constant 15 : i32
            %add3A_636 = arith.addi %mul3A_392, %add3A_635 : i32
            %dma_start3A_637 = arith.constant 0 : i32
            %dma_start3A_638 = tpu.memref_slice %arg9[%add3A_636, %dma_start3A_637] : memref<200x64xf32, #tpu.memory_space<vmem>> -> memref<1x64xf32, #tpu.memory_space<vmem>>
            %dma_start3A_639 = tpu.memref_squeeze %dma_start3A_638 : memref<1x64xf32, #tpu.memory_space<vmem>> -> memref<64xf32, #tpu.memory_space<vmem>>
            %dma_start3A_640 = arith.constant 0 : i32
            %dma_start3A_641 = tpu.memref_slice %arg4[%squeeze3A_634, %dma_start3A_640] : memref<1000000x64xf32, #tpu.memory_space<hbm>> -> memref<1x64xf32, #tpu.memory_space<hbm>>
            %dma_start3A_642 = tpu.memref_squeeze %dma_start3A_641 : memref<1x64xf32, #tpu.memory_space<hbm>> -> memref<64xf32, #tpu.memory_space<hbm>>
            %dma_start3A_643 = arith.constant 0 : i32
            %dma_start3A_644 = tpu.memref_slice %arg9[%add3A_636, %dma_start3A_643] : memref<200x64xf32, #tpu.memory_space<vmem>> -> memref<1x64xf32, #tpu.memory_space<vmem>>
            %dma_start3A_645 = tpu.memref_squeeze %dma_start3A_644 : memref<1x64xf32, #tpu.memory_space<vmem>> -> memref<64xf32, #tpu.memory_space<vmem>>
            %dma_start3A_646 = arith.constant 0 : i32
            %dma_start3A_647 = tpu.memref_slice %arg4[%squeeze3A_634, %dma_start3A_646] : memref<1000000x64xf32, #tpu.memory_space<hbm>> -> memref<1x64xf32, #tpu.memory_space<hbm>>
            %dma_start3A_648 = tpu.memref_squeeze %dma_start3A_647 : memref<1x64xf32, #tpu.memory_space<hbm>> -> memref<64xf32, #tpu.memory_space<hbm>>
            tpu.enqueue_dma source(%dma_start3A_648 : memref<64xf32, #tpu.memory_space<hbm>>) target(%dma_start3A_645 : memref<64xf32, #tpu.memory_space<vmem>>) target_semaphore(%arg11 : memref<!tpu.dma_semaphore, #tpu.memory_space<semaphore_mem>>)
          }
          %scan3A_260 = arith.constant 12 : i32
          %add3A_261 = arith.constant 184 : i32
          %add3A_262 = vector.broadcast %add3A_261 : i32 to vector<16xi32>
          %add3A_263 = arith.addi %add3A_262, %iota3A : vector<16xi32>
          %gather3A_264 = tpu.vector_load_idx %arg6[%add3A_263, %add3A_254] : memref<200x128xi32, #tpu.memory_space<vmem>>[vector<16xi32>, vector<16xi32>], vector<16xi32>,
          %slice3A_265 = vector.extract_strided_slice %gather3A_264 {offsets = [8], sizes = [1], strides = [1]} : vector<16xi32> to vector<1xi32>
          %squeeze3A_266 = vector.extract %slice3A_265[0] : i32 from vector<1xi32>
          %dma_start3A_267 = arith.constant 192 : i32
          %dma_start3A_268 = arith.constant 0 : i32
          %dma_start3A_269 = tpu.memref_slice %arg9[%dma_start3A_267, %dma_start3A_268] : memref<200x64xf32, #tpu.memory_space<vmem>> -> memref<1x64xf32, #tpu.memory_space<vmem>>
          %dma_start3A_270 = tpu.memref_squeeze %dma_start3A_269 : memref<1x64xf32, #tpu.memory_space<vmem>> -> memref<64xf32, #tpu.memory_space<vmem>>
          %dma_start3A_271 = arith.constant 0 : i32
          %dma_start3A_272 = tpu.memref_slice %arg4[%squeeze3A_266, %dma_start3A_271] : memref<1000000x64xf32, #tpu.memory_space<hbm>> -> memref<1x64xf32, #tpu.memory_space<hbm>>
          %dma_start3A_273 = tpu.memref_squeeze %dma_start3A_272 : memref<1x64xf32, #tpu.memory_space<hbm>> -> memref<64xf32, #tpu.memory_space<hbm>>
          %dma_start3A_274 = arith.constant 0 : i32
          %dma_start3A_275 = tpu.memref_slice %arg9[%dma_start3A_267, %dma_start3A_274] : memref<200x64xf32, #tpu.memory_space<vmem>> -> memref<1x64xf32, #tpu.memory_space<vmem>>
          %dma_start3A_276 = tpu.memref_squeeze %dma_start3A_275 : memref<1x64xf32, #tpu.memory_space<vmem>> -> memref<64xf32, #tpu.memory_space<vmem>>
          %dma_start3A_277 = arith.constant 0 : i32
          %dma_start3A_278 = tpu.memref_slice %arg4[%squeeze3A_266, %dma_start3A_277] : memref<1000000x64xf32, #tpu.memory_space<hbm>> -> memref<1x64xf32, #tpu.memory_space<hbm>>
          %dma_start3A_279 = tpu.memref_squeeze %dma_start3A_278 : memref<1x64xf32, #tpu.memory_space<hbm>> -> memref<64xf32, #tpu.memory_space<hbm>>
          tpu.enqueue_dma source(%dma_start3A_279 : memref<64xf32, #tpu.memory_space<hbm>>) target(%dma_start3A_276 : memref<64xf32, #tpu.memory_space<vmem>>) target_semaphore(%arg11 : memref<!tpu.dma_semaphore, #tpu.memory_space<semaphore_mem>>)
          %slice3A_280 = vector.extract_strided_slice %gather3A_264 {offsets = [9], sizes = [1], strides = [1]} : vector<16xi32> to vector<1xi32>
          %squeeze3A_281 = vector.extract %slice3A_280[0] : i32 from vector<1xi32>
          %dma_start3A_282 = arith.constant 193 : i32
          %dma_start3A_283 = arith.constant 0 : i32
          %dma_start3A_284 = tpu.memref_slice %arg9[%dma_start3A_282, %dma_start3A_283] : memref<200x64xf32, #tpu.memory_space<vmem>> -> memref<1x64xf32, #tpu.memory_space<vmem>>
          %dma_start3A_285 = tpu.memref_squeeze %dma_start3A_284 : memref<1x64xf32, #tpu.memory_space<vmem>> -> memref<64xf32, #tpu.memory_space<vmem>>
          %dma_start3A_286 = arith.constant 0 : i32
          %dma_start3A_287 = tpu.memref_slice %arg4[%squeeze3A_281, %dma_start3A_286] : memref<1000000x64xf32, #tpu.memory_space<hbm>> -> memref<1x64xf32, #tpu.memory_space<hbm>>
          %dma_start3A_288 = tpu.memref_squeeze %dma_start3A_287 : memref<1x64xf32, #tpu.memory_space<hbm>> -> memref<64xf32, #tpu.memory_space<hbm>>
          %dma_start3A_289 = arith.constant 0 : i32
          %dma_start3A_290 = tpu.memref_slice %arg9[%dma_start3A_282, %dma_start3A_289] : memref<200x64xf32, #tpu.memory_space<vmem>> -> memref<1x64xf32, #tpu.memory_space<vmem>>
          %dma_start3A_291 = tpu.memref_squeeze %dma_start3A_290 : memref<1x64xf32, #tpu.memory_space<vmem>> -> memref<64xf32, #tpu.memory_space<vmem>>
          %dma_start3A_292 = arith.constant 0 : i32
          %dma_start3A_293 = tpu.memref_slice %arg4[%squeeze3A_281, %dma_start3A_292] : memref<1000000x64xf32, #tpu.memory_space<hbm>> -> memref<1x64xf32, #tpu.memory_space<hbm>>
          %dma_start3A_294 = tpu.memref_squeeze %dma_start3A_293 : memref<1x64xf32, #tpu.memory_space<hbm>> -> memref<64xf32, #tpu.memory_space<hbm>>
          tpu.enqueue_dma source(%dma_start3A_294 : memref<64xf32, #tpu.memory_space<hbm>>) target(%dma_start3A_291 : memref<64xf32, #tpu.memory_space<vmem>>) target_semaphore(%arg11 : memref<!tpu.dma_semaphore, #tpu.memory_space<semaphore_mem>>)
          %slice3A_295 = vector.extract_strided_slice %gather3A_264 {offsets = [10], sizes = [1], strides = [1]} : vector<16xi32> to vector<1xi32>
          %squeeze3A_296 = vector.extract %slice3A_295[0] : i32 from vector<1xi32>
          %dma_start3A_297 = arith.constant 194 : i32
          %dma_start3A_298 = arith.constant 0 : i32
          %dma_start3A_299 = tpu.memref_slice %arg9[%dma_start3A_297, %dma_start3A_298] : memref<200x64xf32, #tpu.memory_space<vmem>> -> memref<1x64xf32, #tpu.memory_space<vmem>>
          %dma_start3A_300 = tpu.memref_squeeze %dma_start3A_299 : memref<1x64xf32, #tpu.memory_space<vmem>> -> memref<64xf32, #tpu.memory_space<vmem>>
          %dma_start3A_301 = arith.constant 0 : i32
          %dma_start3A_302 = tpu.memref_slice %arg4[%squeeze3A_296, %dma_start3A_301] : memref<1000000x64xf32, #tpu.memory_space<hbm>> -> memref<1x64xf32, #tpu.memory_space<hbm>>
          %dma_start3A_303 = tpu.memref_squeeze %dma_start3A_302 : memref<1x64xf32, #tpu.memory_space<hbm>> -> memref<64xf32, #tpu.memory_space<hbm>>
          %dma_start3A_304 = arith.constant 0 : i32
          %dma_start3A_305 = tpu.memref_slice %arg9[%dma_start3A_297, %dma_start3A_304] : memref<200x64xf32, #tpu.memory_space<vmem>> -> memref<1x64xf32, #tpu.memory_space<vmem>>
          %dma_start3A_306 = tpu.memref_squeeze %dma_start3A_305 : memref<1x64xf32, #tpu.memory_space<vmem>> -> memref<64xf32, #tpu.memory_space<vmem>>
          %dma_start3A_307 = arith.constant 0 : i32
          %dma_start3A_308 = tpu.memref_slice %arg4[%squeeze3A_296, %dma_start3A_307] : memref<1000000x64xf32, #tpu.memory_space<hbm>> -> memref<1x64xf32, #tpu.memory_space<hbm>>
          %dma_start3A_309 = tpu.memref_squeeze %dma_start3A_308 : memref<1x64xf32, #tpu.memory_space<hbm>> -> memref<64xf32, #tpu.memory_space<hbm>>
          tpu.enqueue_dma source(%dma_start3A_309 : memref<64xf32, #tpu.memory_space<hbm>>) target(%dma_start3A_306 : memref<64xf32, #tpu.memory_space<vmem>>) target_semaphore(%arg11 : memref<!tpu.dma_semaphore, #tpu.memory_space<semaphore_mem>>)
          %slice3A_310 = vector.extract_strided_slice %gather3A_264 {offsets = [11], sizes = [1], strides = [1]} : vector<16xi32> to vector<1xi32>
          %squeeze3A_311 = vector.extract %slice3A_310[0] : i32 from vector<1xi32>
          %dma_start3A_312 = arith.constant 195 : i32
          %dma_start3A_313 = arith.constant 0 : i32
          %dma_start3A_314 = tpu.memref_slice %arg9[%dma_start3A_312, %dma_start3A_313] : memref<200x64xf32, #tpu.memory_space<vmem>> -> memref<1x64xf32, #tpu.memory_space<vmem>>
          %dma_start3A_315 = tpu.memref_squeeze %dma_start3A_314 : memref<1x64xf32, #tpu.memory_space<vmem>> -> memref<64xf32, #tpu.memory_space<vmem>>
          %dma_start3A_316 = arith.constant 0 : i32
          %dma_start3A_317 = tpu.memref_slice %arg4[%squeeze3A_311, %dma_start3A_316] : memref<1000000x64xf32, #tpu.memory_space<hbm>> -> memref<1x64xf32, #tpu.memory_space<hbm>>
          %dma_start3A_318 = tpu.memref_squeeze %dma_start3A_317 : memref<1x64xf32, #tpu.memory_space<hbm>> -> memref<64xf32, #tpu.memory_space<hbm>>
          %dma_start3A_319 = arith.constant 0 : i32
          %dma_start3A_320 = tpu.memref_slice %arg9[%dma_start3A_312, %dma_start3A_319] : memref<200x64xf32, #tpu.memory_space<vmem>> -> memref<1x64xf32, #tpu.memory_space<vmem>>
          %dma_start3A_321 = tpu.memref_squeeze %dma_start3A_320 : memref<1x64xf32, #tpu.memory_space<vmem>> -> memref<64xf32, #tpu.memory_space<vmem>>
          %dma_start3A_322 = arith.constant 0 : i32
          %dma_start3A_323 = tpu.memref_slice %arg4[%squeeze3A_311, %dma_start3A_322] : memref<1000000x64xf32, #tpu.memory_space<hbm>> -> memref<1x64xf32, #tpu.memory_space<hbm>>
          %dma_start3A_324 = tpu.memref_squeeze %dma_start3A_323 : memref<1x64xf32, #tpu.memory_space<hbm>> -> memref<64xf32, #tpu.memory_space<hbm>>
          tpu.enqueue_dma source(%dma_start3A_324 : memref<64xf32, #tpu.memory_space<hbm>>) target(%dma_start3A_321 : memref<64xf32, #tpu.memory_space<vmem>>) target_semaphore(%arg11 : memref<!tpu.dma_semaphore, #tpu.memory_space<semaphore_mem>>)
          %slice3A_325 = vector.extract_strided_slice %gather3A_264 {offsets = [12], sizes = [1], strides = [1]} : vector<16xi32> to vector<1xi32>
          %squeeze3A_326 = vector.extract %slice3A_325[0] : i32 from vector<1xi32>
          %dma_start3A_327 = arith.constant 196 : i32
          %dma_start3A_328 = arith.constant 0 : i32
          %dma_start3A_329 = tpu.memref_slice %arg9[%dma_start3A_327, %dma_start3A_328] : memref<200x64xf32, #tpu.memory_space<vmem>> -> memref<1x64xf32, #tpu.memory_space<vmem>>
          %dma_start3A_330 = tpu.memref_squeeze %dma_start3A_329 : memref<1x64xf32, #tpu.memory_space<vmem>> -> memref<64xf32, #tpu.memory_space<vmem>>
          %dma_start3A_331 = arith.constant 0 : i32
          %dma_start3A_332 = tpu.memref_slice %arg4[%squeeze3A_326, %dma_start3A_331] : memref<1000000x64xf32, #tpu.memory_space<hbm>> -> memref<1x64xf32, #tpu.memory_space<hbm>>
          %dma_start3A_333 = tpu.memref_squeeze %dma_start3A_332 : memref<1x64xf32, #tpu.memory_space<hbm>> -> memref<64xf32, #tpu.memory_space<hbm>>
          %dma_start3A_334 = arith.constant 0 : i32
          %dma_start3A_335 = tpu.memref_slice %arg9[%dma_start3A_327, %dma_start3A_334] : memref<200x64xf32, #tpu.memory_space<vmem>> -> memref<1x64xf32, #tpu.memory_space<vmem>>
          %dma_start3A_336 = tpu.memref_squeeze %dma_start3A_335 : memref<1x64xf32, #tpu.memory_space<vmem>> -> memref<64xf32, #tpu.memory_space<vmem>>
          %dma_start3A_337 = arith.constant 0 : i32
          %dma_start3A_338 = tpu.memref_slice %arg4[%squeeze3A_326, %dma_start3A_337] : memref<1000000x64xf32, #tpu.memory_space<hbm>> -> memref<1x64xf32, #tpu.memory_space<hbm>>
          %dma_start3A_339 = tpu.memref_squeeze %dma_start3A_338 : memref<1x64xf32, #tpu.memory_space<hbm>> -> memref<64xf32, #tpu.memory_space<hbm>>
          tpu.enqueue_dma source(%dma_start3A_339 : memref<64xf32, #tpu.memory_space<hbm>>) target(%dma_start3A_336 : memref<64xf32, #tpu.memory_space<vmem>>) target_semaphore(%arg11 : memref<!tpu.dma_semaphore, #tpu.memory_space<semaphore_mem>>)
          %slice3A_340 = vector.extract_strided_slice %gather3A_264 {offsets = [13], sizes = [1], strides = [1]} : vector<16xi32> to vector<1xi32>
          %squeeze3A_341 = vector.extract %slice3A_340[0] : i32 from vector<1xi32>
          %dma_start3A_342 = arith.constant 197 : i32
          %dma_start3A_343 = arith.constant 0 : i32
          %dma_start3A_344 = tpu.memref_slice %arg9[%dma_start3A_342, %dma_start3A_343] : memref<200x64xf32, #tpu.memory_space<vmem>> -> memref<1x64xf32, #tpu.memory_space<vmem>>
          %dma_start3A_345 = tpu.memref_squeeze %dma_start3A_344 : memref<1x64xf32, #tpu.memory_space<vmem>> -> memref<64xf32, #tpu.memory_space<vmem>>
          %dma_start3A_346 = arith.constant 0 : i32
          %dma_start3A_347 = tpu.memref_slice %arg4[%squeeze3A_341, %dma_start3A_346] : memref<1000000x64xf32, #tpu.memory_space<hbm>> -> memref<1x64xf32, #tpu.memory_space<hbm>>
          %dma_start3A_348 = tpu.memref_squeeze %dma_start3A_347 : memref<1x64xf32, #tpu.memory_space<hbm>> -> memref<64xf32, #tpu.memory_space<hbm>>
          %dma_start3A_349 = arith.constant 0 : i32
          %dma_start3A_350 = tpu.memref_slice %arg9[%dma_start3A_342, %dma_start3A_349] : memref<200x64xf32, #tpu.memory_space<vmem>> -> memref<1x64xf32, #tpu.memory_space<vmem>>
          %dma_start3A_351 = tpu.memref_squeeze %dma_start3A_350 : memref<1x64xf32, #tpu.memory_space<vmem>> -> memref<64xf32, #tpu.memory_space<vmem>>
          %dma_start3A_352 = arith.constant 0 : i32
          %dma_start3A_353 = tpu.memref_slice %arg4[%squeeze3A_341, %dma_start3A_352] : memref<1000000x64xf32, #tpu.memory_space<hbm>> -> memref<1x64xf32, #tpu.memory_space<hbm>>
          %dma_start3A_354 = tpu.memref_squeeze %dma_start3A_353 : memref<1x64xf32, #tpu.memory_space<hbm>> -> memref<64xf32, #tpu.memory_space<hbm>>
          tpu.enqueue_dma source(%dma_start3A_354 : memref<64xf32, #tpu.memory_space<hbm>>) target(%dma_start3A_351 : memref<64xf32, #tpu.memory_space<vmem>>) target_semaphore(%arg11 : memref<!tpu.dma_semaphore, #tpu.memory_space<semaphore_mem>>)
          %slice3A_355 = vector.extract_strided_slice %gather3A_264 {offsets = [14], sizes = [1], strides = [1]} : vector<16xi32> to vector<1xi32>
          %squeeze3A_356 = vector.extract %slice3A_355[0] : i32 from vector<1xi32>
          %dma_start3A_357 = arith.constant 198 : i32
          %dma_start3A_358 = arith.constant 0 : i32
          %dma_start3A_359 = tpu.memref_slice %arg9[%dma_start3A_357, %dma_start3A_358] : memref<200x64xf32, #tpu.memory_space<vmem>> -> memref<1x64xf32, #tpu.memory_space<vmem>>
          %dma_start3A_360 = tpu.memref_squeeze %dma_start3A_359 : memref<1x64xf32, #tpu.memory_space<vmem>> -> memref<64xf32, #tpu.memory_space<vmem>>
          %dma_start3A_361 = arith.constant 0 : i32
          %dma_start3A_362 = tpu.memref_slice %arg4[%squeeze3A_356, %dma_start3A_361] : memref<1000000x64xf32, #tpu.memory_space<hbm>> -> memref<1x64xf32, #tpu.memory_space<hbm>>
          %dma_start3A_363 = tpu.memref_squeeze %dma_start3A_362 : memref<1x64xf32, #tpu.memory_space<hbm>> -> memref<64xf32, #tpu.memory_space<hbm>>
          %dma_start3A_364 = arith.constant 0 : i32
          %dma_start3A_365 = tpu.memref_slice %arg9[%dma_start3A_357, %dma_start3A_364] : memref<200x64xf32, #tpu.memory_space<vmem>> -> memref<1x64xf32, #tpu.memory_space<vmem>>
          %dma_start3A_366 = tpu.memref_squeeze %dma_start3A_365 : memref<1x64xf32, #tpu.memory_space<vmem>> -> memref<64xf32, #tpu.memory_space<vmem>>
          %dma_start3A_367 = arith.constant 0 : i32
          %dma_start3A_368 = tpu.memref_slice %arg4[%squeeze3A_356, %dma_start3A_367] : memref<1000000x64xf32, #tpu.memory_space<hbm>> -> memref<1x64xf32, #tpu.memory_space<hbm>>
          %dma_start3A_369 = tpu.memref_squeeze %dma_start3A_368 : memref<1x64xf32, #tpu.memory_space<hbm>> -> memref<64xf32, #tpu.memory_space<hbm>>
          tpu.enqueue_dma source(%dma_start3A_369 : memref<64xf32, #tpu.memory_space<hbm>>) target(%dma_start3A_366 : memref<64xf32, #tpu.memory_space<vmem>>) target_semaphore(%arg11 : memref<!tpu.dma_semaphore, #tpu.memory_space<semaphore_mem>>)
          %slice3A_370 = vector.extract_strided_slice %gather3A_264 {offsets = [15], sizes = [1], strides = [1]} : vector<16xi32> to vector<1xi32>
          %squeeze3A_371 = vector.extract %slice3A_370[0] : i32 from vector<1xi32>
          %dma_start3A_372 = arith.constant 199 : i32
          %dma_start3A_373 = arith.constant 0 : i32
          %dma_start3A_374 = tpu.memref_slice %arg9[%dma_start3A_372, %dma_start3A_373] : memref<200x64xf32, #tpu.memory_space<vmem>> -> memref<1x64xf32, #tpu.memory_space<vmem>>
          %dma_start3A_375 = tpu.memref_squeeze %dma_start3A_374 : memref<1x64xf32, #tpu.memory_space<vmem>> -> memref<64xf32, #tpu.memory_space<vmem>>
          %dma_start3A_376 = arith.constant 0 : i32
          %dma_start3A_377 = tpu.memref_slice %arg4[%squeeze3A_371, %dma_start3A_376] : memref<1000000x64xf32, #tpu.memory_space<hbm>> -> memref<1x64xf32, #tpu.memory_space<hbm>>
          %dma_start3A_378 = tpu.memref_squeeze %dma_start3A_377 : memref<1x64xf32, #tpu.memory_space<hbm>> -> memref<64xf32, #tpu.memory_space<hbm>>
          %dma_start3A_379 = arith.constant 0 : i32
          %dma_start3A_380 = tpu.memref_slice %arg9[%dma_start3A_372, %dma_start3A_379] : memref<200x64xf32, #tpu.memory_space<vmem>> -> memref<1x64xf32, #tpu.memory_space<vmem>>
          %dma_start3A_381 = tpu.memref_squeeze %dma_start3A_380 : memref<1x64xf32, #tpu.memory_space<vmem>> -> memref<64xf32, #tpu.memory_space<vmem>>
          %dma_start3A_382 = arith.constant 0 : i32
          %dma_start3A_383 = tpu.memref_slice %arg4[%squeeze3A_371, %dma_start3A_382] : memref<1000000x64xf32, #tpu.memory_space<hbm>> -> memref<1x64xf32, #tpu.memory_space<hbm>>
          %dma_start3A_384 = tpu.memref_squeeze %dma_start3A_383 : memref<1x64xf32, #tpu.memory_space<hbm>> -> memref<64xf32, #tpu.memory_space<hbm>>
          tpu.enqueue_dma source(%dma_start3A_384 : memref<64xf32, #tpu.memory_space<hbm>>) target(%dma_start3A_381 : memref<64xf32, #tpu.memory_space<vmem>>) target_semaphore(%arg11 : memref<!tpu.dma_semaphore, #tpu.memory_space<semaphore_mem>>)
        } else {
        }
        %dma_wait3A_230 = arith.constant 0 : i32
        %dma_wait3A_231 = arith.constant 0 : i32
        %dma_wait3A_232 = tpu.memref_slice %arg4[%dma_wait3A_230, %dma_wait3A_231] : memref<1000000x64xf32, #tpu.memory_space<hbm>> -> memref<200x64xf32, #tpu.memory_space<hbm>>
        %dma_wait3A_233 = arith.constant 0 : i32
        %dma_wait3A_234 = arith.constant 0 : i32
        %dma_wait3A_235 = tpu.memref_slice %arg4[%dma_wait3A_233, %dma_wait3A_234] : memref<1000000x64xf32, #tpu.memory_space<hbm>> -> memref<200x64xf32, #tpu.memory_space<hbm>>
        tpu.wait_dma2 semaphore(%arg10 : memref<!tpu.dma_semaphore, #tpu.memory_space<semaphore_mem>>) src(%dma_wait3A_235 : memref<200x64xf32, #tpu.memory_space<hbm>>) dst(%arg8 : memref<200x64xf32, #tpu.memory_space<vmem>>)
        %parallel_loop3A = arith.constant 0 : i32
        %parallel_loop3A_236 = arith.constant 200 : i32
        %parallel_loop3A_237 = arith.constant 1 : i32
        scf.for %parallel_loop3A_247 = %parallel_loop3A to %parallel_loop3A_236 step %parallel_loop3A_237  : i32 {
          %parallel_loop3A_248 = arith.index_cast %parallel_loop3A_247 : i32 to index
          %parallel_loop3A_249 = arith.constant 0 : index
          %parallel_loop3A_250 = tpu.vector_load %arg8[%parallel_loop3A_248, %parallel_loop3A_249] {strides = array<i32>} : memref<200x64xf32, #tpu.memory_space<vmem>>, vector<16xf32>,
          %parallel_loop3A_251 = arith.constant 8.000000e+00 : f32
          %parallel_loop3A_252 = vector.broadcast %parallel_loop3A_251 : f32 to vector<16xf32>
          %parallel_loop3A_253 = arith.mulf %parallel_loop3A_250, %parallel_loop3A_252 : vector<16xf32>
          %parallel_loop3A_254 = arith.index_cast %parallel_loop3A_247 : i32 to index
          %parallel_loop3A_255 = arith.constant 0 : index
          %parallel_loop3A_256 = tpu.vector_load %arg7[%parallel_loop3A_254, %parallel_loop3A_255] {strides = array<i32>} : memref<200x64xf32, #tpu.memory_space<vmem>>, vector<16xf32>,
          %parallel_loop3A_257 = arith.addf %parallel_loop3A_253, %parallel_loop3A_256 : vector<16xf32>
          %parallel_loop3A_258 = arith.index_cast %parallel_loop3A_247 : i32 to index
          %parallel_loop3A_259 = arith.constant 0 : index
          %parallel_loop3A_260 = tpu.vector_load %arg8[%parallel_loop3A_258, %parallel_loop3A_259] {strides = array<i32>} : memref<200x64xf32, #tpu.memory_space<vmem>>, vector<16xf32>,
          tpu.vector_store %arg8[%parallel_loop3A_258, %parallel_loop3A_259], %parallel_loop3A_257 {strides = array<i32>} : memref<200x64xf32, #tpu.memory_space<vmem>>, vector<16xf32>,
          %parallel_loop3A_261 = arith.index_cast %parallel_loop3A_247 : i32 to index
          %parallel_loop3A_262 = arith.constant 16 : index
          %parallel_loop3A_263 = tpu.vector_load %arg8[%parallel_loop3A_261, %parallel_loop3A_262] {strides = array<i32>} : memref<200x64xf32, #tpu.memory_space<vmem>>, vector<16xf32>,
          %parallel_loop3A_264 = arith.constant 8.000000e+00 : f32
          %parallel_loop3A_265 = vector.broadcast %parallel_loop3A_264 : f32 to vector<16xf32>
          %parallel_loop3A_266 = arith.mulf %parallel_loop3A_263, %parallel_loop3A_265 : vector<16xf32>
          %parallel_loop3A_267 = arith.index_cast %parallel_loop3A_247 : i32 to index
          %parallel_loop3A_268 = arith.constant 16 : index
          %parallel_loop3A_269 = tpu.vector_load %arg7[%parallel_loop3A_267, %parallel_loop3A_268] {strides = array<i32>} : memref<200x64xf32, #tpu.memory_space<vmem>>, vector<16xf32>,
          %parallel_loop3A_270 = arith.addf %parallel_loop3A_266, %parallel_loop3A_269 : vector<16xf32>
          %parallel_loop3A_271 = arith.index_cast %parallel_loop3A_247 : i32 to index
          %parallel_loop3A_272 = arith.constant 16 : index
          %parallel_loop3A_273 = tpu.vector_load %arg8[%parallel_loop3A_271, %parallel_loop3A_272] {strides = array<i32>} : memref<200x64xf32, #tpu.memory_space<vmem>>, vector<16xf32>,
          tpu.vector_store %arg8[%parallel_loop3A_271, %parallel_loop3A_272], %parallel_loop3A_270 {strides = array<i32>} : memref<200x64xf32, #tpu.memory_space<vmem>>, vector<16xf32>,
          %parallel_loop3A_274 = arith.index_cast %parallel_loop3A_247 : i32 to index
          %parallel_loop3A_275 = arith.constant 32 : index
          %parallel_loop3A_276 = tpu.vector_load %arg8[%parallel_loop3A_274, %parallel_loop3A_275] {strides = array<i32>} : memref<200x64xf32, #tpu.memory_space<vmem>>, vector<16xf32>,
          %parallel_loop3A_277 = arith.constant 8.000000e+00 : f32
          %parallel_loop3A_278 = vector.broadcast %parallel_loop3A_277 : f32 to vector<16xf32>
          %parallel_loop3A_279 = arith.mulf %parallel_loop3A_276, %parallel_loop3A_278 : vector<16xf32>
          %parallel_loop3A_280 = arith.index_cast %parallel_loop3A_247 : i32 to index
          %parallel_loop3A_281 = arith.constant 32 : index
          %parallel_loop3A_282 = tpu.vector_load %arg7[%parallel_loop3A_280, %parallel_loop3A_281] {strides = array<i32>} : memref<200x64xf32, #tpu.memory_space<vmem>>, vector<16xf32>,
          %parallel_loop3A_283 = arith.addf %parallel_loop3A_279, %parallel_loop3A_282 : vector<16xf32>
          %parallel_loop3A_284 = arith.index_cast %parallel_loop3A_247 : i32 to index
          %parallel_loop3A_285 = arith.constant 32 : index
          %parallel_loop3A_286 = tpu.vector_load %arg8[%parallel_loop3A_284, %parallel_loop3A_285] {strides = array<i32>} : memref<200x64xf32, #tpu.memory_space<vmem>>, vector<16xf32>,
          tpu.vector_store %arg8[%parallel_loop3A_284, %parallel_loop3A_285], %parallel_loop3A_283 {strides = array<i32>} : memref<200x64xf32, #tpu.memory_space<vmem>>, vector<16xf32>,
          %parallel_loop3A_287 = arith.index_cast %parallel_loop3A_247 : i32 to index
          %parallel_loop3A_288 = arith.constant 48 : index
          %parallel_loop3A_289 = tpu.vector_load %arg8[%parallel_loop3A_287, %parallel_loop3A_288] {strides = array<i32>} : memref<200x64xf32, #tpu.memory_space<vmem>>, vector<16xf32>,
          %parallel_loop3A_290 = arith.constant 8.000000e+00 : f32
          %parallel_loop3A_291 = vector.broadcast %parallel_loop3A_290 : f32 to vector<16xf32>
          %parallel_loop3A_292 = arith.mulf %parallel_loop3A_289, %parallel_loop3A_291 : vector<16xf32>
          %parallel_loop3A_293 = arith.index_cast %parallel_loop3A_247 : i32 to index
          %parallel_loop3A_294 = arith.constant 48 : index
          %parallel_loop3A_295 = tpu.vector_load %arg7[%parallel_loop3A_293, %parallel_loop3A_294] {strides = array<i32>} : memref<200x64xf32, #tpu.memory_space<vmem>>, vector<16xf32>,
          %parallel_loop3A_296 = arith.addf %parallel_loop3A_292, %parallel_loop3A_295 : vector<16xf32>
          %parallel_loop3A_297 = arith.index_cast %parallel_loop3A_247 : i32 to index
          %parallel_loop3A_298 = arith.constant 48 : index
          %parallel_loop3A_299 = tpu.vector_load %arg8[%parallel_loop3A_297, %parallel_loop3A_298] {strides = array<i32>} : memref<200x64xf32, #tpu.memory_space<vmem>>, vector<16xf32>,
          tpu.vector_store %arg8[%parallel_loop3A_297, %parallel_loop3A_298], %parallel_loop3A_296 {strides = array<i32>} : memref<200x64xf32, #tpu.memory_space<vmem>>, vector<16xf32>,
        } {sc.loop_unroll_factor = 4 : i64, sc.parallel_access}
        %mul3A_238 = arith.constant 32 : i32
        %mul3A_239 = arith.muli %add3A, %mul3A_238 : i32
        %add3A_240 = arith.addi %mul3A_239, %scan3A_178 : i32
        %mul3A_241 = arith.constant 200 : i32
        %mul3A_242 = arith.muli %add3A_240, %mul3A_241 : i32
        %dma_start3A_243 = arith.constant 0 : i32
        %dma_start3A_244 = tpu.memref_slice %arg5[%mul3A_242, %dma_start3A_243] : memref<204800x64xf32, #tpu.memory_space<hbm>> -> memref<200x64xf32, #tpu.memory_space<hbm>>
        %dma_start3A_245 = arith.constant 0 : i32
        %dma_start3A_246 = tpu.memref_slice %arg5[%mul3A_242, %dma_start3A_245] : memref<204800x64xf32, #tpu.memory_space<hbm>> -> memref<200x64xf32, #tpu.memory_space<hbm>>
        tpu.enqueue_dma source(%arg8 : memref<200x64xf32, #tpu.memory_space<vmem>>) target(%dma_start3A_246 : memref<200x64xf32, #tpu.memory_space<hbm>>) target_semaphore(%arg12 : memref<!tpu.dma_semaphore, #tpu.memory_space<semaphore_mem>>)
      } else {
      }
      %jit3A_198 = arith.constant 2 : i32
      %eq3A_199 = arith.constant 0 : i32
      %eq3A_200 = arith.cmpi eq, %jit3A_198, %eq3A_199 : i32
      %jit3A_201 = arith.constant 1 : i32
      %select_n3A_202 = arith.select %eq3A_200, %jit3A_201, %jit3A_198 : i32
      %rem3A_203 = arith.remsi %scan3A_178, %select_n3A_202 : i32
      %ne3A_204 = arith.constant 0 : i32
      %ne3A_205 = arith.cmpi ne, %rem3A_203, %ne3A_204 : i32
      %lt3A_206 = arith.constant 0 : i32
      %lt3A_207 = arith.cmpi slt, %rem3A_203, %lt3A_206 : i32
      %lt3A_208 = arith.constant 0 : i32
      %lt3A_209 = arith.cmpi slt, %select_n3A_202, %lt3A_208 : i32
      %ne3A_210 = arith.xori %lt3A_207, %lt3A_209 : i1
      %and3A_211 = arith.andi %ne3A_210, %ne3A_205 : i1
      %add3A_212 = arith.addi %rem3A_203, %select_n3A_202 : i32
      %select_n3A_213 = arith.select %and3A_211, %add3A_212, %rem3A_203 : i32
      %eq3A_214 = arith.constant 1 : i32
      %eq3A_215 = arith.cmpi eq, %select_n3A_213, %eq3A_214 : i32
      %convert_element_type3A_216 = arith.extui %eq3A_215 : i1 to i32
      %cond3A_217 = arith.constant 0 : i32
      %cond3A_218 = arith.cmpi ne, %convert_element_type3A_216, %cond3A_217 : i32
      scf.if %cond3A_218 {
        %ge3A = arith.constant 1 : i32
        %ge3A_219 = arith.cmpi sge, %scan3A_178, %ge3A : i32
        %convert_element_type3A_220 = arith.extui %ge3A_219 : i1 to i32
        %cond3A_221 = arith.constant 0 : i32
        %cond3A_222 = arith.cmpi ne, %convert_element_type3A_220, %cond3A_221 : i32
        scf.if %cond3A_222 {
          %dma_wait3A_247 = arith.constant 0 : i32
          %dma_wait3A_248 = arith.constant 0 : i32
          %dma_wait3A_249 = tpu.memref_slice %arg5[%dma_wait3A_247, %dma_wait3A_248] : memref<204800x64xf32, #tpu.memory_space<hbm>> -> memref<200x64xf32, #tpu.memory_space<hbm>>
          %dma_wait3A_250 = arith.constant 0 : i32
          %dma_wait3A_251 = arith.constant 0 : i32
          %dma_wait3A_252 = tpu.memref_slice %arg5[%dma_wait3A_250, %dma_wait3A_251] : memref<204800x64xf32, #tpu.memory_space<hbm>> -> memref<200x64xf32, #tpu.memory_space<hbm>>
          tpu.wait_dma2 semaphore(%arg12 : memref<!tpu.dma_semaphore, #tpu.memory_space<semaphore_mem>>) src(%arg8 : memref<200x64xf32, #tpu.memory_space<vmem>>) dst(%dma_wait3A_252 : memref<200x64xf32, #tpu.memory_space<hbm>>)
        } else {
        }
        %add3A_223 = arith.constant 1 : i32
        %add3A_224 = arith.addi %scan3A_178, %add3A_223 : i32
        %lt3A_225 = arith.constant 32 : i32
        %lt3A_226 = arith.cmpi slt, %add3A_224, %lt3A_225 : i32
        %convert_element_type3A_227 = arith.extui %lt3A_226 : i1 to i32
        %cond3A_228 = arith.constant 0 : i32
        %cond3A_229 = arith.cmpi ne, %convert_element_type3A_227, %cond3A_228 : i32
        scf.if %cond3A_229 {
          %add3A_247 = arith.constant 1 : i32
          %add3A_248 = arith.addi %scan3A_178, %add3A_247 : i32
          %mul3A_249 = arith.constant 0 : i32
          %mul3A_250 = vector.broadcast %mul3A_249 : i32 to vector<16xi32>
          %mul3A_251 = arith.muli %iota3A, %mul3A_250 : vector<16xi32>
          %add3A_252 = arith.addi %mul3A_34, %add3A_248 : i32
          %add3A_253 = vector.broadcast %add3A_252 : i32 to vector<16xi32>
          %add3A_254 = arith.addi %mul3A_251, %add3A_253 : vector<16xi32>
          %scan3A_255 = arith.constant 0 : i32
          %scan3A_256 = arith.constant 0 : i32
          %scan3A_257 = arith.constant 12 : i32
          %scan3A_258 = arith.addi %scan3A_256, %scan3A_257 : i32
          %scan3A_259 = arith.constant 1 : i32
          scf.for %scan3A_385 = %scan3A_256 to %scan3A_258 step %scan3A_259  : i32 {
            %mul3A_386 = arith.constant 16 : i32
            %mul3A_387 = arith.muli %scan3A_385, %mul3A_386 : i32
            %add3A_388 = vector.broadcast %mul3A_387 : i32 to vector<16xi32>
            %add3A_389 = arith.addi %add3A_388, %iota3A : vector<16xi32>
            %gather3A_390 = tpu.vector_load_idx %arg6[%add3A_389, %add3A_254] : memref<200x128xi32, #tpu.memory_space<vmem>>[vector<16xi32>, vector<16xi32>], vector<16xi32>,
            %mul3A_391 = arith.constant 16 : i32
            %mul3A_392 = arith.muli %scan3A_385, %mul3A_391 : i32
            %slice3A_393 = vector.extract_strided_slice %gather3A_390 {offsets = [0], sizes = [1], strides = [1]} : vector<16xi32> to vector<1xi32>
            %squeeze3A_394 = vector.extract %slice3A_393[0] : i32 from vector<1xi32>
            %add3A_395 = arith.constant 0 : i32
            %add3A_396 = arith.addi %mul3A_392, %add3A_395 : i32
            %dma_start3A_397 = arith.constant 0 : i32
            %dma_start3A_398 = tpu.memref_slice %arg8[%add3A_396, %dma_start3A_397] : memref<200x64xf32, #tpu.memory_space<vmem>> -> memref<1x64xf32, #tpu.memory_space<vmem>>
            %dma_start3A_399 = tpu.memref_squeeze %dma_start3A_398 : memref<1x64xf32, #tpu.memory_space<vmem>> -> memref<64xf32, #tpu.memory_space<vmem>>
            %dma_start3A_400 = arith.constant 0 : i32
            %dma_start3A_401 = tpu.memref_slice %arg4[%squeeze3A_394, %dma_start3A_400] : memref<1000000x64xf32, #tpu.memory_space<hbm>> -> memref<1x64xf32, #tpu.memory_space<hbm>>
            %dma_start3A_402 = tpu.memref_squeeze %dma_start3A_401 : memref<1x64xf32, #tpu.memory_space<hbm>> -> memref<64xf32, #tpu.memory_space<hbm>>
            %dma_start3A_403 = arith.constant 0 : i32
            %dma_start3A_404 = tpu.memref_slice %arg8[%add3A_396, %dma_start3A_403] : memref<200x64xf32, #tpu.memory_space<vmem>> -> memref<1x64xf32, #tpu.memory_space<vmem>>
            %dma_start3A_405 = tpu.memref_squeeze %dma_start3A_404 : memref<1x64xf32, #tpu.memory_space<vmem>> -> memref<64xf32, #tpu.memory_space<vmem>>
            %dma_start3A_406 = arith.constant 0 : i32
            %dma_start3A_407 = tpu.memref_slice %arg4[%squeeze3A_394, %dma_start3A_406] : memref<1000000x64xf32, #tpu.memory_space<hbm>> -> memref<1x64xf32, #tpu.memory_space<hbm>>
            %dma_start3A_408 = tpu.memref_squeeze %dma_start3A_407 : memref<1x64xf32, #tpu.memory_space<hbm>> -> memref<64xf32, #tpu.memory_space<hbm>>
            tpu.enqueue_dma source(%dma_start3A_408 : memref<64xf32, #tpu.memory_space<hbm>>) target(%dma_start3A_405 : memref<64xf32, #tpu.memory_space<vmem>>) target_semaphore(%arg10 : memref<!tpu.dma_semaphore, #tpu.memory_space<semaphore_mem>>)
            %slice3A_409 = vector.extract_strided_slice %gather3A_390 {offsets = [1], sizes = [1], strides = [1]} : vector<16xi32> to vector<1xi32>
            %squeeze3A_410 = vector.extract %slice3A_409[0] : i32 from vector<1xi32>
            %add3A_411 = arith.constant 1 : i32
            %add3A_412 = arith.addi %mul3A_392, %add3A_411 : i32
            %dma_start3A_413 = arith.constant 0 : i32
            %dma_start3A_414 = tpu.memref_slice %arg8[%add3A_412, %dma_start3A_413] : memref<200x64xf32, #tpu.memory_space<vmem>> -> memref<1x64xf32, #tpu.memory_space<vmem>>
            %dma_start3A_415 = tpu.memref_squeeze %dma_start3A_414 : memref<1x64xf32, #tpu.memory_space<vmem>> -> memref<64xf32, #tpu.memory_space<vmem>>
            %dma_start3A_416 = arith.constant 0 : i32
            %dma_start3A_417 = tpu.memref_slice %arg4[%squeeze3A_410, %dma_start3A_416] : memref<1000000x64xf32, #tpu.memory_space<hbm>> -> memref<1x64xf32, #tpu.memory_space<hbm>>
            %dma_start3A_418 = tpu.memref_squeeze %dma_start3A_417 : memref<1x64xf32, #tpu.memory_space<hbm>> -> memref<64xf32, #tpu.memory_space<hbm>>
            %dma_start3A_419 = arith.constant 0 : i32
            %dma_start3A_420 = tpu.memref_slice %arg8[%add3A_412, %dma_start3A_419] : memref<200x64xf32, #tpu.memory_space<vmem>> -> memref<1x64xf32, #tpu.memory_space<vmem>>
            %dma_start3A_421 = tpu.memref_squeeze %dma_start3A_420 : memref<1x64xf32, #tpu.memory_space<vmem>> -> memref<64xf32, #tpu.memory_space<vmem>>
            %dma_start3A_422 = arith.constant 0 : i32
            %dma_start3A_423 = tpu.memref_slice %arg4[%squeeze3A_410, %dma_start3A_422] : memref<1000000x64xf32, #tpu.memory_space<hbm>> -> memref<1x64xf32, #tpu.memory_space<hbm>>
            %dma_start3A_424 = tpu.memref_squeeze %dma_start3A_423 : memref<1x64xf32, #tpu.memory_space<hbm>> -> memref<64xf32, #tpu.memory_space<hbm>>
            tpu.enqueue_dma source(%dma_start3A_424 : memref<64xf32, #tpu.memory_space<hbm>>) target(%dma_start3A_421 : memref<64xf32, #tpu.memory_space<vmem>>) target_semaphore(%arg10 : memref<!tpu.dma_semaphore, #tpu.memory_space<semaphore_mem>>)
            %slice3A_425 = vector.extract_strided_slice %gather3A_390 {offsets = [2], sizes = [1], strides = [1]} : vector<16xi32> to vector<1xi32>
            %squeeze3A_426 = vector.extract %slice3A_425[0] : i32 from vector<1xi32>
            %add3A_427 = arith.constant 2 : i32
            %add3A_428 = arith.addi %mul3A_392, %add3A_427 : i32
            %dma_start3A_429 = arith.constant 0 : i32
            %dma_start3A_430 = tpu.memref_slice %arg8[%add3A_428, %dma_start3A_429] : memref<200x64xf32, #tpu.memory_space<vmem>> -> memref<1x64xf32, #tpu.memory_space<vmem>>
            %dma_start3A_431 = tpu.memref_squeeze %dma_start3A_430 : memref<1x64xf32, #tpu.memory_space<vmem>> -> memref<64xf32, #tpu.memory_space<vmem>>
            %dma_start3A_432 = arith.constant 0 : i32
            %dma_start3A_433 = tpu.memref_slice %arg4[%squeeze3A_426, %dma_start3A_432] : memref<1000000x64xf32, #tpu.memory_space<hbm>> -> memref<1x64xf32, #tpu.memory_space<hbm>>
            %dma_start3A_434 = tpu.memref_squeeze %dma_start3A_433 : memref<1x64xf32, #tpu.memory_space<hbm>> -> memref<64xf32, #tpu.memory_space<hbm>>
            %dma_start3A_435 = arith.constant 0 : i32
            %dma_start3A_436 = tpu.memref_slice %arg8[%add3A_428, %dma_start3A_435] : memref<200x64xf32, #tpu.memory_space<vmem>> -> memref<1x64xf32, #tpu.memory_space<vmem>>
            %dma_start3A_437 = tpu.memref_squeeze %dma_start3A_436 : memref<1x64xf32, #tpu.memory_space<vmem>> -> memref<64xf32, #tpu.memory_space<vmem>>
            %dma_start3A_438 = arith.constant 0 : i32
            %dma_start3A_439 = tpu.memref_slice %arg4[%squeeze3A_426, %dma_start3A_438] : memref<1000000x64xf32, #tpu.memory_space<hbm>> -> memref<1x64xf32, #tpu.memory_space<hbm>>
            %dma_start3A_440 = tpu.memref_squeeze %dma_start3A_439 : memref<1x64xf32, #tpu.memory_space<hbm>> -> memref<64xf32, #tpu.memory_space<hbm>>
            tpu.enqueue_dma source(%dma_start3A_440 : memref<64xf32, #tpu.memory_space<hbm>>) target(%dma_start3A_437 : memref<64xf32, #tpu.memory_space<vmem>>) target_semaphore(%arg10 : memref<!tpu.dma_semaphore, #tpu.memory_space<semaphore_mem>>)
            %slice3A_441 = vector.extract_strided_slice %gather3A_390 {offsets = [3], sizes = [1], strides = [1]} : vector<16xi32> to vector<1xi32>
            %squeeze3A_442 = vector.extract %slice3A_441[0] : i32 from vector<1xi32>
            %add3A_443 = arith.constant 3 : i32
            %add3A_444 = arith.addi %mul3A_392, %add3A_443 : i32
            %dma_start3A_445 = arith.constant 0 : i32
            %dma_start3A_446 = tpu.memref_slice %arg8[%add3A_444, %dma_start3A_445] : memref<200x64xf32, #tpu.memory_space<vmem>> -> memref<1x64xf32, #tpu.memory_space<vmem>>
            %dma_start3A_447 = tpu.memref_squeeze %dma_start3A_446 : memref<1x64xf32, #tpu.memory_space<vmem>> -> memref<64xf32, #tpu.memory_space<vmem>>
            %dma_start3A_448 = arith.constant 0 : i32
            %dma_start3A_449 = tpu.memref_slice %arg4[%squeeze3A_442, %dma_start3A_448] : memref<1000000x64xf32, #tpu.memory_space<hbm>> -> memref<1x64xf32, #tpu.memory_space<hbm>>
            %dma_start3A_450 = tpu.memref_squeeze %dma_start3A_449 : memref<1x64xf32, #tpu.memory_space<hbm>> -> memref<64xf32, #tpu.memory_space<hbm>>
            %dma_start3A_451 = arith.constant 0 : i32
            %dma_start3A_452 = tpu.memref_slice %arg8[%add3A_444, %dma_start3A_451] : memref<200x64xf32, #tpu.memory_space<vmem>> -> memref<1x64xf32, #tpu.memory_space<vmem>>
            %dma_start3A_453 = tpu.memref_squeeze %dma_start3A_452 : memref<1x64xf32, #tpu.memory_space<vmem>> -> memref<64xf32, #tpu.memory_space<vmem>>
            %dma_start3A_454 = arith.constant 0 : i32
            %dma_start3A_455 = tpu.memref_slice %arg4[%squeeze3A_442, %dma_start3A_454] : memref<1000000x64xf32, #tpu.memory_space<hbm>> -> memref<1x64xf32, #tpu.memory_space<hbm>>
            %dma_start3A_456 = tpu.memref_squeeze %dma_start3A_455 : memref<1x64xf32, #tpu.memory_space<hbm>> -> memref<64xf32, #tpu.memory_space<hbm>>
            tpu.enqueue_dma source(%dma_start3A_456 : memref<64xf32, #tpu.memory_space<hbm>>) target(%dma_start3A_453 : memref<64xf32, #tpu.memory_space<vmem>>) target_semaphore(%arg10 : memref<!tpu.dma_semaphore, #tpu.memory_space<semaphore_mem>>)
            %slice3A_457 = vector.extract_strided_slice %gather3A_390 {offsets = [4], sizes = [1], strides = [1]} : vector<16xi32> to vector<1xi32>
            %squeeze3A_458 = vector.extract %slice3A_457[0] : i32 from vector<1xi32>
            %add3A_459 = arith.constant 4 : i32
            %add3A_460 = arith.addi %mul3A_392, %add3A_459 : i32
            %dma_start3A_461 = arith.constant 0 : i32
            %dma_start3A_462 = tpu.memref_slice %arg8[%add3A_460, %dma_start3A_461] : memref<200x64xf32, #tpu.memory_space<vmem>> -> memref<1x64xf32, #tpu.memory_space<vmem>>
            %dma_start3A_463 = tpu.memref_squeeze %dma_start3A_462 : memref<1x64xf32, #tpu.memory_space<vmem>> -> memref<64xf32, #tpu.memory_space<vmem>>
            %dma_start3A_464 = arith.constant 0 : i32
            %dma_start3A_465 = tpu.memref_slice %arg4[%squeeze3A_458, %dma_start3A_464] : memref<1000000x64xf32, #tpu.memory_space<hbm>> -> memref<1x64xf32, #tpu.memory_space<hbm>>
            %dma_start3A_466 = tpu.memref_squeeze %dma_start3A_465 : memref<1x64xf32, #tpu.memory_space<hbm>> -> memref<64xf32, #tpu.memory_space<hbm>>
            %dma_start3A_467 = arith.constant 0 : i32
            %dma_start3A_468 = tpu.memref_slice %arg8[%add3A_460, %dma_start3A_467] : memref<200x64xf32, #tpu.memory_space<vmem>> -> memref<1x64xf32, #tpu.memory_space<vmem>>
            %dma_start3A_469 = tpu.memref_squeeze %dma_start3A_468 : memref<1x64xf32, #tpu.memory_space<vmem>> -> memref<64xf32, #tpu.memory_space<vmem>>
            %dma_start3A_470 = arith.constant 0 : i32
            %dma_start3A_471 = tpu.memref_slice %arg4[%squeeze3A_458, %dma_start3A_470] : memref<1000000x64xf32, #tpu.memory_space<hbm>> -> memref<1x64xf32, #tpu.memory_space<hbm>>
            %dma_start3A_472 = tpu.memref_squeeze %dma_start3A_471 : memref<1x64xf32, #tpu.memory_space<hbm>> -> memref<64xf32, #tpu.memory_space<hbm>>
            tpu.enqueue_dma source(%dma_start3A_472 : memref<64xf32, #tpu.memory_space<hbm>>) target(%dma_start3A_469 : memref<64xf32, #tpu.memory_space<vmem>>) target_semaphore(%arg10 : memref<!tpu.dma_semaphore, #tpu.memory_space<semaphore_mem>>)
            %slice3A_473 = vector.extract_strided_slice %gather3A_390 {offsets = [5], sizes = [1], strides = [1]} : vector<16xi32> to vector<1xi32>
            %squeeze3A_474 = vector.extract %slice3A_473[0] : i32 from vector<1xi32>
            %add3A_475 = arith.constant 5 : i32
            %add3A_476 = arith.addi %mul3A_392, %add3A_475 : i32
            %dma_start3A_477 = arith.constant 0 : i32
            %dma_start3A_478 = tpu.memref_slice %arg8[%add3A_476, %dma_start3A_477] : memref<200x64xf32, #tpu.memory_space<vmem>> -> memref<1x64xf32, #tpu.memory_space<vmem>>
            %dma_start3A_479 = tpu.memref_squeeze %dma_start3A_478 : memref<1x64xf32, #tpu.memory_space<vmem>> -> memref<64xf32, #tpu.memory_space<vmem>>
            %dma_start3A_480 = arith.constant 0 : i32
            %dma_start3A_481 = tpu.memref_slice %arg4[%squeeze3A_474, %dma_start3A_480] : memref<1000000x64xf32, #tpu.memory_space<hbm>> -> memref<1x64xf32, #tpu.memory_space<hbm>>
            %dma_start3A_482 = tpu.memref_squeeze %dma_start3A_481 : memref<1x64xf32, #tpu.memory_space<hbm>> -> memref<64xf32, #tpu.memory_space<hbm>>
            %dma_start3A_483 = arith.constant 0 : i32
            %dma_start3A_484 = tpu.memref_slice %arg8[%add3A_476, %dma_start3A_483] : memref<200x64xf32, #tpu.memory_space<vmem>> -> memref<1x64xf32, #tpu.memory_space<vmem>>
            %dma_start3A_485 = tpu.memref_squeeze %dma_start3A_484 : memref<1x64xf32, #tpu.memory_space<vmem>> -> memref<64xf32, #tpu.memory_space<vmem>>
            %dma_start3A_486 = arith.constant 0 : i32
            %dma_start3A_487 = tpu.memref_slice %arg4[%squeeze3A_474, %dma_start3A_486] : memref<1000000x64xf32, #tpu.memory_space<hbm>> -> memref<1x64xf32, #tpu.memory_space<hbm>>
            %dma_start3A_488 = tpu.memref_squeeze %dma_start3A_487 : memref<1x64xf32, #tpu.memory_space<hbm>> -> memref<64xf32, #tpu.memory_space<hbm>>
            tpu.enqueue_dma source(%dma_start3A_488 : memref<64xf32, #tpu.memory_space<hbm>>) target(%dma_start3A_485 : memref<64xf32, #tpu.memory_space<vmem>>) target_semaphore(%arg10 : memref<!tpu.dma_semaphore, #tpu.memory_space<semaphore_mem>>)
            %slice3A_489 = vector.extract_strided_slice %gather3A_390 {offsets = [6], sizes = [1], strides = [1]} : vector<16xi32> to vector<1xi32>
            %squeeze3A_490 = vector.extract %slice3A_489[0] : i32 from vector<1xi32>
            %add3A_491 = arith.constant 6 : i32
            %add3A_492 = arith.addi %mul3A_392, %add3A_491 : i32
            %dma_start3A_493 = arith.constant 0 : i32
            %dma_start3A_494 = tpu.memref_slice %arg8[%add3A_492, %dma_start3A_493] : memref<200x64xf32, #tpu.memory_space<vmem>> -> memref<1x64xf32, #tpu.memory_space<vmem>>
            %dma_start3A_495 = tpu.memref_squeeze %dma_start3A_494 : memref<1x64xf32, #tpu.memory_space<vmem>> -> memref<64xf32, #tpu.memory_space<vmem>>
            %dma_start3A_496 = arith.constant 0 : i32
            %dma_start3A_497 = tpu.memref_slice %arg4[%squeeze3A_490, %dma_start3A_496] : memref<1000000x64xf32, #tpu.memory_space<hbm>> -> memref<1x64xf32, #tpu.memory_space<hbm>>
            %dma_start3A_498 = tpu.memref_squeeze %dma_start3A_497 : memref<1x64xf32, #tpu.memory_space<hbm>> -> memref<64xf32, #tpu.memory_space<hbm>>
            %dma_start3A_499 = arith.constant 0 : i32
            %dma_start3A_500 = tpu.memref_slice %arg8[%add3A_492, %dma_start3A_499] : memref<200x64xf32, #tpu.memory_space<vmem>> -> memref<1x64xf32, #tpu.memory_space<vmem>>
            %dma_start3A_501 = tpu.memref_squeeze %dma_start3A_500 : memref<1x64xf32, #tpu.memory_space<vmem>> -> memref<64xf32, #tpu.memory_space<vmem>>
            %dma_start3A_502 = arith.constant 0 : i32
            %dma_start3A_503 = tpu.memref_slice %arg4[%squeeze3A_490, %dma_start3A_502] : memref<1000000x64xf32, #tpu.memory_space<hbm>> -> memref<1x64xf32, #tpu.memory_space<hbm>>
            %dma_start3A_504 = tpu.memref_squeeze %dma_start3A_503 : memref<1x64xf32, #tpu.memory_space<hbm>> -> memref<64xf32, #tpu.memory_space<hbm>>
            tpu.enqueue_dma source(%dma_start3A_504 : memref<64xf32, #tpu.memory_space<hbm>>) target(%dma_start3A_501 : memref<64xf32, #tpu.memory_space<vmem>>) target_semaphore(%arg10 : memref<!tpu.dma_semaphore, #tpu.memory_space<semaphore_mem>>)
            %slice3A_505 = vector.extract_strided_slice %gather3A_390 {offsets = [7], sizes = [1], strides = [1]} : vector<16xi32> to vector<1xi32>
            %squeeze3A_506 = vector.extract %slice3A_505[0] : i32 from vector<1xi32>
            %add3A_507 = arith.constant 7 : i32
            %add3A_508 = arith.addi %mul3A_392, %add3A_507 : i32
            %dma_start3A_509 = arith.constant 0 : i32
            %dma_start3A_510 = tpu.memref_slice %arg8[%add3A_508, %dma_start3A_509] : memref<200x64xf32, #tpu.memory_space<vmem>> -> memref<1x64xf32, #tpu.memory_space<vmem>>
            %dma_start3A_511 = tpu.memref_squeeze %dma_start3A_510 : memref<1x64xf32, #tpu.memory_space<vmem>> -> memref<64xf32, #tpu.memory_space<vmem>>
            %dma_start3A_512 = arith.constant 0 : i32
            %dma_start3A_513 = tpu.memref_slice %arg4[%squeeze3A_506, %dma_start3A_512] : memref<1000000x64xf32, #tpu.memory_space<hbm>> -> memref<1x64xf32, #tpu.memory_space<hbm>>
            %dma_start3A_514 = tpu.memref_squeeze %dma_start3A_513 : memref<1x64xf32, #tpu.memory_space<hbm>> -> memref<64xf32, #tpu.memory_space<hbm>>
            %dma_start3A_515 = arith.constant 0 : i32
            %dma_start3A_516 = tpu.memref_slice %arg8[%add3A_508, %dma_start3A_515] : memref<200x64xf32, #tpu.memory_space<vmem>> -> memref<1x64xf32, #tpu.memory_space<vmem>>
            %dma_start3A_517 = tpu.memref_squeeze %dma_start3A_516 : memref<1x64xf32, #tpu.memory_space<vmem>> -> memref<64xf32, #tpu.memory_space<vmem>>
            %dma_start3A_518 = arith.constant 0 : i32
            %dma_start3A_519 = tpu.memref_slice %arg4[%squeeze3A_506, %dma_start3A_518] : memref<1000000x64xf32, #tpu.memory_space<hbm>> -> memref<1x64xf32, #tpu.memory_space<hbm>>
            %dma_start3A_520 = tpu.memref_squeeze %dma_start3A_519 : memref<1x64xf32, #tpu.memory_space<hbm>> -> memref<64xf32, #tpu.memory_space<hbm>>
            tpu.enqueue_dma source(%dma_start3A_520 : memref<64xf32, #tpu.memory_space<hbm>>) target(%dma_start3A_517 : memref<64xf32, #tpu.memory_space<vmem>>) target_semaphore(%arg10 : memref<!tpu.dma_semaphore, #tpu.memory_space<semaphore_mem>>)
            %slice3A_521 = vector.extract_strided_slice %gather3A_390 {offsets = [8], sizes = [1], strides = [1]} : vector<16xi32> to vector<1xi32>
            %squeeze3A_522 = vector.extract %slice3A_521[0] : i32 from vector<1xi32>
            %add3A_523 = arith.constant 8 : i32
            %add3A_524 = arith.addi %mul3A_392, %add3A_523 : i32
            %dma_start3A_525 = arith.constant 0 : i32
            %dma_start3A_526 = tpu.memref_slice %arg8[%add3A_524, %dma_start3A_525] : memref<200x64xf32, #tpu.memory_space<vmem>> -> memref<1x64xf32, #tpu.memory_space<vmem>>
            %dma_start3A_527 = tpu.memref_squeeze %dma_start3A_526 : memref<1x64xf32, #tpu.memory_space<vmem>> -> memref<64xf32, #tpu.memory_space<vmem>>
            %dma_start3A_528 = arith.constant 0 : i32
            %dma_start3A_529 = tpu.memref_slice %arg4[%squeeze3A_522, %dma_start3A_528] : memref<1000000x64xf32, #tpu.memory_space<hbm>> -> memref<1x64xf32, #tpu.memory_space<hbm>>
            %dma_start3A_530 = tpu.memref_squeeze %dma_start3A_529 : memref<1x64xf32, #tpu.memory_space<hbm>> -> memref<64xf32, #tpu.memory_space<hbm>>
            %dma_start3A_531 = arith.constant 0 : i32
            %dma_start3A_532 = tpu.memref_slice %arg8[%add3A_524, %dma_start3A_531] : memref<200x64xf32, #tpu.memory_space<vmem>> -> memref<1x64xf32, #tpu.memory_space<vmem>>
            %dma_start3A_533 = tpu.memref_squeeze %dma_start3A_532 : memref<1x64xf32, #tpu.memory_space<vmem>> -> memref<64xf32, #tpu.memory_space<vmem>>
            %dma_start3A_534 = arith.constant 0 : i32
            %dma_start3A_535 = tpu.memref_slice %arg4[%squeeze3A_522, %dma_start3A_534] : memref<1000000x64xf32, #tpu.memory_space<hbm>> -> memref<1x64xf32, #tpu.memory_space<hbm>>
            %dma_start3A_536 = tpu.memref_squeeze %dma_start3A_535 : memref<1x64xf32, #tpu.memory_space<hbm>> -> memref<64xf32, #tpu.memory_space<hbm>>
            tpu.enqueue_dma source(%dma_start3A_536 : memref<64xf32, #tpu.memory_space<hbm>>) target(%dma_start3A_533 : memref<64xf32, #tpu.memory_space<vmem>>) target_semaphore(%arg10 : memref<!tpu.dma_semaphore, #tpu.memory_space<semaphore_mem>>)
            %slice3A_537 = vector.extract_strided_slice %gather3A_390 {offsets = [9], sizes = [1], strides = [1]} : vector<16xi32> to vector<1xi32>
            %squeeze3A_538 = vector.extract %slice3A_537[0] : i32 from vector<1xi32>
            %add3A_539 = arith.constant 9 : i32
            %add3A_540 = arith.addi %mul3A_392, %add3A_539 : i32
            %dma_start3A_541 = arith.constant 0 : i32
            %dma_start3A_542 = tpu.memref_slice %arg8[%add3A_540, %dma_start3A_541] : memref<200x64xf32, #tpu.memory_space<vmem>> -> memref<1x64xf32, #tpu.memory_space<vmem>>
            %dma_start3A_543 = tpu.memref_squeeze %dma_start3A_542 : memref<1x64xf32, #tpu.memory_space<vmem>> -> memref<64xf32, #tpu.memory_space<vmem>>
            %dma_start3A_544 = arith.constant 0 : i32
            %dma_start3A_545 = tpu.memref_slice %arg4[%squeeze3A_538, %dma_start3A_544] : memref<1000000x64xf32, #tpu.memory_space<hbm>> -> memref<1x64xf32, #tpu.memory_space<hbm>>
            %dma_start3A_546 = tpu.memref_squeeze %dma_start3A_545 : memref<1x64xf32, #tpu.memory_space<hbm>> -> memref<64xf32, #tpu.memory_space<hbm>>
            %dma_start3A_547 = arith.constant 0 : i32
            %dma_start3A_548 = tpu.memref_slice %arg8[%add3A_540, %dma_start3A_547] : memref<200x64xf32, #tpu.memory_space<vmem>> -> memref<1x64xf32, #tpu.memory_space<vmem>>
            %dma_start3A_549 = tpu.memref_squeeze %dma_start3A_548 : memref<1x64xf32, #tpu.memory_space<vmem>> -> memref<64xf32, #tpu.memory_space<vmem>>
            %dma_start3A_550 = arith.constant 0 : i32
            %dma_start3A_551 = tpu.memref_slice %arg4[%squeeze3A_538, %dma_start3A_550] : memref<1000000x64xf32, #tpu.memory_space<hbm>> -> memref<1x64xf32, #tpu.memory_space<hbm>>
            %dma_start3A_552 = tpu.memref_squeeze %dma_start3A_551 : memref<1x64xf32, #tpu.memory_space<hbm>> -> memref<64xf32, #tpu.memory_space<hbm>>
            tpu.enqueue_dma source(%dma_start3A_552 : memref<64xf32, #tpu.memory_space<hbm>>) target(%dma_start3A_549 : memref<64xf32, #tpu.memory_space<vmem>>) target_semaphore(%arg10 : memref<!tpu.dma_semaphore, #tpu.memory_space<semaphore_mem>>)
            %slice3A_553 = vector.extract_strided_slice %gather3A_390 {offsets = [10], sizes = [1], strides = [1]} : vector<16xi32> to vector<1xi32>
            %squeeze3A_554 = vector.extract %slice3A_553[0] : i32 from vector<1xi32>
            %add3A_555 = arith.constant 10 : i32
            %add3A_556 = arith.addi %mul3A_392, %add3A_555 : i32
            %dma_start3A_557 = arith.constant 0 : i32
            %dma_start3A_558 = tpu.memref_slice %arg8[%add3A_556, %dma_start3A_557] : memref<200x64xf32, #tpu.memory_space<vmem>> -> memref<1x64xf32, #tpu.memory_space<vmem>>
            %dma_start3A_559 = tpu.memref_squeeze %dma_start3A_558 : memref<1x64xf32, #tpu.memory_space<vmem>> -> memref<64xf32, #tpu.memory_space<vmem>>
            %dma_start3A_560 = arith.constant 0 : i32
            %dma_start3A_561 = tpu.memref_slice %arg4[%squeeze3A_554, %dma_start3A_560] : memref<1000000x64xf32, #tpu.memory_space<hbm>> -> memref<1x64xf32, #tpu.memory_space<hbm>>
            %dma_start3A_562 = tpu.memref_squeeze %dma_start3A_561 : memref<1x64xf32, #tpu.memory_space<hbm>> -> memref<64xf32, #tpu.memory_space<hbm>>
            %dma_start3A_563 = arith.constant 0 : i32
            %dma_start3A_564 = tpu.memref_slice %arg8[%add3A_556, %dma_start3A_563] : memref<200x64xf32, #tpu.memory_space<vmem>> -> memref<1x64xf32, #tpu.memory_space<vmem>>
            %dma_start3A_565 = tpu.memref_squeeze %dma_start3A_564 : memref<1x64xf32, #tpu.memory_space<vmem>> -> memref<64xf32, #tpu.memory_space<vmem>>
            %dma_start3A_566 = arith.constant 0 : i32
            %dma_start3A_567 = tpu.memref_slice %arg4[%squeeze3A_554, %dma_start3A_566] : memref<1000000x64xf32, #tpu.memory_space<hbm>> -> memref<1x64xf32, #tpu.memory_space<hbm>>
            %dma_start3A_568 = tpu.memref_squeeze %dma_start3A_567 : memref<1x64xf32, #tpu.memory_space<hbm>> -> memref<64xf32, #tpu.memory_space<hbm>>
            tpu.enqueue_dma source(%dma_start3A_568 : memref<64xf32, #tpu.memory_space<hbm>>) target(%dma_start3A_565 : memref<64xf32, #tpu.memory_space<vmem>>) target_semaphore(%arg10 : memref<!tpu.dma_semaphore, #tpu.memory_space<semaphore_mem>>)
            %slice3A_569 = vector.extract_strided_slice %gather3A_390 {offsets = [11], sizes = [1], strides = [1]} : vector<16xi32> to vector<1xi32>
            %squeeze3A_570 = vector.extract %slice3A_569[0] : i32 from vector<1xi32>
            %add3A_571 = arith.constant 11 : i32
            %add3A_572 = arith.addi %mul3A_392, %add3A_571 : i32
            %dma_start3A_573 = arith.constant 0 : i32
            %dma_start3A_574 = tpu.memref_slice %arg8[%add3A_572, %dma_start3A_573] : memref<200x64xf32, #tpu.memory_space<vmem>> -> memref<1x64xf32, #tpu.memory_space<vmem>>
            %dma_start3A_575 = tpu.memref_squeeze %dma_start3A_574 : memref<1x64xf32, #tpu.memory_space<vmem>> -> memref<64xf32, #tpu.memory_space<vmem>>
            %dma_start3A_576 = arith.constant 0 : i32
            %dma_start3A_577 = tpu.memref_slice %arg4[%squeeze3A_570, %dma_start3A_576] : memref<1000000x64xf32, #tpu.memory_space<hbm>> -> memref<1x64xf32, #tpu.memory_space<hbm>>
            %dma_start3A_578 = tpu.memref_squeeze %dma_start3A_577 : memref<1x64xf32, #tpu.memory_space<hbm>> -> memref<64xf32, #tpu.memory_space<hbm>>
            %dma_start3A_579 = arith.constant 0 : i32
            %dma_start3A_580 = tpu.memref_slice %arg8[%add3A_572, %dma_start3A_579] : memref<200x64xf32, #tpu.memory_space<vmem>> -> memref<1x64xf32, #tpu.memory_space<vmem>>
            %dma_start3A_581 = tpu.memref_squeeze %dma_start3A_580 : memref<1x64xf32, #tpu.memory_space<vmem>> -> memref<64xf32, #tpu.memory_space<vmem>>
            %dma_start3A_582 = arith.constant 0 : i32
            %dma_start3A_583 = tpu.memref_slice %arg4[%squeeze3A_570, %dma_start3A_582] : memref<1000000x64xf32, #tpu.memory_space<hbm>> -> memref<1x64xf32, #tpu.memory_space<hbm>>
            %dma_start3A_584 = tpu.memref_squeeze %dma_start3A_583 : memref<1x64xf32, #tpu.memory_space<hbm>> -> memref<64xf32, #tpu.memory_space<hbm>>
            tpu.enqueue_dma source(%dma_start3A_584 : memref<64xf32, #tpu.memory_space<hbm>>) target(%dma_start3A_581 : memref<64xf32, #tpu.memory_space<vmem>>) target_semaphore(%arg10 : memref<!tpu.dma_semaphore, #tpu.memory_space<semaphore_mem>>)
            %slice3A_585 = vector.extract_strided_slice %gather3A_390 {offsets = [12], sizes = [1], strides = [1]} : vector<16xi32> to vector<1xi32>
            %squeeze3A_586 = vector.extract %slice3A_585[0] : i32 from vector<1xi32>
            %add3A_587 = arith.constant 12 : i32
            %add3A_588 = arith.addi %mul3A_392, %add3A_587 : i32
            %dma_start3A_589 = arith.constant 0 : i32
            %dma_start3A_590 = tpu.memref_slice %arg8[%add3A_588, %dma_start3A_589] : memref<200x64xf32, #tpu.memory_space<vmem>> -> memref<1x64xf32, #tpu.memory_space<vmem>>
            %dma_start3A_591 = tpu.memref_squeeze %dma_start3A_590 : memref<1x64xf32, #tpu.memory_space<vmem>> -> memref<64xf32, #tpu.memory_space<vmem>>
            %dma_start3A_592 = arith.constant 0 : i32
            %dma_start3A_593 = tpu.memref_slice %arg4[%squeeze3A_586, %dma_start3A_592] : memref<1000000x64xf32, #tpu.memory_space<hbm>> -> memref<1x64xf32, #tpu.memory_space<hbm>>
            %dma_start3A_594 = tpu.memref_squeeze %dma_start3A_593 : memref<1x64xf32, #tpu.memory_space<hbm>> -> memref<64xf32, #tpu.memory_space<hbm>>
            %dma_start3A_595 = arith.constant 0 : i32
            %dma_start3A_596 = tpu.memref_slice %arg8[%add3A_588, %dma_start3A_595] : memref<200x64xf32, #tpu.memory_space<vmem>> -> memref<1x64xf32, #tpu.memory_space<vmem>>
            %dma_start3A_597 = tpu.memref_squeeze %dma_start3A_596 : memref<1x64xf32, #tpu.memory_space<vmem>> -> memref<64xf32, #tpu.memory_space<vmem>>
            %dma_start3A_598 = arith.constant 0 : i32
            %dma_start3A_599 = tpu.memref_slice %arg4[%squeeze3A_586, %dma_start3A_598] : memref<1000000x64xf32, #tpu.memory_space<hbm>> -> memref<1x64xf32, #tpu.memory_space<hbm>>
            %dma_start3A_600 = tpu.memref_squeeze %dma_start3A_599 : memref<1x64xf32, #tpu.memory_space<hbm>> -> memref<64xf32, #tpu.memory_space<hbm>>
            tpu.enqueue_dma source(%dma_start3A_600 : memref<64xf32, #tpu.memory_space<hbm>>) target(%dma_start3A_597 : memref<64xf32, #tpu.memory_space<vmem>>) target_semaphore(%arg10 : memref<!tpu.dma_semaphore, #tpu.memory_space<semaphore_mem>>)
            %slice3A_601 = vector.extract_strided_slice %gather3A_390 {offsets = [13], sizes = [1], strides = [1]} : vector<16xi32> to vector<1xi32>
            %squeeze3A_602 = vector.extract %slice3A_601[0] : i32 from vector<1xi32>
            %add3A_603 = arith.constant 13 : i32
            %add3A_604 = arith.addi %mul3A_392, %add3A_603 : i32
            %dma_start3A_605 = arith.constant 0 : i32
            %dma_start3A_606 = tpu.memref_slice %arg8[%add3A_604, %dma_start3A_605] : memref<200x64xf32, #tpu.memory_space<vmem>> -> memref<1x64xf32, #tpu.memory_space<vmem>>
            %dma_start3A_607 = tpu.memref_squeeze %dma_start3A_606 : memref<1x64xf32, #tpu.memory_space<vmem>> -> memref<64xf32, #tpu.memory_space<vmem>>
            %dma_start3A_608 = arith.constant 0 : i32
            %dma_start3A_609 = tpu.memref_slice %arg4[%squeeze3A_602, %dma_start3A_608] : memref<1000000x64xf32, #tpu.memory_space<hbm>> -> memref<1x64xf32, #tpu.memory_space<hbm>>
            %dma_start3A_610 = tpu.memref_squeeze %dma_start3A_609 : memref<1x64xf32, #tpu.memory_space<hbm>> -> memref<64xf32, #tpu.memory_space<hbm>>
            %dma_start3A_611 = arith.constant 0 : i32
            %dma_start3A_612 = tpu.memref_slice %arg8[%add3A_604, %dma_start3A_611] : memref<200x64xf32, #tpu.memory_space<vmem>> -> memref<1x64xf32, #tpu.memory_space<vmem>>
            %dma_start3A_613 = tpu.memref_squeeze %dma_start3A_612 : memref<1x64xf32, #tpu.memory_space<vmem>> -> memref<64xf32, #tpu.memory_space<vmem>>
            %dma_start3A_614 = arith.constant 0 : i32
            %dma_start3A_615 = tpu.memref_slice %arg4[%squeeze3A_602, %dma_start3A_614] : memref<1000000x64xf32, #tpu.memory_space<hbm>> -> memref<1x64xf32, #tpu.memory_space<hbm>>
            %dma_start3A_616 = tpu.memref_squeeze %dma_start3A_615 : memref<1x64xf32, #tpu.memory_space<hbm>> -> memref<64xf32, #tpu.memory_space<hbm>>
            tpu.enqueue_dma source(%dma_start3A_616 : memref<64xf32, #tpu.memory_space<hbm>>) target(%dma_start3A_613 : memref<64xf32, #tpu.memory_space<vmem>>) target_semaphore(%arg10 : memref<!tpu.dma_semaphore, #tpu.memory_space<semaphore_mem>>)
            %slice3A_617 = vector.extract_strided_slice %gather3A_390 {offsets = [14], sizes = [1], strides = [1]} : vector<16xi32> to vector<1xi32>
            %squeeze3A_618 = vector.extract %slice3A_617[0] : i32 from vector<1xi32>
            %add3A_619 = arith.constant 14 : i32
            %add3A_620 = arith.addi %mul3A_392, %add3A_619 : i32
            %dma_start3A_621 = arith.constant 0 : i32
            %dma_start3A_622 = tpu.memref_slice %arg8[%add3A_620, %dma_start3A_621] : memref<200x64xf32, #tpu.memory_space<vmem>> -> memref<1x64xf32, #tpu.memory_space<vmem>>
            %dma_start3A_623 = tpu.memref_squeeze %dma_start3A_622 : memref<1x64xf32, #tpu.memory_space<vmem>> -> memref<64xf32, #tpu.memory_space<vmem>>
            %dma_start3A_624 = arith.constant 0 : i32
            %dma_start3A_625 = tpu.memref_slice %arg4[%squeeze3A_618, %dma_start3A_624] : memref<1000000x64xf32, #tpu.memory_space<hbm>> -> memref<1x64xf32, #tpu.memory_space<hbm>>
            %dma_start3A_626 = tpu.memref_squeeze %dma_start3A_625 : memref<1x64xf32, #tpu.memory_space<hbm>> -> memref<64xf32, #tpu.memory_space<hbm>>
            %dma_start3A_627 = arith.constant 0 : i32
            %dma_start3A_628 = tpu.memref_slice %arg8[%add3A_620, %dma_start3A_627] : memref<200x64xf32, #tpu.memory_space<vmem>> -> memref<1x64xf32, #tpu.memory_space<vmem>>
            %dma_start3A_629 = tpu.memref_squeeze %dma_start3A_628 : memref<1x64xf32, #tpu.memory_space<vmem>> -> memref<64xf32, #tpu.memory_space<vmem>>
            %dma_start3A_630 = arith.constant 0 : i32
            %dma_start3A_631 = tpu.memref_slice %arg4[%squeeze3A_618, %dma_start3A_630] : memref<1000000x64xf32, #tpu.memory_space<hbm>> -> memref<1x64xf32, #tpu.memory_space<hbm>>
            %dma_start3A_632 = tpu.memref_squeeze %dma_start3A_631 : memref<1x64xf32, #tpu.memory_space<hbm>> -> memref<64xf32, #tpu.memory_space<hbm>>
            tpu.enqueue_dma source(%dma_start3A_632 : memref<64xf32, #tpu.memory_space<hbm>>) target(%dma_start3A_629 : memref<64xf32, #tpu.memory_space<vmem>>) target_semaphore(%arg10 : memref<!tpu.dma_semaphore, #tpu.memory_space<semaphore_mem>>)
            %slice3A_633 = vector.extract_strided_slice %gather3A_390 {offsets = [15], sizes = [1], strides = [1]} : vector<16xi32> to vector<1xi32>
            %squeeze3A_634 = vector.extract %slice3A_633[0] : i32 from vector<1xi32>
            %add3A_635 = arith.constant 15 : i32
            %add3A_636 = arith.addi %mul3A_392, %add3A_635 : i32
            %dma_start3A_637 = arith.constant 0 : i32
            %dma_start3A_638 = tpu.memref_slice %arg8[%add3A_636, %dma_start3A_637] : memref<200x64xf32, #tpu.memory_space<vmem>> -> memref<1x64xf32, #tpu.memory_space<vmem>>
            %dma_start3A_639 = tpu.memref_squeeze %dma_start3A_638 : memref<1x64xf32, #tpu.memory_space<vmem>> -> memref<64xf32, #tpu.memory_space<vmem>>
            %dma_start3A_640 = arith.constant 0 : i32
            %dma_start3A_641 = tpu.memref_slice %arg4[%squeeze3A_634, %dma_start3A_640] : memref<1000000x64xf32, #tpu.memory_space<hbm>> -> memref<1x64xf32, #tpu.memory_space<hbm>>
            %dma_start3A_642 = tpu.memref_squeeze %dma_start3A_641 : memref<1x64xf32, #tpu.memory_space<hbm>> -> memref<64xf32, #tpu.memory_space<hbm>>
            %dma_start3A_643 = arith.constant 0 : i32
            %dma_start3A_644 = tpu.memref_slice %arg8[%add3A_636, %dma_start3A_643] : memref<200x64xf32, #tpu.memory_space<vmem>> -> memref<1x64xf32, #tpu.memory_space<vmem>>
            %dma_start3A_645 = tpu.memref_squeeze %dma_start3A_644 : memref<1x64xf32, #tpu.memory_space<vmem>> -> memref<64xf32, #tpu.memory_space<vmem>>
            %dma_start3A_646 = arith.constant 0 : i32
            %dma_start3A_647 = tpu.memref_slice %arg4[%squeeze3A_634, %dma_start3A_646] : memref<1000000x64xf32, #tpu.memory_space<hbm>> -> memref<1x64xf32, #tpu.memory_space<hbm>>
            %dma_start3A_648 = tpu.memref_squeeze %dma_start3A_647 : memref<1x64xf32, #tpu.memory_space<hbm>> -> memref<64xf32, #tpu.memory_space<hbm>>
            tpu.enqueue_dma source(%dma_start3A_648 : memref<64xf32, #tpu.memory_space<hbm>>) target(%dma_start3A_645 : memref<64xf32, #tpu.memory_space<vmem>>) target_semaphore(%arg10 : memref<!tpu.dma_semaphore, #tpu.memory_space<semaphore_mem>>)
          }
          %scan3A_260 = arith.constant 12 : i32
          %add3A_261 = arith.constant 184 : i32
          %add3A_262 = vector.broadcast %add3A_261 : i32 to vector<16xi32>
          %add3A_263 = arith.addi %add3A_262, %iota3A : vector<16xi32>
          %gather3A_264 = tpu.vector_load_idx %arg6[%add3A_263, %add3A_254] : memref<200x128xi32, #tpu.memory_space<vmem>>[vector<16xi32>, vector<16xi32>], vector<16xi32>,
          %slice3A_265 = vector.extract_strided_slice %gather3A_264 {offsets = [8], sizes = [1], strides = [1]} : vector<16xi32> to vector<1xi32>
          %squeeze3A_266 = vector.extract %slice3A_265[0] : i32 from vector<1xi32>
          %dma_start3A_267 = arith.constant 192 : i32
          %dma_start3A_268 = arith.constant 0 : i32
          %dma_start3A_269 = tpu.memref_slice %arg8[%dma_start3A_267, %dma_start3A_268] : memref<200x64xf32, #tpu.memory_space<vmem>> -> memref<1x64xf32, #tpu.memory_space<vmem>>
          %dma_start3A_270 = tpu.memref_squeeze %dma_start3A_269 : memref<1x64xf32, #tpu.memory_space<vmem>> -> memref<64xf32, #tpu.memory_space<vmem>>
          %dma_start3A_271 = arith.constant 0 : i32
          %dma_start3A_272 = tpu.memref_slice %arg4[%squeeze3A_266, %dma_start3A_271] : memref<1000000x64xf32, #tpu.memory_space<hbm>> -> memref<1x64xf32, #tpu.memory_space<hbm>>
          %dma_start3A_273 = tpu.memref_squeeze %dma_start3A_272 : memref<1x64xf32, #tpu.memory_space<hbm>> -> memref<64xf32, #tpu.memory_space<hbm>>
          %dma_start3A_274 = arith.constant 0 : i32
          %dma_start3A_275 = tpu.memref_slice %arg8[%dma_start3A_267, %dma_start3A_274] : memref<200x64xf32, #tpu.memory_space<vmem>> -> memref<1x64xf32, #tpu.memory_space<vmem>>
          %dma_start3A_276 = tpu.memref_squeeze %dma_start3A_275 : memref<1x64xf32, #tpu.memory_space<vmem>> -> memref<64xf32, #tpu.memory_space<vmem>>
          %dma_start3A_277 = arith.constant 0 : i32
          %dma_start3A_278 = tpu.memref_slice %arg4[%squeeze3A_266, %dma_start3A_277] : memref<1000000x64xf32, #tpu.memory_space<hbm>> -> memref<1x64xf32, #tpu.memory_space<hbm>>
          %dma_start3A_279 = tpu.memref_squeeze %dma_start3A_278 : memref<1x64xf32, #tpu.memory_space<hbm>> -> memref<64xf32, #tpu.memory_space<hbm>>
          tpu.enqueue_dma source(%dma_start3A_279 : memref<64xf32, #tpu.memory_space<hbm>>) target(%dma_start3A_276 : memref<64xf32, #tpu.memory_space<vmem>>) target_semaphore(%arg10 : memref<!tpu.dma_semaphore, #tpu.memory_space<semaphore_mem>>)
          %slice3A_280 = vector.extract_strided_slice %gather3A_264 {offsets = [9], sizes = [1], strides = [1]} : vector<16xi32> to vector<1xi32>
          %squeeze3A_281 = vector.extract %slice3A_280[0] : i32 from vector<1xi32>
          %dma_start3A_282 = arith.constant 193 : i32
          %dma_start3A_283 = arith.constant 0 : i32
          %dma_start3A_284 = tpu.memref_slice %arg8[%dma_start3A_282, %dma_start3A_283] : memref<200x64xf32, #tpu.memory_space<vmem>> -> memref<1x64xf32, #tpu.memory_space<vmem>>
          %dma_start3A_285 = tpu.memref_squeeze %dma_start3A_284 : memref<1x64xf32, #tpu.memory_space<vmem>> -> memref<64xf32, #tpu.memory_space<vmem>>
          %dma_start3A_286 = arith.constant 0 : i32
          %dma_start3A_287 = tpu.memref_slice %arg4[%squeeze3A_281, %dma_start3A_286] : memref<1000000x64xf32, #tpu.memory_space<hbm>> -> memref<1x64xf32, #tpu.memory_space<hbm>>
          %dma_start3A_288 = tpu.memref_squeeze %dma_start3A_287 : memref<1x64xf32, #tpu.memory_space<hbm>> -> memref<64xf32, #tpu.memory_space<hbm>>
          %dma_start3A_289 = arith.constant 0 : i32
          %dma_start3A_290 = tpu.memref_slice %arg8[%dma_start3A_282, %dma_start3A_289] : memref<200x64xf32, #tpu.memory_space<vmem>> -> memref<1x64xf32, #tpu.memory_space<vmem>>
          %dma_start3A_291 = tpu.memref_squeeze %dma_start3A_290 : memref<1x64xf32, #tpu.memory_space<vmem>> -> memref<64xf32, #tpu.memory_space<vmem>>
          %dma_start3A_292 = arith.constant 0 : i32
          %dma_start3A_293 = tpu.memref_slice %arg4[%squeeze3A_281, %dma_start3A_292] : memref<1000000x64xf32, #tpu.memory_space<hbm>> -> memref<1x64xf32, #tpu.memory_space<hbm>>
          %dma_start3A_294 = tpu.memref_squeeze %dma_start3A_293 : memref<1x64xf32, #tpu.memory_space<hbm>> -> memref<64xf32, #tpu.memory_space<hbm>>
          tpu.enqueue_dma source(%dma_start3A_294 : memref<64xf32, #tpu.memory_space<hbm>>) target(%dma_start3A_291 : memref<64xf32, #tpu.memory_space<vmem>>) target_semaphore(%arg10 : memref<!tpu.dma_semaphore, #tpu.memory_space<semaphore_mem>>)
          %slice3A_295 = vector.extract_strided_slice %gather3A_264 {offsets = [10], sizes = [1], strides = [1]} : vector<16xi32> to vector<1xi32>
          %squeeze3A_296 = vector.extract %slice3A_295[0] : i32 from vector<1xi32>
          %dma_start3A_297 = arith.constant 194 : i32
          %dma_start3A_298 = arith.constant 0 : i32
          %dma_start3A_299 = tpu.memref_slice %arg8[%dma_start3A_297, %dma_start3A_298] : memref<200x64xf32, #tpu.memory_space<vmem>> -> memref<1x64xf32, #tpu.memory_space<vmem>>
          %dma_start3A_300 = tpu.memref_squeeze %dma_start3A_299 : memref<1x64xf32, #tpu.memory_space<vmem>> -> memref<64xf32, #tpu.memory_space<vmem>>
          %dma_start3A_301 = arith.constant 0 : i32
          %dma_start3A_302 = tpu.memref_slice %arg4[%squeeze3A_296, %dma_start3A_301] : memref<1000000x64xf32, #tpu.memory_space<hbm>> -> memref<1x64xf32, #tpu.memory_space<hbm>>
          %dma_start3A_303 = tpu.memref_squeeze %dma_start3A_302 : memref<1x64xf32, #tpu.memory_space<hbm>> -> memref<64xf32, #tpu.memory_space<hbm>>
          %dma_start3A_304 = arith.constant 0 : i32
          %dma_start3A_305 = tpu.memref_slice %arg8[%dma_start3A_297, %dma_start3A_304] : memref<200x64xf32, #tpu.memory_space<vmem>> -> memref<1x64xf32, #tpu.memory_space<vmem>>
          %dma_start3A_306 = tpu.memref_squeeze %dma_start3A_305 : memref<1x64xf32, #tpu.memory_space<vmem>> -> memref<64xf32, #tpu.memory_space<vmem>>
          %dma_start3A_307 = arith.constant 0 : i32
          %dma_start3A_308 = tpu.memref_slice %arg4[%squeeze3A_296, %dma_start3A_307] : memref<1000000x64xf32, #tpu.memory_space<hbm>> -> memref<1x64xf32, #tpu.memory_space<hbm>>
          %dma_start3A_309 = tpu.memref_squeeze %dma_start3A_308 : memref<1x64xf32, #tpu.memory_space<hbm>> -> memref<64xf32, #tpu.memory_space<hbm>>
          tpu.enqueue_dma source(%dma_start3A_309 : memref<64xf32, #tpu.memory_space<hbm>>) target(%dma_start3A_306 : memref<64xf32, #tpu.memory_space<vmem>>) target_semaphore(%arg10 : memref<!tpu.dma_semaphore, #tpu.memory_space<semaphore_mem>>)
          %slice3A_310 = vector.extract_strided_slice %gather3A_264 {offsets = [11], sizes = [1], strides = [1]} : vector<16xi32> to vector<1xi32>
          %squeeze3A_311 = vector.extract %slice3A_310[0] : i32 from vector<1xi32>
          %dma_start3A_312 = arith.constant 195 : i32
          %dma_start3A_313 = arith.constant 0 : i32
          %dma_start3A_314 = tpu.memref_slice %arg8[%dma_start3A_312, %dma_start3A_313] : memref<200x64xf32, #tpu.memory_space<vmem>> -> memref<1x64xf32, #tpu.memory_space<vmem>>
          %dma_start3A_315 = tpu.memref_squeeze %dma_start3A_314 : memref<1x64xf32, #tpu.memory_space<vmem>> -> memref<64xf32, #tpu.memory_space<vmem>>
          %dma_start3A_316 = arith.constant 0 : i32
          %dma_start3A_317 = tpu.memref_slice %arg4[%squeeze3A_311, %dma_start3A_316] : memref<1000000x64xf32, #tpu.memory_space<hbm>> -> memref<1x64xf32, #tpu.memory_space<hbm>>
          %dma_start3A_318 = tpu.memref_squeeze %dma_start3A_317 : memref<1x64xf32, #tpu.memory_space<hbm>> -> memref<64xf32, #tpu.memory_space<hbm>>
          %dma_start3A_319 = arith.constant 0 : i32
          %dma_start3A_320 = tpu.memref_slice %arg8[%dma_start3A_312, %dma_start3A_319] : memref<200x64xf32, #tpu.memory_space<vmem>> -> memref<1x64xf32, #tpu.memory_space<vmem>>
          %dma_start3A_321 = tpu.memref_squeeze %dma_start3A_320 : memref<1x64xf32, #tpu.memory_space<vmem>> -> memref<64xf32, #tpu.memory_space<vmem>>
          %dma_start3A_322 = arith.constant 0 : i32
          %dma_start3A_323 = tpu.memref_slice %arg4[%squeeze3A_311, %dma_start3A_322] : memref<1000000x64xf32, #tpu.memory_space<hbm>> -> memref<1x64xf32, #tpu.memory_space<hbm>>
          %dma_start3A_324 = tpu.memref_squeeze %dma_start3A_323 : memref<1x64xf32, #tpu.memory_space<hbm>> -> memref<64xf32, #tpu.memory_space<hbm>>
          tpu.enqueue_dma source(%dma_start3A_324 : memref<64xf32, #tpu.memory_space<hbm>>) target(%dma_start3A_321 : memref<64xf32, #tpu.memory_space<vmem>>) target_semaphore(%arg10 : memref<!tpu.dma_semaphore, #tpu.memory_space<semaphore_mem>>)
          %slice3A_325 = vector.extract_strided_slice %gather3A_264 {offsets = [12], sizes = [1], strides = [1]} : vector<16xi32> to vector<1xi32>
          %squeeze3A_326 = vector.extract %slice3A_325[0] : i32 from vector<1xi32>
          %dma_start3A_327 = arith.constant 196 : i32
          %dma_start3A_328 = arith.constant 0 : i32
          %dma_start3A_329 = tpu.memref_slice %arg8[%dma_start3A_327, %dma_start3A_328] : memref<200x64xf32, #tpu.memory_space<vmem>> -> memref<1x64xf32, #tpu.memory_space<vmem>>
          %dma_start3A_330 = tpu.memref_squeeze %dma_start3A_329 : memref<1x64xf32, #tpu.memory_space<vmem>> -> memref<64xf32, #tpu.memory_space<vmem>>
          %dma_start3A_331 = arith.constant 0 : i32
          %dma_start3A_332 = tpu.memref_slice %arg4[%squeeze3A_326, %dma_start3A_331] : memref<1000000x64xf32, #tpu.memory_space<hbm>> -> memref<1x64xf32, #tpu.memory_space<hbm>>
          %dma_start3A_333 = tpu.memref_squeeze %dma_start3A_332 : memref<1x64xf32, #tpu.memory_space<hbm>> -> memref<64xf32, #tpu.memory_space<hbm>>
          %dma_start3A_334 = arith.constant 0 : i32
          %dma_start3A_335 = tpu.memref_slice %arg8[%dma_start3A_327, %dma_start3A_334] : memref<200x64xf32, #tpu.memory_space<vmem>> -> memref<1x64xf32, #tpu.memory_space<vmem>>
          %dma_start3A_336 = tpu.memref_squeeze %dma_start3A_335 : memref<1x64xf32, #tpu.memory_space<vmem>> -> memref<64xf32, #tpu.memory_space<vmem>>
          %dma_start3A_337 = arith.constant 0 : i32
          %dma_start3A_338 = tpu.memref_slice %arg4[%squeeze3A_326, %dma_start3A_337] : memref<1000000x64xf32, #tpu.memory_space<hbm>> -> memref<1x64xf32, #tpu.memory_space<hbm>>
          %dma_start3A_339 = tpu.memref_squeeze %dma_start3A_338 : memref<1x64xf32, #tpu.memory_space<hbm>> -> memref<64xf32, #tpu.memory_space<hbm>>
          tpu.enqueue_dma source(%dma_start3A_339 : memref<64xf32, #tpu.memory_space<hbm>>) target(%dma_start3A_336 : memref<64xf32, #tpu.memory_space<vmem>>) target_semaphore(%arg10 : memref<!tpu.dma_semaphore, #tpu.memory_space<semaphore_mem>>)
          %slice3A_340 = vector.extract_strided_slice %gather3A_264 {offsets = [13], sizes = [1], strides = [1]} : vector<16xi32> to vector<1xi32>
          %squeeze3A_341 = vector.extract %slice3A_340[0] : i32 from vector<1xi32>
          %dma_start3A_342 = arith.constant 197 : i32
          %dma_start3A_343 = arith.constant 0 : i32
          %dma_start3A_344 = tpu.memref_slice %arg8[%dma_start3A_342, %dma_start3A_343] : memref<200x64xf32, #tpu.memory_space<vmem>> -> memref<1x64xf32, #tpu.memory_space<vmem>>
          %dma_start3A_345 = tpu.memref_squeeze %dma_start3A_344 : memref<1x64xf32, #tpu.memory_space<vmem>> -> memref<64xf32, #tpu.memory_space<vmem>>
          %dma_start3A_346 = arith.constant 0 : i32
          %dma_start3A_347 = tpu.memref_slice %arg4[%squeeze3A_341, %dma_start3A_346] : memref<1000000x64xf32, #tpu.memory_space<hbm>> -> memref<1x64xf32, #tpu.memory_space<hbm>>
          %dma_start3A_348 = tpu.memref_squeeze %dma_start3A_347 : memref<1x64xf32, #tpu.memory_space<hbm>> -> memref<64xf32, #tpu.memory_space<hbm>>
          %dma_start3A_349 = arith.constant 0 : i32
          %dma_start3A_350 = tpu.memref_slice %arg8[%dma_start3A_342, %dma_start3A_349] : memref<200x64xf32, #tpu.memory_space<vmem>> -> memref<1x64xf32, #tpu.memory_space<vmem>>
          %dma_start3A_351 = tpu.memref_squeeze %dma_start3A_350 : memref<1x64xf32, #tpu.memory_space<vmem>> -> memref<64xf32, #tpu.memory_space<vmem>>
          %dma_start3A_352 = arith.constant 0 : i32
          %dma_start3A_353 = tpu.memref_slice %arg4[%squeeze3A_341, %dma_start3A_352] : memref<1000000x64xf32, #tpu.memory_space<hbm>> -> memref<1x64xf32, #tpu.memory_space<hbm>>
          %dma_start3A_354 = tpu.memref_squeeze %dma_start3A_353 : memref<1x64xf32, #tpu.memory_space<hbm>> -> memref<64xf32, #tpu.memory_space<hbm>>
          tpu.enqueue_dma source(%dma_start3A_354 : memref<64xf32, #tpu.memory_space<hbm>>) target(%dma_start3A_351 : memref<64xf32, #tpu.memory_space<vmem>>) target_semaphore(%arg10 : memref<!tpu.dma_semaphore, #tpu.memory_space<semaphore_mem>>)
          %slice3A_355 = vector.extract_strided_slice %gather3A_264 {offsets = [14], sizes = [1], strides = [1]} : vector<16xi32> to vector<1xi32>
          %squeeze3A_356 = vector.extract %slice3A_355[0] : i32 from vector<1xi32>
          %dma_start3A_357 = arith.constant 198 : i32
          %dma_start3A_358 = arith.constant 0 : i32
          %dma_start3A_359 = tpu.memref_slice %arg8[%dma_start3A_357, %dma_start3A_358] : memref<200x64xf32, #tpu.memory_space<vmem>> -> memref<1x64xf32, #tpu.memory_space<vmem>>
          %dma_start3A_360 = tpu.memref_squeeze %dma_start3A_359 : memref<1x64xf32, #tpu.memory_space<vmem>> -> memref<64xf32, #tpu.memory_space<vmem>>
          %dma_start3A_361 = arith.constant 0 : i32
          %dma_start3A_362 = tpu.memref_slice %arg4[%squeeze3A_356, %dma_start3A_361] : memref<1000000x64xf32, #tpu.memory_space<hbm>> -> memref<1x64xf32, #tpu.memory_space<hbm>>
          %dma_start3A_363 = tpu.memref_squeeze %dma_start3A_362 : memref<1x64xf32, #tpu.memory_space<hbm>> -> memref<64xf32, #tpu.memory_space<hbm>>
          %dma_start3A_364 = arith.constant 0 : i32
          %dma_start3A_365 = tpu.memref_slice %arg8[%dma_start3A_357, %dma_start3A_364] : memref<200x64xf32, #tpu.memory_space<vmem>> -> memref<1x64xf32, #tpu.memory_space<vmem>>
          %dma_start3A_366 = tpu.memref_squeeze %dma_start3A_365 : memref<1x64xf32, #tpu.memory_space<vmem>> -> memref<64xf32, #tpu.memory_space<vmem>>
          %dma_start3A_367 = arith.constant 0 : i32
          %dma_start3A_368 = tpu.memref_slice %arg4[%squeeze3A_356, %dma_start3A_367] : memref<1000000x64xf32, #tpu.memory_space<hbm>> -> memref<1x64xf32, #tpu.memory_space<hbm>>
          %dma_start3A_369 = tpu.memref_squeeze %dma_start3A_368 : memref<1x64xf32, #tpu.memory_space<hbm>> -> memref<64xf32, #tpu.memory_space<hbm>>
          tpu.enqueue_dma source(%dma_start3A_369 : memref<64xf32, #tpu.memory_space<hbm>>) target(%dma_start3A_366 : memref<64xf32, #tpu.memory_space<vmem>>) target_semaphore(%arg10 : memref<!tpu.dma_semaphore, #tpu.memory_space<semaphore_mem>>)
          %slice3A_370 = vector.extract_strided_slice %gather3A_264 {offsets = [15], sizes = [1], strides = [1]} : vector<16xi32> to vector<1xi32>
          %squeeze3A_371 = vector.extract %slice3A_370[0] : i32 from vector<1xi32>
          %dma_start3A_372 = arith.constant 199 : i32
          %dma_start3A_373 = arith.constant 0 : i32
          %dma_start3A_374 = tpu.memref_slice %arg8[%dma_start3A_372, %dma_start3A_373] : memref<200x64xf32, #tpu.memory_space<vmem>> -> memref<1x64xf32, #tpu.memory_space<vmem>>
          %dma_start3A_375 = tpu.memref_squeeze %dma_start3A_374 : memref<1x64xf32, #tpu.memory_space<vmem>> -> memref<64xf32, #tpu.memory_space<vmem>>
          %dma_start3A_376 = arith.constant 0 : i32
          %dma_start3A_377 = tpu.memref_slice %arg4[%squeeze3A_371, %dma_start3A_376] : memref<1000000x64xf32, #tpu.memory_space<hbm>> -> memref<1x64xf32, #tpu.memory_space<hbm>>
          %dma_start3A_378 = tpu.memref_squeeze %dma_start3A_377 : memref<1x64xf32, #tpu.memory_space<hbm>> -> memref<64xf32, #tpu.memory_space<hbm>>
          %dma_start3A_379 = arith.constant 0 : i32
          %dma_start3A_380 = tpu.memref_slice %arg8[%dma_start3A_372, %dma_start3A_379] : memref<200x64xf32, #tpu.memory_space<vmem>> -> memref<1x64xf32, #tpu.memory_space<vmem>>
          %dma_start3A_381 = tpu.memref_squeeze %dma_start3A_380 : memref<1x64xf32, #tpu.memory_space<vmem>> -> memref<64xf32, #tpu.memory_space<vmem>>
          %dma_start3A_382 = arith.constant 0 : i32
          %dma_start3A_383 = tpu.memref_slice %arg4[%squeeze3A_371, %dma_start3A_382] : memref<1000000x64xf32, #tpu.memory_space<hbm>> -> memref<1x64xf32, #tpu.memory_space<hbm>>
          %dma_start3A_384 = tpu.memref_squeeze %dma_start3A_383 : memref<1x64xf32, #tpu.memory_space<hbm>> -> memref<64xf32, #tpu.memory_space<hbm>>
          tpu.enqueue_dma source(%dma_start3A_384 : memref<64xf32, #tpu.memory_space<hbm>>) target(%dma_start3A_381 : memref<64xf32, #tpu.memory_space<vmem>>) target_semaphore(%arg10 : memref<!tpu.dma_semaphore, #tpu.memory_space<semaphore_mem>>)
        } else {
        }
        %dma_wait3A_230 = arith.constant 0 : i32
        %dma_wait3A_231 = arith.constant 0 : i32
        %dma_wait3A_232 = tpu.memref_slice %arg4[%dma_wait3A_230, %dma_wait3A_231] : memref<1000000x64xf32, #tpu.memory_space<hbm>> -> memref<200x64xf32, #tpu.memory_space<hbm>>
        %dma_wait3A_233 = arith.constant 0 : i32
        %dma_wait3A_234 = arith.constant 0 : i32
        %dma_wait3A_235 = tpu.memref_slice %arg4[%dma_wait3A_233, %dma_wait3A_234] : memref<1000000x64xf32, #tpu.memory_space<hbm>> -> memref<200x64xf32, #tpu.memory_space<hbm>>
        tpu.wait_dma2 semaphore(%arg11 : memref<!tpu.dma_semaphore, #tpu.memory_space<semaphore_mem>>) src(%dma_wait3A_235 : memref<200x64xf32, #tpu.memory_space<hbm>>) dst(%arg9 : memref<200x64xf32, #tpu.memory_space<vmem>>)
        %parallel_loop3A = arith.constant 0 : i32
        %parallel_loop3A_236 = arith.constant 200 : i32
        %parallel_loop3A_237 = arith.constant 1 : i32
        scf.for %parallel_loop3A_247 = %parallel_loop3A to %parallel_loop3A_236 step %parallel_loop3A_237  : i32 {
          %parallel_loop3A_248 = arith.index_cast %parallel_loop3A_247 : i32 to index
          %parallel_loop3A_249 = arith.constant 0 : index
          %parallel_loop3A_250 = tpu.vector_load %arg9[%parallel_loop3A_248, %parallel_loop3A_249] {strides = array<i32>} : memref<200x64xf32, #tpu.memory_space<vmem>>, vector<16xf32>,
          %parallel_loop3A_251 = arith.constant 8.000000e+00 : f32
          %parallel_loop3A_252 = vector.broadcast %parallel_loop3A_251 : f32 to vector<16xf32>
          %parallel_loop3A_253 = arith.mulf %parallel_loop3A_250, %parallel_loop3A_252 : vector<16xf32>
          %parallel_loop3A_254 = arith.index_cast %parallel_loop3A_247 : i32 to index
          %parallel_loop3A_255 = arith.constant 0 : index
          %parallel_loop3A_256 = tpu.vector_load %arg7[%parallel_loop3A_254, %parallel_loop3A_255] {strides = array<i32>} : memref<200x64xf32, #tpu.memory_space<vmem>>, vector<16xf32>,
          %parallel_loop3A_257 = arith.addf %parallel_loop3A_253, %parallel_loop3A_256 : vector<16xf32>
          %parallel_loop3A_258 = arith.index_cast %parallel_loop3A_247 : i32 to index
          %parallel_loop3A_259 = arith.constant 0 : index
          %parallel_loop3A_260 = tpu.vector_load %arg9[%parallel_loop3A_258, %parallel_loop3A_259] {strides = array<i32>} : memref<200x64xf32, #tpu.memory_space<vmem>>, vector<16xf32>,
          tpu.vector_store %arg9[%parallel_loop3A_258, %parallel_loop3A_259], %parallel_loop3A_257 {strides = array<i32>} : memref<200x64xf32, #tpu.memory_space<vmem>>, vector<16xf32>,
          %parallel_loop3A_261 = arith.index_cast %parallel_loop3A_247 : i32 to index
          %parallel_loop3A_262 = arith.constant 16 : index
          %parallel_loop3A_263 = tpu.vector_load %arg9[%parallel_loop3A_261, %parallel_loop3A_262] {strides = array<i32>} : memref<200x64xf32, #tpu.memory_space<vmem>>, vector<16xf32>,
          %parallel_loop3A_264 = arith.constant 8.000000e+00 : f32
          %parallel_loop3A_265 = vector.broadcast %parallel_loop3A_264 : f32 to vector<16xf32>
          %parallel_loop3A_266 = arith.mulf %parallel_loop3A_263, %parallel_loop3A_265 : vector<16xf32>
          %parallel_loop3A_267 = arith.index_cast %parallel_loop3A_247 : i32 to index
          %parallel_loop3A_268 = arith.constant 16 : index
          %parallel_loop3A_269 = tpu.vector_load %arg7[%parallel_loop3A_267, %parallel_loop3A_268] {strides = array<i32>} : memref<200x64xf32, #tpu.memory_space<vmem>>, vector<16xf32>,
          %parallel_loop3A_270 = arith.addf %parallel_loop3A_266, %parallel_loop3A_269 : vector<16xf32>
          %parallel_loop3A_271 = arith.index_cast %parallel_loop3A_247 : i32 to index
          %parallel_loop3A_272 = arith.constant 16 : index
          %parallel_loop3A_273 = tpu.vector_load %arg9[%parallel_loop3A_271, %parallel_loop3A_272] {strides = array<i32>} : memref<200x64xf32, #tpu.memory_space<vmem>>, vector<16xf32>,
          tpu.vector_store %arg9[%parallel_loop3A_271, %parallel_loop3A_272], %parallel_loop3A_270 {strides = array<i32>} : memref<200x64xf32, #tpu.memory_space<vmem>>, vector<16xf32>,
          %parallel_loop3A_274 = arith.index_cast %parallel_loop3A_247 : i32 to index
          %parallel_loop3A_275 = arith.constant 32 : index
          %parallel_loop3A_276 = tpu.vector_load %arg9[%parallel_loop3A_274, %parallel_loop3A_275] {strides = array<i32>} : memref<200x64xf32, #tpu.memory_space<vmem>>, vector<16xf32>,
          %parallel_loop3A_277 = arith.constant 8.000000e+00 : f32
          %parallel_loop3A_278 = vector.broadcast %parallel_loop3A_277 : f32 to vector<16xf32>
          %parallel_loop3A_279 = arith.mulf %parallel_loop3A_276, %parallel_loop3A_278 : vector<16xf32>
          %parallel_loop3A_280 = arith.index_cast %parallel_loop3A_247 : i32 to index
          %parallel_loop3A_281 = arith.constant 32 : index
          %parallel_loop3A_282 = tpu.vector_load %arg7[%parallel_loop3A_280, %parallel_loop3A_281] {strides = array<i32>} : memref<200x64xf32, #tpu.memory_space<vmem>>, vector<16xf32>,
          %parallel_loop3A_283 = arith.addf %parallel_loop3A_279, %parallel_loop3A_282 : vector<16xf32>
          %parallel_loop3A_284 = arith.index_cast %parallel_loop3A_247 : i32 to index
          %parallel_loop3A_285 = arith.constant 32 : index
          %parallel_loop3A_286 = tpu.vector_load %arg9[%parallel_loop3A_284, %parallel_loop3A_285] {strides = array<i32>} : memref<200x64xf32, #tpu.memory_space<vmem>>, vector<16xf32>,
          tpu.vector_store %arg9[%parallel_loop3A_284, %parallel_loop3A_285], %parallel_loop3A_283 {strides = array<i32>} : memref<200x64xf32, #tpu.memory_space<vmem>>, vector<16xf32>,
          %parallel_loop3A_287 = arith.index_cast %parallel_loop3A_247 : i32 to index
          %parallel_loop3A_288 = arith.constant 48 : index
          %parallel_loop3A_289 = tpu.vector_load %arg9[%parallel_loop3A_287, %parallel_loop3A_288] {strides = array<i32>} : memref<200x64xf32, #tpu.memory_space<vmem>>, vector<16xf32>,
          %parallel_loop3A_290 = arith.constant 8.000000e+00 : f32
          %parallel_loop3A_291 = vector.broadcast %parallel_loop3A_290 : f32 to vector<16xf32>
          %parallel_loop3A_292 = arith.mulf %parallel_loop3A_289, %parallel_loop3A_291 : vector<16xf32>
          %parallel_loop3A_293 = arith.index_cast %parallel_loop3A_247 : i32 to index
          %parallel_loop3A_294 = arith.constant 48 : index
          %parallel_loop3A_295 = tpu.vector_load %arg7[%parallel_loop3A_293, %parallel_loop3A_294] {strides = array<i32>} : memref<200x64xf32, #tpu.memory_space<vmem>>, vector<16xf32>,
          %parallel_loop3A_296 = arith.addf %parallel_loop3A_292, %parallel_loop3A_295 : vector<16xf32>
          %parallel_loop3A_297 = arith.index_cast %parallel_loop3A_247 : i32 to index
          %parallel_loop3A_298 = arith.constant 48 : index
          %parallel_loop3A_299 = tpu.vector_load %arg9[%parallel_loop3A_297, %parallel_loop3A_298] {strides = array<i32>} : memref<200x64xf32, #tpu.memory_space<vmem>>, vector<16xf32>,
          tpu.vector_store %arg9[%parallel_loop3A_297, %parallel_loop3A_298], %parallel_loop3A_296 {strides = array<i32>} : memref<200x64xf32, #tpu.memory_space<vmem>>, vector<16xf32>,
        } {sc.loop_unroll_factor = 4 : i64, sc.parallel_access}
        %mul3A_238 = arith.constant 32 : i32
        %mul3A_239 = arith.muli %add3A, %mul3A_238 : i32
        %add3A_240 = arith.addi %mul3A_239, %scan3A_178 : i32
        %mul3A_241 = arith.constant 200 : i32
        %mul3A_242 = arith.muli %add3A_240, %mul3A_241 : i32
        %dma_start3A_243 = arith.constant 0 : i32
        %dma_start3A_244 = tpu.memref_slice %arg5[%mul3A_242, %dma_start3A_243] : memref<204800x64xf32, #tpu.memory_space<hbm>> -> memref<200x64xf32, #tpu.memory_space<hbm>>
        %dma_start3A_245 = arith.constant 0 : i32
        %dma_start3A_246 = tpu.memref_slice %arg5[%mul3A_242, %dma_start3A_245] : memref<204800x64xf32, #tpu.memory_space<hbm>> -> memref<200x64xf32, #tpu.memory_space<hbm>>
        tpu.enqueue_dma source(%arg9 : memref<200x64xf32, #tpu.memory_space<vmem>>) target(%dma_start3A_246 : memref<200x64xf32, #tpu.memory_space<hbm>>) target_semaphore(%arg13 : memref<!tpu.dma_semaphore, #tpu.memory_space<semaphore_mem>>)
      } else {
      }
    }
    %scan3A_172 = arith.constant 32 : i32
    %dma_wait3A = arith.constant 0 : i32
    %dma_wait3A_173 = arith.constant 0 : i32
    %dma_wait3A_174 = tpu.memref_slice %arg5[%dma_wait3A, %dma_wait3A_173] : memref<204800x64xf32, #tpu.memory_space<hbm>> -> memref<200x64xf32, #tpu.memory_space<hbm>>
    %dma_wait3A_175 = arith.constant 0 : i32
    %dma_wait3A_176 = arith.constant 0 : i32
    %dma_wait3A_177 = tpu.memref_slice %arg5[%dma_wait3A_175, %dma_wait3A_176] : memref<204800x64xf32, #tpu.memory_space<hbm>> -> memref<200x64xf32, #tpu.memory_space<hbm>>
    tpu.wait_dma2 semaphore(%arg13 : memref<!tpu.dma_semaphore, #tpu.memory_space<semaphore_mem>>) src(%arg9 : memref<200x64xf32, #tpu.memory_space<vmem>>) dst(%dma_wait3A_177 : memref<200x64xf32, #tpu.memory_space<hbm>>)
    return
  }
}

</mosaic_0001>

<sc_bundles>
// kernel: kernel.3.cloned.1.call-start
scs
__scs_entry_jumppad:
0x0: {  	(pc) =	sbr.rel $0x88, $3  }
0x1: {  	(tag) =	ssettag $0x0;
	lr =	simm.s32 $0x1  }
0x2: {  	[smem:$0x3F9F] =	sst lr;
	_ =	strace $0xD0000000  }
0x3: {  	_ = 	snop  }
0x4: {  	_ = 	snop  }
0x5: {  	_ = 	snop  }
0x6: {  	_ = 	snop  }
0x7: {  	_ = 	snop  }
__scs_overlays_trampoline_lowered:
0x8: {  	[smem:$0x3FAE] =	sst s0  }
0x9: {  	[smem:$0x3FAF] =	sst s1  }
0xa: {  	[smem:$0x3FB0] =	sst s2  }
0xb: {  	[smem:$0x3FB1] =	sst s3  }
0xc: {  	[smem:$0x3FB2] =	sst s4  }
0xd: {  	[smem:$0x3FB3] =	sst s5  }
0xe: {  	[smem:$0x3FB4] =	sst s6  }
0xf: {  	[smem:$0x3FB5] =	sst s7  }
0x10: {  	[smem:$0x3FB6] =	sst s8  }
0x11: {  	[smem:$0x3FB7] =	sst s9;
	s0 =	simm.s32 @!p0 $0x0  }
0x12: {  	s1 =	sld [smem:$0x3F9D];
	s0 =	simm.s32 @p0 $0x1  }
0x13: {  	[smem:$0x3FB8] =	sst s0;
	s0 =	simm.s32 @!p1 $0x0  }
0x14: {  	s2 =	sld [smem:$0x3F9C];
	s0 =	simm.s32 @p1 $0x1  }
0x15: {  	[smem:$0x3FB9] =	sst s0;
	s0 =	simm.s32 @!p2 $0x0  }
0x16: {  	s3 =	sld [smem:$0x3FDB];
	s0 =	simm.s32 @p2 $0x1  }
0x17: {  	s4 =	simm.s32 $0x1BF5;
	[smem:$0x3FBB] =	sst s0  }
0x18: {  	s0 =	sld [smem:$0x3F9E];
	_ =	swait.ge [sflag:s4], $0x0  }
0x19: {  	s7 =	sld [smem:$0x3F9F]  }
0x1a: {  	s8 =	sadd.s32 $0xFFFFE003, lr  }
0x1b: {  	s9 =	sadd.s32 $0xFFFFFEF7, lr;
	s5 =	simm.s32 $0xFFFFFFFF;
	p2 =	slt.u32 s8, $0xFFFFF086  }
0x1c: {  	p1 =	slt.u32 s9, $0xF7A;
	s5 =	simm.s32 @!p2 $0x0  }
0x1d: {  	s5 =	simm.s32 @p1 $0x1;
	p0 =	seq.s32 s7, s2  }
0x1e: {  	s7 =	smul.u32 @!p0 $0xF7A, s2;
	p2 =	seq.s32 @!p0 s5, $0x0  }
0x1f: {  	s9 =	smul.u32 $0xF7A, s1;
	s8 =	simm.s32 @!p0 $0x1BF5;
	p2 =	por !p2, p0  }
0x20: {  	[sflag:s8] =	ssyncset.s32 @!p0 $0xFFFFF086;
	s6 =	sadd.s32 @!p0 s3, s7;
	s7 =	simm.s32 @!p0 $0x108  }
0x21: {  	s3 =	sadd.s32 s3, s9;
	s6 =	sadd.s32 @!p0 $0x88, s6;
	s7 =	simm.s32 @p2 $0x1082  }
0x22: {  	[simem:s7], [sflag:s8] =	dma.local @!p0 [hbm:s6], $0xF7A  }
0x23: {  	s9 =	sor.u32 $0xD0000000, s2;
	s6 =	simm.s32 $0x108;
	_ =	swait.ge @!p0 [sflag:s8], $0x0  }
0x24: {  	s3 =	sadd.s32 $0x88, s3;
	s6 =	simm.s32 @!p1 $0x1082;
	[sflag:s4] =	ssyncset.s32 $0xFFFFF086  }
0x25: {  	[simem:s6], [sflag:s4] =	dma.local [hbm:s3], $0xF7A  }
0x26: {  	[smem:$0x3F9F] =	sst s1;
	(tag) =	ssettag s2;
	_ =	strace s9  }
0x27: {  	s1 =	sld [smem:$0x3FAF]  }
0x28: {  	s2 =	sld [smem:$0x3FB0]  }
0x29: {  	s4 =	sld [smem:$0x3FB2]  }
0x2a: {  	p0 =	seq.s32 s5, $0x0;
	s5 =	sld [smem:$0x3FB3]  }
0x2b: {  	s6 =	sld [smem:$0x3FB4]  }
0x2c: {  	s7 =	sld [smem:$0x3FB5]  }
0x2d: {  	s3 =	simm.s32 $0x108;
	s8 =	sld [smem:$0x3FB6]  }
0x2e: {  	s3 =	simm.s32 @!p0 $0x1082;
	s9 =	sld [smem:$0x3FB7]  }
0x2f: {  	lr =	sadd.s32 s0, s3;
	s0 =	sld [smem:$0x3FAE]  }
0x30: {  	s3 =	sld [smem:$0x3FB1]  }
0x31: {  	[smem:$0x3FBA] =	sst s10  }
0x32: {  	s10 =	sld [smem:$0x3FB8];
	_ =	sdelay $0x3  }
0x33: {  	p0 =	seq.s32 s10, $0x1;
	s10 =	sld [smem:$0x3FBA];
	_ =	sdelay $0x3  }
0x34: {  	[smem:$0x3FBA] =	sst s10  }
0x35: {  	s10 =	sld [smem:$0x3FB9];
	_ =	sdelay $0x3  }
0x36: {  	p1 =	seq.s32 s10, $0x1;
	s10 =	sld [smem:$0x3FBA];
	_ =	sdelay $0x3  }
0x37: {  	[smem:$0x3FBA] =	sst s10  }
0x38: {  	s10 =	sld [smem:$0x3FBB]  }
0x39: {  	_ = 	snop;
	(pc) =	sbr.ind lr, $3  }
0x3a: {  	_ = 	snop  }
0x3b: {  	_ = 	snop  }
0x3c: {  	p2 =	seq.s32 s10, $0x1;
	s10 =	sld [smem:$0x3FBA]  }
0x3d: {  	_ =	shalt  }
0x3e: {  	_ =	shalt  }
0x3f: {  	_ =	shalt  }
0x40: {  	_ =	shalt  }
0x41: {  	_ =	shalt  }
0x42: {  	_ =	shalt  }
0x43: {  	_ =	shalt  }
0x44: {  	_ =	shalt  }
0x45: {  	_ =	shalt  }
0x46: {  	_ =	shalt  }
0x47: {  	_ =	shalt  }
0x48: {  	_ =	shalt  }
0x49: {  	_ =	shalt  }
0x4a: {  	_ =	shalt  }
0x4b: {  	_ =	shalt  }
0x4c: {  	_ =	shalt  }
0x4d: {  	_ =	shalt  }
0x4e: {  	_ =	shalt  }
0x4f: {  	_ =	shalt  }
0x50: {  	_ =	shalt  }
0x51: {  	_ =	shalt  }
0x52: {  	_ =	shalt  }
0x53: {  	_ =	shalt  }
0x54: {  	_ =	shalt  }
0x55: {  	_ =	shalt  }
0x56: {  	_ =	shalt  }
0x57: {  	_ =	shalt  }
0x58: {  	_ =	shalt  }
0x59: {  	_ =	shalt  }
0x5a: {  	_ =	shalt  }
0x5b: {  	_ =	shalt  }
0x5c: {  	_ =	shalt  }
0x5d: {  	_ =	shalt  }
0x5e: {  	_ =	shalt  }
0x5f: {  	_ =	shalt  }
0x60: {  	_ =	shalt  }
0x61: {  	_ =	shalt  }
0x62: {  	_ =	shalt  }
0x63: {  	_ =	shalt  }
0x64: {  	_ =	shalt  }
0x65: {  	_ =	shalt  }
0x66: {  	_ =	shalt  }
0x67: {  	_ =	shalt  }
0x68: {  	_ =	shalt  }
0x69: {  	_ =	shalt  }
0x6a: {  	_ =	shalt  }
0x6b: {  	_ =	shalt  }
0x6c: {  	_ =	shalt  }
0x6d: {  	_ =	shalt  }
0x6e: {  	_ =	shalt  }
0x6f: {  	_ =	shalt  }
0x70: {  	_ =	shalt  }
0x71: {  	_ =	shalt  }
0x72: {  	_ =	shalt  }
0x73: {  	_ =	shalt  }
0x74: {  	_ =	shalt  }
0x75: {  	_ =	shalt  }
0x76: {  	_ =	shalt  }
0x77: {  	_ =	shalt  }
0x78: {  	_ =	shalt  }
0x79: {  	_ =	shalt  }
0x7a: {  	_ =	shalt  }
0x7b: {  	_ =	shalt  }
0x7c: {  	_ =	shalt  }
0x7d: {  	_ =	shalt  }
0x7e: {  	_ =	shalt  }
0x7f: {  	_ =	shalt  }
0x80: {  	_ =	shalt  }
0x81: {  	_ =	shalt  }
0x82: {  	_ =	shalt  }
0x83: {  	_ =	shalt  }
0x84: {  	_ =	shalt  }
0x85: {  	_ =	shalt  }
0x86: {  	_ =	shalt  }
0x87: {  	_ =	shalt  }
.Lfunc_end0:
.L_simem_size_0:
called_computation.1_lowered:
.L_overlay_start_0:
0x88: {  	s2 =	sld [smem:$0x3FD9]  }
0x89: {  	s3 =	sld [smem:$0x3FFE];
	_ =	sdelay $0x1  }
0x8a: {  	s1 =	srdreg.scid  }
0x8b: {  	s0 =	sand.u32 $0x1, s1  }
0x8c: {  	s17 =	sshll.u32 s0, $0xA;
	s2 =	sadd.s32 s3, s2  }
0x8d: {  	s2 =	sadd.s32 s2, s17  }
0x8e: {  	[smem:$0x3FC6] =	sst s2  }
0x8f: {  	_ = 	snop  }
0x90: {  	s2 =	sld [smem:$0x3FC9]  }
0x91: {  	s18 =	sld [smem:$0x3FD0];
	(tm) =	ssettm $0x1  }
0x92: {  	s4 =	sld [smem:$0x3FFB];
	_ =	sdelay $0x3  }
0x93: {  	_ =	strace s4  }
0x94: {  	s4 =	sld [smem:$0x3FFC];
	_ =	sdelay $0x3  }
0x95: {  	_ =	strace s4  }
0x96: {  	s4 =	sld [smem:$0x3FFD];
	_ =	sdelay $0x3  }
0x97: {  	_ =	strace s4  }
0x98: {  	_ =	strace $0x8FFFFFFF  }
0x99: {  	s19 =	sld [smem:$0x3FDB];
	_ =	sdelay $0x1  }
0x9a: {  	s5 =	simm.s32 $_scs_section_size  }
0x9b: {  	s6 =	simm.s32 $_size__tile_overlayer_lowered;
	s7 =	simm.s32 $_tile_overlayer_lowered  }
0x9c: {  	s22 =	simm.s32 $0x1BFF;
	s21 =	sshll.u32 s7, $0x1;
	s4 =	sadd.s32 s5, s19  }
0x9d: {  	s8 =	simm.s32 $0x0;
	s20 =	sshll.u32 s6, $0x1;
	s6 =	sadd.s32 s21, s4  }
0x9e: {  	[timem:s8], [sflag:s22] =	dma.local [hbm:s6], s20  }
0x9f: {  	_ =	swait.ge [sflag:s22], s20  }
0xa0: {  	s5 =	ssub.s32 $0x0, s20;
	[sflag:s22] =	ssyncset.done $0x0  }
0xa1: {  	[sflag:s22] =	ssyncadd.s32 s5;
	_ =	sdelay $0x1  }
0xa2: {  	s23 =	simm.s32 $0x1B8B  }
0xa3: {  	_ =	swait.ge [sflag:s23], $0x1  }
0xa4: {  	[sflag:s23] =	ssyncset.done $0x0  }
0xa5: {  	s25 =	simm.s32 $0x1B8E;
	s24 =	sld [smem:$0x3FFE];
	[sflag:s23] =	ssyncadd.s32 $0xFFFFFFFF  }
0xa6: {  	s26 =	simm.s32 $execute0_lowered;
	[smem:$0x3FD2] =	sst s25  }
0xa7: {  	s6 =	sshll.u32 s26, $0x1;
	_ =	strace $0x80000046;
	[dreg:$0x1] =	wrdreg $0xFFFFFFFF  }
0xa8: {  	s28 =	simm.s32 $_size_execute0_lowered;
	s4 =	sadd.s32 s4, s6;
	[dreg:$0x0] =	wrdreg $0x0  }
0xa9: {  	s6 =	sshll.u32 s28, $0x1;
	[dreg:$0x2] =	wrdreg s4  }
0xaa: {  	[dreg:$0x3] =	wrdreg s6  }
0xab: {  	[dreg:$0x4] =	wrdreg $0xC0  }
0xac: {  	_ =	task [dreg:s8], $0x5FFFF  }
0xad: {  	[dreg:$0x1] =	wrdreg $0xFFFFFFFF  }
0xae: {  	[dreg:$0x0] =	wrdreg $0x60  }
0xaf: {  	[dreg:$0x2] =	wrdreg s2  }
0xb0: {  	[dreg:$0x3] =	wrdreg s18  }
0xb1: {  	[dreg:$0x4] =	wrdreg s24  }
0xb2: {  	[dreg:$0x5] =	wrdreg $0x9  }
0xb3: {  	_ =	task.clear_ibuf [dreg:s8], $0x6FFFF;
	_ =	strace $0x90000046  }
0xb4: {  	s29 =	simm.s32 $0x9;
	_ =	strace $0x80000048  }
0xb5: {  	_ =	swait.ge [sflag:s29], $0x1  }
0xb6: {  	[sflag:s29] =	ssyncadd.s32 $0xFFFFFFFF  }
0xb7: {  	_ =	strace $0x90000048  }
0xb8: {  	_ =	sfence  }
0xb9: {  	s30 =	sld [smem:$0x0];
	_ =	sdelay $0x2  }
0xba: {  	s31 =	sshll.u32 s1, $0xD;
	s1 =	sshrl.u32 s1, $0x2  }
0xbb: {  	s3 =	sand.u32 $0x4000, s31;
	s1 =	sadd.s32 s1, s30  }
0xbc: {  	s0 =	sor.u32 s3, s0;
	s1 =	sshll.u32 s1, $0x11  }
0xbd: {  	s0 =	sor.u32 s1, s0  }
0xbe: {  	s0 =	sadd.s32 $0x8F2B, s0  }
0xbf: {  	[sflag:s0] =	ssyncadd.remote.s32 $0x1  }
0xc0: {  	_ =	sfence.sel $0xFFFF  }
0xc1: {  	[dreg:$0x0] =	wrdreg $0xFFFFFFFF;
	(pc) =	sbr.abs _section_cstart, $3  }
0xc2: {  	[dreg:$0x1] =	wrdreg $0xFFFFFFFF  }
0xc3: {  	_ =	task.clear_ibuf [dreg:s8], $0x2FFFF;
	_ =	strace $0x9FFFFFFF  }
0xc4: {  	(tm) =	ssettm $0x7FFFFFFF  }
0xc5: {  	_ =	shalt  }
tec
execute0_lowered:
.L_overlay_start_1:
0x0: {  	(tag) =	ssettag $0x1  }
0x1: {  	s0 =	rddreg [dreg:$0x0]  }
0x2: {  	s1 =	rddreg [dreg:$0x2];
	s2 =	simm.s32 $0x0;
	s3 =	srdreg.scid  }
0x3: {  	s5 =	stileid.u32;
	s22 =	simm.s32 $0x3;
	s23 =	simm.s32 $0x2  }
0x4: {  	s10 =	simm.s32 $0x1;
	[smem:$0x7FF] =	sst s2;
	s4 =	sadd.s32 $0xA00, s1  }
0x5: {  	s3 =	sand.u32 $0x1, s3;
	s8 =	sshll.u32 s5, $0x6;
	s5 =	sadd.s32 $0xF42E00, s1  }
.Ltmp0:
0x6: {  	v0 =	vlaneseq.u32;
	_ =	strace $0x80000047;
	s7 =	ssub.s32 $0x2, s3;
	(pc) =	sbr.rel .LBB2_1-.Ltmp0, $4  }
0x7: {  	v0 =	vmul.u32 $0x80, v0;
	s3 =	sshll.u32 s3, $0x5;
	s30 =	sand.u32 $0x380, s8;
	s28 =	sshrl.u32 s7, $0x1  }
0x8: {  	s6 =	sor.u32 s3, s8;
	s0 =	sadd.s32 s0, s30;
	s1 =	ssub.s32 s7, s28  }
0x9: {  	v1 =	vadd.s32 $0x5C00, v0;
	s29 =	sand.u32 $0x60, s6;
	[dreg:$0x4] =	wrdreg s0;
	s31 =	smax.u32 s1, $0x1  }
0xa: {  	s3 =	simm.s32 $0x0;
	s8 =	sor.u32 $0x1, s29;
	v2 =	vmov s29;
	v3 =	vor.u32 s29, v1;
	[dreg:$0x5] =	wrdreg s31  }
.LBB2_18:
0xb: {  	s1 =	simm.s32 $0x4  }
0xc: {  	_ =	swait.ge [sflag:s1], $0x6400  }
0xd: {  	s3 =	rddreg [dreg:$0x6]  }
0xe: {  	s0 =	rddreg [dreg:$0x5];
	s3 =	sadd.s32 $0x1, s3  }
0xf: {  	p0 =	sne.s32 s3, s0  }
.Ltmp1:
0x10: {  	_ = 	snop;
	(pc) =	sbr.rel @!p0 .LBB2_19-.Ltmp1, $3  }
0x11: {  	_ =	sdelay $0x1  }
0x12: {  	[sflag:s1] =	ssyncset.done $0x0  }
0x13: {  	[sflag:s1] =	ssyncadd.s32 $0xFFFF9C00  }
.LBB2_1:
0x14: {  	[dreg:$0x6] =	wrdreg s3  }
0x15: {  	s0 =	rddreg [dreg:$0x4]  }
0x16: {  	s1 =	simm.s32 $0x400;
	s28 =	simm.s32 $0x2000;
	s29 =	simm.s32 $0x5  }
0x17: {  	[tilespmem:s2], [sflag:$0x5] =	stream.strided.gather [hbm4b:s0+s1], $0x6400, s28, s1, $0x38;
	[tilespmem:$0x19000] =	vst v63  }
0x18: {  	v4 =	vmov s2;
	_ =	swait.ge [sflag:s29], $0x6400  }
0x19: {  	v4 =	vshll.u32 v4, $0x7;
	[sflag:s29] =	ssyncset.done $0x0  }
0x1a: {  	v4 =	vor.u32 v0, v4;
	[sflag:s29] =	ssyncadd.s32 $0xFFFF9C00  }
0x1b: {  	s31 =	simm.s32 $0x6400;
	v4 =	vor.u32 v2, v4;
	s30 =	rddreg [dreg:$0x1]  }
0x1c: {  	[tilespmem:s31], [sflag:$0x5] =	stream.linear.gather [hbm4b:s30+s2], $0x6400, $0x38;
	[tilespmem:$0x19000] =	vst v63  }
0x1d: {  	_ =	swait.ge [sflag:s29], $0x6400  }
0x1e: {  	[sflag:s29] =	ssyncset.done $0x0  }
0x1f: {  	[sflag:s29] =	ssyncadd.s32 $0xFFFF9C00  }
0x20: {  	v4 =	vld.idx.msk [tilespmem:v4+s2+$0x0], $0xffff;
	_ =	sdelay $0x4  }
0x21: {  	v5 =	vshll.u32 v4, $0x4  }
0x22: {  	(v2sf) =	vpush v5, $0x0  }
0x23: {  	(v2sf) =	vpush v5, $0x2  }
0x24: {  	s9 =	simm.s32 $0x10;
	(v2sf) =	vpush v5, $0x1  }
0x25: {  	v4 =	vmov s9  }
0x26: {  	v4 =	vshll.u32 v4, $0x7;
	(v2sf) =	vpush v5, $0x3  }
0x27: {  	v4 =	vor.u32 v0, v4;
	(v2sf) =	vpush v5, $0x4  }
0x28: {  	s7 =	simm.s32 $0x2000;
	s12 =	simm.s32 $0x4000;
	s14 =	simm.s32 $0x0;
	v4 =	vor.u32 v2, v4  }
.LBB2_2:
0x29: {  	_ =	sdelay $0x1  }
0x2a: {  	p0 =	sne.s32 s12, $0x16000;
	(v2sf) =	vpush v5, $0x5;
	s13 =	smov.u32 s12;
	s12 =	sadd.s32 $0x2000, s12  }
0x2b: {  	s15 =	sshra.s32 s14, $0x2;
	s14 =	smov.u32 s7;
	s7 =	smov.u32 s13  }
0x2c: {  	s25 =	sadd.s32 $0xC880, s15;
	(v2sf) =	vpush v5, $0x6  }
0x2d: {  	s26 =	sadd.s32 $0xC800, s15  }
0x2e: {  	s18 =	sadd.s32 $0xCD80, s15;
	s17 =	sadd.s32 $0xCE00, s15;
	s16 =	sadd.s32 $0xCE80, s15;
	(v2sf) =	vpush v5, $0x7  }
0x2f: {  	s21 =	sadd.s32 $0xCC00, s15;
	s20 =	sadd.s32 $0xCC80, s15;
	s19 =	sadd.s32 $0xCD00, s15  }
0x30: {  	s28 =	sadd.s32 $0xCB00, s15;
	s13 =	sadd.s32 $0xCB80, s15;
	s29 =	spop (v2sf);
	(v2sf) =	vpush v5, $0x8  }
0x31: {  	s30 =	sadd.s32 $0xC900, s15;
	s29 =	sand.u32 $0x1FFFFFF0, s29;
	s31 =	spop (v2sf)  }
0x32: {  	s0 =	sadd.s32 $0xCA80, s15;
	s29 =	sadd.s32 s4, s29;
	s3 =	spop (v2sf);
	(v2sf) =	vpush v5, $0x9  }
0x33: {  	[tilespmem:s26], [sflag:$0x1] =	stream.linear.gather [hbm4b:s29+s2], $0x80, $0x38;
	[tilespmem:$0x19000] =	vst v63  }
0x34: {  	s3 =	sand.u32 $0x1FFFFFF0, s3;
	s26 =	sand.u32 $0x1FFFFFF0, s31;
	s29 =	spop (v2sf);
	(v2sf) =	vpush v5, $0xA  }
0x35: {  	s31 =	sadd.s32 $0xCA00, s15;
	s3 =	sadd.s32 s4, s3;
	s1 =	spop (v2sf)  }
0x36: {  	[tilespmem:s25], [sflag:$0x1] =	stream.linear.gather [hbm4b:s3+s2], $0x80, $0x38;
	(v2sf) =	vpush v5, $0xB;
	[tilespmem:$0x19000] =	vst v63  }
0x37: {  	s3 =	sadd.s32 s4, s26;
	s25 =	sand.u32 $0x1FFFFFF0, s29;
	s1 =	sand.u32 $0x1FFFFFF0, s1  }
0x38: {  	[tilespmem:s30], [sflag:$0x1] =	stream.linear.gather [hbm4b:s3+s2], $0x80, $0x38;
	(v2sf) =	vpush v5, $0xC;
	[tilespmem:$0x19000] =	vst v63  }
0x39: {  	s25 =	sadd.s32 s4, s25;
	s3 =	sadd.s32 $0xC980, s15;
	s26 =	spop (v2sf)  }
0x3a: {  	[tilespmem:s3], [sflag:$0x1] =	stream.linear.gather [hbm4b:s25+s2], $0x80, $0x38;
	(v2sf) =	vpush v5, $0xD;
	[tilespmem:$0x19000] =	vst v63  }
0x3b: {  	s1 =	sadd.s32 s4, s1;
	s3 =	sand.u32 $0x1FFFFFF0, s26;
	s25 =	spop (v2sf)  }
0x3c: {  	[tilespmem:s31], [sflag:$0x1] =	stream.linear.gather [hbm4b:s1+s2], $0x80, $0x38;
	(v2sf) =	vpush v5, $0xE;
	[tilespmem:$0x19000] =	vst v63  }
0x3d: {  	s1 =	sadd.s32 s4, s3;
	s3 =	sand.u32 $0x1FFFFFF0, s25;
	s25 =	spop (v2sf)  }
0x3e: {  	[tilespmem:s0], [sflag:$0x1] =	stream.linear.gather [hbm4b:s1+s2], $0x80, $0x38;
	(v2sf) =	vpush v5, $0xF;
	[tilespmem:$0x19000] =	vst v63  }
0x3f: {  	s0 =	sadd.s32 s4, s3;
	s1 =	sand.u32 $0x1FFFFFF0, s25;
	s3 =	spop (v2sf)  }
0x40: {  	[tilespmem:s28], [sflag:$0x1] =	stream.linear.gather [hbm4b:s0+s2], $0x80, $0x38;
	[tilespmem:$0x19000] =	vst v63  }
0x41: {  	s0 =	sadd.s32 s4, s1;
	s1 =	sand.u32 $0x1FFFFFF0, s3;
	s3 =	spop (v2sf)  }
0x42: {  	[tilespmem:s13], [sflag:$0x1] =	stream.linear.gather [hbm4b:s0+s2], $0x80, $0x38;
	[tilespmem:$0x19000] =	vst v63  }
0x43: {  	s0 =	sadd.s32 s4, s1;
	s1 =	sand.u32 $0x1FFFFFF0, s3;
	s3 =	spop (v2sf)  }
0x44: {  	[tilespmem:s21], [sflag:$0x1] =	stream.linear.gather [hbm4b:s0+s2], $0x80, $0x38;
	[tilespmem:$0x19000] =	vst v63  }
0x45: {  	s0 =	sadd.s32 s4, s1;
	s1 =	sand.u32 $0x1FFFFFF0, s3;
	s3 =	spop (v2sf)  }
0x46: {  	[tilespmem:s20], [sflag:$0x1] =	stream.linear.gather [hbm4b:s0+s2], $0x80, $0x38;
	[tilespmem:$0x19000] =	vst v63  }
0x47: {  	s0 =	sadd.s32 s4, s1;
	s1 =	sand.u32 $0x1FFFFFF0, s3;
	s3 =	spop (v2sf)  }
0x48: {  	[tilespmem:s19], [sflag:$0x1] =	stream.linear.gather [hbm4b:s0+s2], $0x80, $0x38;
	[tilespmem:$0x19000] =	vst v63  }
0x49: {  	s0 =	sadd.s32 s4, s1;
	s1 =	sand.u32 $0x1FFFFFF0, s3;
	s3 =	spop (v2sf)  }
0x4a: {  	[tilespmem:s18], [sflag:$0x1] =	stream.linear.gather [hbm4b:s0+s2], $0x80, $0x38;
	[tilespmem:$0x19000] =	vst v63  }
0x4b: {  	s0 =	sadd.s32 s4, s1;
	s1 =	sand.u32 $0x1FFFFFF0, s3;
	s3 =	spop (v2sf)  }
0x4c: {  	[tilespmem:s17], [sflag:$0x1] =	stream.linear.gather [hbm4b:s0+s2], $0x80, $0x38;
	[tilespmem:$0x19000] =	vst v63  }
0x4d: {  	s0 =	sadd.s32 s4, s1;
	s1 =	sand.u32 $0x1FFFFFF0, s3;
	s3 =	spop (v2sf)  }
0x4e: {  	[tilespmem:s16], [sflag:$0x1] =	stream.linear.gather [hbm4b:s0+s2], $0x80, $0x38;
	[tilespmem:$0x19000] =	vst v63  }
0x4f: {  	s1 =	sadd.s32 s4, s1;
	s0 =	sadd.s32 $0xCF00, s15;
	s3 =	sand.u32 $0x1FFFFFF0, s3  }
0x50: {  	[tilespmem:s0], [sflag:$0x1] =	stream.linear.gather [hbm4b:s1+s2], $0x80, $0x38;
	[tilespmem:$0x19000] =	vst v63  }
0x51: {  	s0 =	sadd.s32 $0xCF80, s15;
	s1 =	sadd.s32 s4, s3  }
0x52: {  	[tilespmem:s0], [sflag:$0x1] =	stream.linear.gather [hbm4b:s1+s2], $0x80, $0x38;
	[tilespmem:$0x19000] =	vst v63  }
0x53: {  	v4 =	vld.idx.msk [tilespmem:v4+s2+$0x0], $0xffff;
	_ =	sdelay $0x5  }
0x54: {  	v5 =	vshll.u32 v4, $0x4  }
0x55: {  	(v2sf) =	vpush v5, $0x0  }
0x56: {  	(v2sf) =	vpush v5, $0x2  }
.Ltmp2:
0x57: {  	s9 =	sadd.s32 $0x10, s9;
	(v2sf) =	vpush v5, $0x1;
	(pc) =	sbr.rel @p0 .LBB2_2-.Ltmp2, $4  }
0x58: {  	v4 =	vmov s9  }
0x59: {  	v4 =	vshll.u32 v4, $0x7;
	(v2sf) =	vpush v5, $0x3  }
0x5a: {  	v4 =	vor.u32 v0, v4;
	(v2sf) =	vpush v5, $0x4  }
0x5b: {  	v4 =	vor.u32 v2, v4  }
0x5c: {  	_ =	sdelay $0x7  }
0x5d: {  	s0 =	spop (v2sf)  }
0x5e: {  	s3 =	spop (v2sf);
	(v2sf) =	vpush v5, $0x5;
	_ =	sdelay $0x1  }
0x5f: {  	s30 =	spop (v2sf);
	(v2sf) =	vpush v5, $0x6  }
0x60: {  	s9 =	sshra.s32 s14, $0x2;
	s0 =	sand.u32 $0x1FFFFFF0, s0  }
0x61: {  	s1 =	sadd.s32 $0xC800, s9;
	s0 =	sadd.s32 s4, s0;
	(v2sf) =	vpush v5, $0x7  }
0x62: {  	[tilespmem:s1], [sflag:$0x1] =	stream.linear.gather [hbm4b:s0+s2], $0x80, $0x38;
	[tilespmem:$0x19000] =	vst v63  }
0x63: {  	s0 =	sand.u32 $0x1FFFFFF0, s30  }
0x64: {  	s31 =	sadd.s32 $0xC880, s9;
	s0 =	sadd.s32 s4, s0;
	s13 =	spop (v2sf)  }
0x65: {  	[tilespmem:s31], [sflag:$0x1] =	stream.linear.gather [hbm4b:s0+s2], $0x80, $0x38;
	[tilespmem:$0x19000] =	vst v63  }
0x66: {  	s11 =	sand.u32 $0x1FFFFFF0, s3;
	s15 =	spop (v2sf);
	(v2sf) =	vpush v5, $0x8  }
0x67: {  	s12 =	sadd.s32 $0xC900, s9;
	s0 =	sadd.s32 s4, s11  }
0x68: {  	[tilespmem:s12], [sflag:$0x1] =	stream.linear.gather [hbm4b:s0+s2], $0x80, $0x38;
	[tilespmem:$0x19000] =	vst v63  }
0x69: {  	s0 =	sand.u32 $0x1FFFFFF0, s13  }
0x6a: {  	s14 =	sadd.s32 $0xC980, s9;
	s0 =	sadd.s32 s4, s0  }
0x6b: {  	[tilespmem:s14], [sflag:$0x1] =	stream.linear.gather [hbm4b:s0+s2], $0x80, $0x38;
	[tilespmem:$0x19000] =	vst v63  }
0x6c: {  	s17 =	spop (v2sf);
	(v2sf) =	vpush v5, $0x9  }
0x6d: {  	s0 =	sand.u32 $0x1FFFFFF0, s15  }
0x6e: {  	s16 =	sadd.s32 $0xCA00, s9;
	s0 =	sadd.s32 s4, s0;
	s19 =	spop (v2sf);
	(v2sf) =	vpush v5, $0xA  }
0x6f: {  	[tilespmem:s16], [sflag:$0x1] =	stream.linear.gather [hbm4b:s0+s2], $0x80, $0x38;
	[tilespmem:$0x19000] =	vst v63  }
0x70: {  	s21 =	spop (v2sf);
	(v2sf) =	vpush v5, $0xB  }
0x71: {  	s0 =	sand.u32 $0x1FFFFFF0, s17  }
0x72: {  	s18 =	sadd.s32 $0xCA80, s9;
	s0 =	sadd.s32 s4, s0  }
0x73: {  	[tilespmem:s18], [sflag:$0x1] =	stream.linear.gather [hbm4b:s0+s2], $0x80, $0x38;
	[tilespmem:$0x19000] =	vst v63  }
0x74: {  	s0 =	sand.u32 $0x1FFFFFF0, s19  }
0x75: {  	s20 =	sadd.s32 $0xCB00, s9;
	s0 =	sadd.s32 s4, s0;
	s25 =	spop (v2sf)  }
0x76: {  	(v2sf) =	vpush v5, $0xC;
	[tilespmem:s20], [sflag:$0x1] =	stream.linear.gather [hbm4b:s0+s2], $0x80, $0x38;
	[tilespmem:$0x19000] =	vst v63  }
0x77: {  	s0 =	sand.u32 $0x1FFFFFF0, s21  }
0x78: {  	s24 =	sadd.s32 $0xCB80, s9;
	s0 =	sadd.s32 s4, s0  }
0x79: {  	[tilespmem:s24], [sflag:$0x1] =	stream.linear.gather [hbm4b:s0+s2], $0x80, $0x38;
	[tilespmem:$0x19000] =	vst v63  }
0x7a: {  	s0 =	sand.u32 $0x1FFFFFF0, s25  }
0x7b: {  	s26 =	sadd.s32 $0xCC00, s9;
	s0 =	sadd.s32 s4, s0;
	s28 =	spop (v2sf);
	(v2sf) =	vpush v5, $0xD  }
0x7c: {  	[tilespmem:s26], [sflag:$0x1] =	stream.linear.gather [hbm4b:s0+s2], $0x80, $0x38;
	[tilespmem:$0x19000] =	vst v63  }
0x7d: {  	s30 =	spop (v2sf);
	(v2sf) =	vpush v5, $0xE  }
0x7e: {  	s0 =	sand.u32 $0x1FFFFFF0, s28  }
0x7f: {  	s29 =	sadd.s32 $0xCC80, s9;
	s0 =	sadd.s32 s4, s0;
	s3 =	spop (v2sf)  }
0x80: {  	(v2sf) =	vpush v5, $0xF;
	[tilespmem:s29], [sflag:$0x1] =	stream.linear.gather [hbm4b:s0+s2], $0x80, $0x38;
	[tilespmem:$0x19000] =	vst v63  }
0x81: {  	s0 =	sand.u32 $0x1FFFFFF0, s30  }
0x82: {  	s31 =	sadd.s32 $0xCD00, s9;
	s0 =	sadd.s32 s4, s0  }
0x83: {  	[tilespmem:s31], [sflag:$0x1] =	stream.linear.gather [hbm4b:s0+s2], $0x80, $0x38;
	[tilespmem:$0x19000] =	vst v63  }
0x84: {  	s0 =	sand.u32 $0x1FFFFFF0, s3  }
0x85: {  	s11 =	sadd.s32 $0xCD80, s9;
	s12 =	spop (v2sf);
	s0 =	sadd.s32 s4, s0  }
0x86: {  	[tilespmem:s11], [sflag:$0x1] =	stream.linear.gather [hbm4b:s0+s2], $0x80, $0x38;
	[tilespmem:$0x19000] =	vst v63  }
0x87: {  	s0 =	sand.u32 $0x1FFFFFF0, s12  }
0x88: {  	s13 =	sadd.s32 $0xCE00, s9;
	s0 =	sadd.s32 s4, s0  }
0x89: {  	[tilespmem:s13], [sflag:$0x1] =	stream.linear.gather [hbm4b:s0+s2], $0x80, $0x38;
	[tilespmem:$0x19000] =	vst v63  }
0x8a: {  	s14 =	spop (v2sf)  }
0x8b: {  	s0 =	sand.u32 $0x1FFFFFF0, s14  }
0x8c: {  	s15 =	sadd.s32 $0xCE80, s9;
	s16 =	spop (v2sf);
	s0 =	sadd.s32 s4, s0  }
0x8d: {  	[tilespmem:s15], [sflag:$0x1] =	stream.linear.gather [hbm4b:s0+s2], $0x80, $0x38;
	[tilespmem:$0x19000] =	vst v63  }
0x8e: {  	s0 =	sand.u32 $0x1FFFFFF0, s16  }
0x8f: {  	s17 =	sadd.s32 $0xCF00, s9;
	s18 =	spop (v2sf);
	s0 =	sadd.s32 s4, s0  }
0x90: {  	[tilespmem:s17], [sflag:$0x1] =	stream.linear.gather [hbm4b:s0+s2], $0x80, $0x38;
	[tilespmem:$0x19000] =	vst v63  }
0x91: {  	s0 =	sand.u32 $0x1FFFFFF0, s18  }
0x92: {  	s19 =	sadd.s32 $0xCF80, s9;
	s0 =	sadd.s32 s4, s0  }
0x93: {  	[tilespmem:s19], [sflag:$0x1] =	stream.linear.gather [hbm4b:s0+s2], $0x80, $0x38;
	[tilespmem:$0x19000] =	vst v63  }
0x94: {  	v4 =	vld.idx.msk [tilespmem:v4+s2+$0x0], $0xffff;
	_ =	sdelay $0x4  }
0x95: {  	v4 =	vshll.u32 v4, $0x4  }
0x96: {  	(v2sf) =	vpush v4, $0x0;
	_ =	sdelay $0x1  }
0x97: {  	(v2sf) =	vpush v4, $0x2;
	_ =	sdelay $0x1  }
0x98: {  	(v2sf) =	vpush v4, $0x1;
	_ =	sdelay $0x3  }
0x99: {  	(v2sf) =	vpush v4, $0x3;
	_ =	sdelay $0x4  }
0x9a: {  	(v2sf) =	vpush v4, $0x4;
	_ =	sdelay $0x1  }
0x9b: {  	s20 =	spop (v2sf);
	(v2sf) =	vpush v4, $0x5;
	_ =	sdelay $0x1  }
0x9c: {  	s24 =	spop (v2sf);
	(v2sf) =	vpush v4, $0x6;
	_ =	sdelay $0x1  }
0x9d: {  	s7 =	sshra.s32 s7, $0x2;
	s0 =	sand.u32 $0x1FFFFFF0, s20;
	s25 =	spop (v2sf);
	(v2sf) =	vpush v4, $0x7  }
0x9e: {  	s21 =	sadd.s32 $0xC800, s7;
	s0 =	sadd.s32 s4, s0  }
0x9f: {  	[tilespmem:s21], [sflag:$0x1] =	stream.linear.gather [hbm4b:s0+s2], $0x80, $0x38;
	[tilespmem:$0x19000] =	vst v63  }
0xa0: {  	s26 =	sadd.s32 $0xC880, s7;
	s0 =	sand.u32 $0x1FFFFFF0, s25  }
0xa1: {  	s28 =	sand.u32 $0x1FFFFFF0, s24;
	s30 =	spop (v2sf);
	s0 =	sadd.s32 s4, s0  }
0xa2: {  	(v2sf) =	vpush v4, $0x8;
	[tilespmem:s26], [sflag:$0x1] =	stream.linear.gather [hbm4b:s0+s2], $0x80, $0x38;
	[tilespmem:$0x19000] =	vst v63  }
0xa3: {  	s29 =	sadd.s32 $0xC900, s7;
	s0 =	sadd.s32 s4, s28  }
0xa4: {  	[tilespmem:s29], [sflag:$0x1] =	stream.linear.gather [hbm4b:s0+s2], $0x80, $0x38;
	[tilespmem:$0x19000] =	vst v63  }
0xa5: {  	s0 =	sand.u32 $0x1FFFFFF0, s30  }
0xa6: {  	s31 =	sadd.s32 $0xC980, s7;
	s3 =	spop (v2sf);
	s0 =	sadd.s32 s4, s0  }
0xa7: {  	[tilespmem:s31], [sflag:$0x1] =	stream.linear.gather [hbm4b:s0+s2], $0x80, $0x38;
	[tilespmem:$0x19000] =	vst v63  }
0xa8: {  	s11 =	spop (v2sf);
	(v2sf) =	vpush v4, $0x9  }
0xa9: {  	s0 =	sand.u32 $0x1FFFFFF0, s3  }
0xaa: {  	s9 =	sadd.s32 $0xCA00, s7;
	s0 =	sadd.s32 s4, s0;
	s13 =	spop (v2sf);
	(v2sf) =	vpush v4, $0xA  }
0xab: {  	[tilespmem:s9], [sflag:$0x1] =	stream.linear.gather [hbm4b:s0+s2], $0x80, $0x38;
	[tilespmem:$0x19000] =	vst v63  }
0xac: {  	s15 =	spop (v2sf);
	(v2sf) =	vpush v4, $0xB  }
0xad: {  	s0 =	sand.u32 $0x1FFFFFF0, s11  }
0xae: {  	s12 =	sadd.s32 $0xCA80, s7;
	s0 =	sadd.s32 s4, s0  }
0xaf: {  	[tilespmem:s12], [sflag:$0x1] =	stream.linear.gather [hbm4b:s0+s2], $0x80, $0x38;
	[tilespmem:$0x19000] =	vst v63  }
0xb0: {  	s0 =	sand.u32 $0x1FFFFFF0, s13  }
0xb1: {  	s14 =	sadd.s32 $0xCB00, s7;
	s17 =	spop (v2sf);
	s0 =	sadd.s32 s4, s0  }
0xb2: {  	(v2sf) =	vpush v4, $0xC;
	[tilespmem:s14], [sflag:$0x1] =	stream.linear.gather [hbm4b:s0+s2], $0x80, $0x38;
	[tilespmem:$0x19000] =	vst v63  }
0xb3: {  	s0 =	sand.u32 $0x1FFFFFF0, s15  }
0xb4: {  	s16 =	sadd.s32 $0xCB80, s7;
	s0 =	sadd.s32 s4, s0  }
0xb5: {  	[tilespmem:s16], [sflag:$0x1] =	stream.linear.gather [hbm4b:s0+s2], $0x80, $0x38;
	[tilespmem:$0x19000] =	vst v63  }
0xb6: {  	s0 =	sand.u32 $0x1FFFFFF0, s17  }
0xb7: {  	s18 =	sadd.s32 $0xCC00, s7;
	s0 =	sadd.s32 s4, s0;
	s19 =	spop (v2sf);
	(v2sf) =	vpush v4, $0xD  }
0xb8: {  	[tilespmem:s18], [sflag:$0x1] =	stream.linear.gather [hbm4b:s0+s2], $0x80, $0x38;
	[tilespmem:$0x19000] =	vst v63  }
0xb9: {  	s21 =	spop (v2sf);
	(v2sf) =	vpush v4, $0xE  }
0xba: {  	s0 =	sand.u32 $0x1FFFFFF0, s19  }
0xbb: {  	s20 =	sadd.s32 $0xCC80, s7;
	s0 =	sadd.s32 s4, s0;
	s25 =	spop (v2sf)  }
0xbc: {  	(v2sf) =	vpush v4, $0xF;
	[tilespmem:s20], [sflag:$0x1] =	stream.linear.gather [hbm4b:s0+s2], $0x80, $0x38;
	[tilespmem:$0x19000] =	vst v63  }
0xbd: {  	s0 =	sand.u32 $0x1FFFFFF0, s21  }
0xbe: {  	s24 =	sadd.s32 $0xCD00, s7;
	s0 =	sadd.s32 s4, s0  }
0xbf: {  	[tilespmem:s24], [sflag:$0x1] =	stream.linear.gather [hbm4b:s0+s2], $0x80, $0x38;
	[tilespmem:$0x19000] =	vst v63  }
0xc0: {  	s0 =	sand.u32 $0x1FFFFFF0, s25  }
0xc1: {  	s26 =	sadd.s32 $0xCD80, s7;
	s28 =	spop (v2sf);
	s0 =	sadd.s32 s4, s0  }
0xc2: {  	[tilespmem:s26], [sflag:$0x1] =	stream.linear.gather [hbm4b:s0+s2], $0x80, $0x38;
	[tilespmem:$0x19000] =	vst v63  }
0xc3: {  	s0 =	sand.u32 $0x1FFFFFF0, s28  }
0xc4: {  	s29 =	sadd.s32 $0xCE00, s7;
	s0 =	sadd.s32 s4, s0  }
0xc5: {  	[tilespmem:s29], [sflag:$0x1] =	stream.linear.gather [hbm4b:s0+s2], $0x80, $0x38;
	[tilespmem:$0x19000] =	vst v63  }
0xc6: {  	s30 =	spop (v2sf)  }
0xc7: {  	s0 =	sand.u32 $0x1FFFFFF0, s30  }
0xc8: {  	s31 =	sadd.s32 $0xCE80, s7;
	s3 =	spop (v2sf);
	s0 =	sadd.s32 s4, s0  }
0xc9: {  	[tilespmem:s31], [sflag:$0x1] =	stream.linear.gather [hbm4b:s0+s2], $0x80, $0x38;
	[tilespmem:$0x19000] =	vst v63  }
0xca: {  	s0 =	sand.u32 $0x1FFFFFF0, s3  }
0xcb: {  	s9 =	sadd.s32 $0xCF00, s7;
	s11 =	spop (v2sf);
	s0 =	sadd.s32 s4, s0  }
0xcc: {  	[tilespmem:s9], [sflag:$0x1] =	stream.linear.gather [hbm4b:s0+s2], $0x80, $0x38;
	[tilespmem:$0x19000] =	vst v63  }
0xcd: {  	s0 =	sand.u32 $0x1FFFFFF0, s11  }
0xce: {  	s12 =	sadd.s32 $0xCF80, s7;
	s7 =	simm.s32 $0x0;
	s0 =	sadd.s32 s4, s0  }
0xcf: {  	[tilespmem:s12], [sflag:$0x1] =	stream.linear.gather [hbm4b:s0+s2], $0x80, $0x38;
	[tilespmem:$0x19000] =	vst v63  }
0xd0: {  	v4 =	vld.idx.msk [tilespmem:v3+s7+$0x0], $0xffff;
	_ =	sdelay $0x4  }
0xd1: {  	v4 =	vshll.u32 v4, $0x4  }
0xd2: {  	(v2sf) =	vpush v4, $0x8;
	_ =	sdelay $0x1  }
0xd3: {  	(v2sf) =	vpush v4, $0x9;
	_ =	sdelay $0x1  }
0xd4: {  	(v2sf) =	vpush v4, $0xA;
	_ =	sdelay $0x2  }
0xd5: {  	(v2sf) =	vpush v4, $0xB;
	_ =	sdelay $0x7  }
0xd6: {  	s13 =	spop (v2sf);
	(v2sf) =	vpush v4, $0xC;
	_ =	sdelay $0x1  }
0xd7: {  	s15 =	spop (v2sf);
	(v2sf) =	vpush v4, $0xD  }
0xd8: {  	s0 =	sand.u32 $0x1FFFFFF0, s13  }
0xd9: {  	s14 =	simm.s32 $0x12800;
	s0 =	sadd.s32 s4, s0;
	s17 =	spop (v2sf)  }
0xda: {  	(v2sf) =	vpush v4, $0xE;
	[tilespmem:s14], [sflag:$0x1] =	stream.linear.gather [hbm4b:s0+s7], $0x80, $0x38;
	[tilespmem:$0x19000] =	vst v63  }
0xdb: {  	s0 =	sand.u32 $0x1FFFFFF0, s15  }
0xdc: {  	s16 =	simm.s32 $0x12880;
	s19 =	spop (v2sf);
	s0 =	sadd.s32 s4, s0  }
0xdd: {  	(v2sf) =	vpush v4, $0xF;
	[tilespmem:s16], [sflag:$0x1] =	stream.linear.gather [hbm4b:s0+s7], $0x80, $0x38;
	[tilespmem:$0x19000] =	vst v63  }
0xde: {  	s0 =	sand.u32 $0x1FFFFFF0, s17  }
0xdf: {  	s18 =	simm.s32 $0x12900;
	s0 =	sadd.s32 s4, s0  }
0xe0: {  	[tilespmem:s18], [sflag:$0x1] =	stream.linear.gather [hbm4b:s0+s7], $0x80, $0x38;
	[tilespmem:$0x19000] =	vst v63  }
0xe1: {  	s0 =	sand.u32 $0x1FFFFFF0, s19  }
0xe2: {  	s20 =	simm.s32 $0x12980;
	s0 =	sadd.s32 s4, s0  }
0xe3: {  	[tilespmem:s20], [sflag:$0x1] =	stream.linear.gather [hbm4b:s0+s7], $0x80, $0x38;
	[tilespmem:$0x19000] =	vst v63  }
0xe4: {  	s21 =	spop (v2sf)  }
0xe5: {  	s0 =	sand.u32 $0x1FFFFFF0, s21  }
0xe6: {  	s24 =	simm.s32 $0x12A00;
	s25 =	spop (v2sf);
	s0 =	sadd.s32 s4, s0  }
0xe7: {  	[tilespmem:s24], [sflag:$0x1] =	stream.linear.gather [hbm4b:s0+s7], $0x80, $0x38;
	[tilespmem:$0x19000] =	vst v63  }
0xe8: {  	s0 =	sand.u32 $0x1FFFFFF0, s25  }
0xe9: {  	s26 =	simm.s32 $0x12A80;
	s28 =	spop (v2sf);
	s0 =	sadd.s32 s4, s0  }
0xea: {  	[tilespmem:s26], [sflag:$0x1] =	stream.linear.gather [hbm4b:s0+s7], $0x80, $0x38;
	[tilespmem:$0x19000] =	vst v63  }
0xeb: {  	s29 =	simm.s32 $0x12B00;
	s0 =	sand.u32 $0x1FFFFFF0, s28  }
.Ltmp3:
0xec: {  	s30 =	spop (v2sf);
	s0 =	sadd.s32 s4, s0;
	(pc) =	sbr.rel .LBB2_4-.Ltmp3, $4  }
0xed: {  	[tilespmem:s29], [sflag:$0x1] =	stream.linear.gather [hbm4b:s0+s7], $0x80, $0x38;
	[tilespmem:$0x19000] =	vst v63  }
0xee: {  	s0 =	sand.u32 $0x1FFFFFF0, s30  }
0xef: {  	s31 =	simm.s32 $0x12B80;
	s0 =	sadd.s32 s4, s0  }
0xf0: {  	[tilespmem:s31], [sflag:$0x1] =	stream.linear.gather [hbm4b:s0+s7], $0x80, $0x38;
	[tilespmem:$0x19000] =	vst v63  }
.LBB2_17:
0xf1: {  	s7 =	sadd.s32 $0x1, s7  }
0xf2: {  	p0 =	sne.s32 s7, $0x20  }
.Ltmp4:
0xf3: {  	_ = 	snop;
	(pc) =	sbr.rel @!p0 .LBB2_18-.Ltmp4, $1  }
0xf4: {  	_ =	sdelay $0x3  }
.LBB2_4:
0xf5: {  	s9 =	sand.u32 $0x1, s7  }
0xf6: {  	p0 =	seq.s32 s9, $0x1  }
.Ltmp5:
0xf7: {  	_ = 	snop;
	(pc) =	sbr.rel @p0 .LBB2_10-.Ltmp5, $1  }
0xf8: {  	_ =	sdelay $0x3  }
0xf9: {  	s12 =	simm.s32 $0x0  }
0xfa: {  	v4 =	vmov s12  }
0xfb: {  	s0 =	sor.u32 s8, s7;
	v5 =	vshll.u32 v4, $0x7  }
0xfc: {  	v4 =	vmov s0;
	v5 =	vor.u32 v0, v5  }
0xfd: {  	p0 =	seq.s32 s7, $0x0;
	v5 =	vadd.s32 v4, v5  }
0xfe: {  	s0 =	simm.s32 @!p0 $0x4  }
0xff: {  	_ =	swait.ge @!p0 [sflag:s0], $0x6400  }
0x100: {  	[sflag:s0] =	ssyncset.done @!p0 $0x0  }
0x101: {  	[sflag:s0] =	ssyncadd.s32 @!p0 $0xFFFF9C00  }
0x102: {  	v5 =	vld.idx.msk [tilespmem:v5+s2+$0x0], $0xffff;
	_ =	sdelay $0x4  }
0x103: {  	v6 =	vshll.u32 v5, $0x4  }
0x104: {  	(v2sf) =	vpush v6, $0x0  }
0x105: {  	(v2sf) =	vpush v6, $0x2  }
0x106: {  	s14 =	simm.s32 $0x10;
	(v2sf) =	vpush v6, $0x1  }
0x107: {  	v5 =	vmov s14  }
0x108: {  	v5 =	vshll.u32 v5, $0x7;
	(v2sf) =	vpush v6, $0x3  }
0x109: {  	v5 =	vor.u32 v0, v5;
	(v2sf) =	vpush v6, $0x4  }
0x10a: {  	s25 =	simm.s32 $0x2000;
	s15 =	simm.s32 $0x4000;
	v5 =	vadd.s32 v4, v5  }
.LBB2_6:
0x10b: {  	_ =	sdelay $0x1  }
0x10c: {  	p0 =	sne.s32 s15, $0x16000;
	(v2sf) =	vpush v6, $0x5;
	s0 =	smov.u32 s15;
	s15 =	sadd.s32 $0x2000, s15  }
0x10d: {  	s16 =	sshra.s32 s12, $0x2;
	s12 =	smov.u32 s25;
	s25 =	smov.u32 s0  }
0x10e: {  	s0 =	sadd.s32 $0x12C80, s16;
	(v2sf) =	vpush v6, $0x6  }
0x10f: {  	s1 =	sadd.s32 $0x12C00, s16  }
0x110: {  	s19 =	sadd.s32 $0x13180, s16;
	s18 =	sadd.s32 $0x13200, s16;
	s17 =	sadd.s32 $0x13280, s16;
	(v2sf) =	vpush v6, $0x7  }
0x111: {  	s13 =	sadd.s32 $0x13000, s16;
	s21 =	sadd.s32 $0x13080, s16;
	s20 =	sadd.s32 $0x13100, s16  }
0x112: {  	s3 =	sadd.s32 $0x12F00, s16;
	s26 =	sadd.s32 $0x12F80, s16;
	s28 =	spop (v2sf);
	(v2sf) =	vpush v6, $0x8  }
0x113: {  	s29 =	sadd.s32 $0x12D00, s16;
	s28 =	sand.u32 $0x1FFFFFF0, s28;
	s30 =	spop (v2sf)  }
0x114: {  	s31 =	sadd.s32 $0x12E80, s16;
	s28 =	sadd.s32 s4, s28;
	s11 =	spop (v2sf);
	(v2sf) =	vpush v6, $0x9  }
0x115: {  	[tilespmem:s1], [sflag:$0x2] =	stream.linear.gather [hbm4b:s28+s2], $0x80, $0x38;
	[tilespmem:$0x19000] =	vst v63  }
0x116: {  	s1 =	sand.u32 $0x1FFFFFF0, s11;
	s11 =	sand.u32 $0x1FFFFFF0, s30;
	s28 =	spop (v2sf);
	(v2sf) =	vpush v6, $0xA  }
0x117: {  	s30 =	sadd.s32 $0x12E00, s16;
	s1 =	sadd.s32 s4, s1;
	s24 =	spop (v2sf)  }
0x118: {  	[tilespmem:s0], [sflag:$0x2] =	stream.linear.gather [hbm4b:s1+s2], $0x80, $0x38;
	(v2sf) =	vpush v6, $0xB;
	[tilespmem:$0x19000] =	vst v63  }
0x119: {  	s0 =	sadd.s32 s4, s11;
	s1 =	sand.u32 $0x1FFFFFF0, s28;
	s11 =	sand.u32 $0x1FFFFFF0, s24  }
0x11a: {  	[tilespmem:s29], [sflag:$0x2] =	stream.linear.gather [hbm4b:s0+s2], $0x80, $0x38;
	(v2sf) =	vpush v6, $0xC;
	[tilespmem:$0x19000] =	vst v63  }
0x11b: {  	s1 =	sadd.s32 s4, s1;
	s0 =	sadd.s32 $0x12D80, s16;
	s24 =	spop (v2sf)  }
0x11c: {  	[tilespmem:s0], [sflag:$0x2] =	stream.linear.gather [hbm4b:s1+s2], $0x80, $0x38;
	(v2sf) =	vpush v6, $0xD;
	[tilespmem:$0x19000] =	vst v63  }
0x11d: {  	s0 =	sadd.s32 s4, s11;
	s1 =	sand.u32 $0x1FFFFFF0, s24;
	s11 =	spop (v2sf)  }
0x11e: {  	[tilespmem:s30], [sflag:$0x2] =	stream.linear.gather [hbm4b:s0+s2], $0x80, $0x38;
	(v2sf) =	vpush v6, $0xE;
	[tilespmem:$0x19000] =	vst v63  }
0x11f: {  	s0 =	sadd.s32 s4, s1;
	s1 =	sand.u32 $0x1FFFFFF0, s11;
	s11 =	spop (v2sf)  }
0x120: {  	[tilespmem:s31], [sflag:$0x2] =	stream.linear.gather [hbm4b:s0+s2], $0x80, $0x38;
	(v2sf) =	vpush v6, $0xF;
	[tilespmem:$0x19000] =	vst v63  }
0x121: {  	s0 =	sadd.s32 s4, s1;
	s1 =	sand.u32 $0x1FFFFFF0, s11;
	s11 =	spop (v2sf)  }
0x122: {  	[tilespmem:s3], [sflag:$0x2] =	stream.linear.gather [hbm4b:s0+s2], $0x80, $0x38;
	[tilespmem:$0x19000] =	vst v63  }
0x123: {  	s0 =	sadd.s32 s4, s1;
	s1 =	sand.u32 $0x1FFFFFF0, s11;
	s3 =	spop (v2sf)  }
0x124: {  	[tilespmem:s26], [sflag:$0x2] =	stream.linear.gather [hbm4b:s0+s2], $0x80, $0x38;
	[tilespmem:$0x19000] =	vst v63  }
0x125: {  	s0 =	sadd.s32 s4, s1;
	s1 =	sand.u32 $0x1FFFFFF0, s3;
	s3 =	spop (v2sf)  }
0x126: {  	[tilespmem:s13], [sflag:$0x2] =	stream.linear.gather [hbm4b:s0+s2], $0x80, $0x38;
	[tilespmem:$0x19000] =	vst v63  }
0x127: {  	s0 =	sadd.s32 s4, s1;
	s1 =	sand.u32 $0x1FFFFFF0, s3;
	s3 =	spop (v2sf)  }
0x128: {  	[tilespmem:s21], [sflag:$0x2] =	stream.linear.gather [hbm4b:s0+s2], $0x80, $0x38;
	[tilespmem:$0x19000] =	vst v63  }
0x129: {  	s0 =	sadd.s32 s4, s1;
	s1 =	sand.u32 $0x1FFFFFF0, s3;
	s3 =	spop (v2sf)  }
0x12a: {  	[tilespmem:s20], [sflag:$0x2] =	stream.linear.gather [hbm4b:s0+s2], $0x80, $0x38;
	[tilespmem:$0x19000] =	vst v63  }
0x12b: {  	s0 =	sadd.s32 s4, s1;
	s1 =	sand.u32 $0x1FFFFFF0, s3;
	s3 =	spop (v2sf)  }
0x12c: {  	[tilespmem:s19], [sflag:$0x2] =	stream.linear.gather [hbm4b:s0+s2], $0x80, $0x38;
	[tilespmem:$0x19000] =	vst v63  }
0x12d: {  	s0 =	sadd.s32 s4, s1;
	s1 =	sand.u32 $0x1FFFFFF0, s3;
	s3 =	spop (v2sf)  }
0x12e: {  	[tilespmem:s18], [sflag:$0x2] =	stream.linear.gather [hbm4b:s0+s2], $0x80, $0x38;
	[tilespmem:$0x19000] =	vst v63  }
0x12f: {  	s0 =	sadd.s32 s4, s1;
	s1 =	sand.u32 $0x1FFFFFF0, s3;
	s3 =	spop (v2sf)  }
0x130: {  	[tilespmem:s17], [sflag:$0x2] =	stream.linear.gather [hbm4b:s0+s2], $0x80, $0x38;
	[tilespmem:$0x19000] =	vst v63  }
0x131: {  	s1 =	sadd.s32 s4, s1;
	s0 =	sadd.s32 $0x13300, s16;
	s3 =	sand.u32 $0x1FFFFFF0, s3  }
0x132: {  	[tilespmem:s0], [sflag:$0x2] =	stream.linear.gather [hbm4b:s1+s2], $0x80, $0x38;
	[tilespmem:$0x19000] =	vst v63  }
0x133: {  	s0 =	sadd.s32 $0x13380, s16;
	s1 =	sadd.s32 s4, s3  }
0x134: {  	[tilespmem:s0], [sflag:$0x2] =	stream.linear.gather [hbm4b:s1+s2], $0x80, $0x38;
	[tilespmem:$0x19000] =	vst v63  }
0x135: {  	v5 =	vld.idx.msk [tilespmem:v5+s2+$0x0], $0xffff;
	_ =	sdelay $0x5  }
0x136: {  	v6 =	vshll.u32 v5, $0x4  }
0x137: {  	(v2sf) =	vpush v6, $0x0  }
0x138: {  	(v2sf) =	vpush v6, $0x2  }
.Ltmp6:
0x139: {  	s14 =	sadd.s32 $0x10, s14;
	(v2sf) =	vpush v6, $0x1;
	(pc) =	sbr.rel @p0 .LBB2_6-.Ltmp6, $4  }
0x13a: {  	v5 =	vmov s14  }
0x13b: {  	v5 =	vshll.u32 v5, $0x7;
	(v2sf) =	vpush v6, $0x3  }
0x13c: {  	v5 =	vor.u32 v0, v5;
	(v2sf) =	vpush v6, $0x4  }
0x13d: {  	v5 =	vadd.s32 v4, v5  }
0x13e: {  	_ =	sdelay $0x1  }
0x13f: {  	(v2sf) =	vpush v6, $0x5;
	_ =	sdelay $0x1  }
0x140: {  	(v2sf) =	vpush v6, $0x6;
	_ =	sdelay $0x1  }
0x141: {  	s12 =	sshra.s32 s12, $0x2  }
0x142: {  	s3 =	sadd.s32 $0x12C00, s12;
	s15 =	sadd.s32 $0x12C80, s12  }
0x143: {  	s18 =	sadd.s32 $0x12D00, s12;
	s21 =	sadd.s32 $0x12D80, s12;
	s0 =	spop (v2sf);
	(v2sf) =	vpush v6, $0x7  }
0x144: {  	s24 =	sadd.s32 $0x12E00, s12;
	s0 =	sand.u32 $0x1FFFFFF0, s0;
	s1 =	spop (v2sf)  }
0x145: {  	s29 =	sadd.s32 $0x12E80, s12;
	s0 =	sadd.s32 s4, s0;
	s11 =	spop (v2sf);
	(v2sf) =	vpush v6, $0x8  }
0x146: {  	[tilespmem:s3], [sflag:$0x2] =	stream.linear.gather [hbm4b:s0+s2], $0x80, $0x38;
	(v2sf) =	vpush v6, $0x9;
	[tilespmem:$0x19000] =	vst v63  }
0x147: {  	s14 =	sadd.s32 $0x12F80, s12;
	s1 =	sand.u32 $0x1FFFFFF0, s1;
	s16 =	sand.u32 $0x1FFFFFF0, s11  }
0x148: {  	s1 =	sadd.s32 s4, s1;
	s17 =	spop (v2sf);
	s3 =	sadd.s32 s4, s16;
	(v2sf) =	vpush v6, $0xA  }
0x149: {  	[tilespmem:s15], [sflag:$0x2] =	stream.linear.gather [hbm4b:s3+s2], $0x80, $0x38;
	[tilespmem:$0x19000] =	vst v63  }
0x14a: {  	s11 =	sadd.s32 $0x12F00, s12;
	s19 =	sand.u32 $0x1FFFFFF0, s17;
	s20 =	spop (v2sf);
	(v2sf) =	vpush v6, $0xB  }
0x14b: {  	[tilespmem:s18], [sflag:$0x2] =	stream.linear.gather [hbm4b:s1+s2], $0x80, $0x38;
	[tilespmem:$0x19000] =	vst v63  }
0x14c: {  	s3 =	sadd.s32 s4, s19;
	s0 =	sand.u32 $0x1FFFFFF0, s20;
	(v2sf) =	vpush v6, $0xC;
	s26 =	spop (v2sf)  }
0x14d: {  	[tilespmem:s21], [sflag:$0x2] =	stream.linear.gather [hbm4b:s3+s2], $0x80, $0x38;
	[tilespmem:$0x19000] =	vst v63  }
0x14e: {  	s0 =	sadd.s32 s4, s0;
	s28 =	spop (v2sf);
	s3 =	sand.u32 $0x1FFFFFF0, s26  }
0x14f: {  	[tilespmem:s24], [sflag:$0x2] =	stream.linear.gather [hbm4b:s0+s2], $0x80, $0x38;
	[tilespmem:$0x19000] =	vst v63  }
0x150: {  	s17 =	sadd.s32 $0x13000, s12;
	(v2sf) =	vpush v6, $0xD;
	s31 =	sand.u32 $0x1FFFFFF0, s28;
	s30 =	sadd.s32 s4, s3  }
0x151: {  	[tilespmem:s29], [sflag:$0x2] =	stream.linear.gather [hbm4b:s30+s2], $0x80, $0x38;
	[tilespmem:$0x19000] =	vst v63  }
0x152: {  	s20 =	sadd.s32 $0x13080, s12;
	s3 =	sadd.s32 s4, s31;
	s13 =	spop (v2sf)  }
0x153: {  	(v2sf) =	vpush v6, $0xE;
	[tilespmem:s11], [sflag:$0x2] =	stream.linear.gather [hbm4b:s3+s2], $0x80, $0x38;
	[tilespmem:$0x19000] =	vst v63  }
0x154: {  	s24 =	sadd.s32 $0x13100, s12;
	s1 =	sand.u32 $0x1FFFFFF0, s13;
	s15 =	spop (v2sf)  }
0x155: {  	(v2sf) =	vpush v6, $0xF;
	s1 =	sadd.s32 s4, s1;
	s3 =	sand.u32 $0x1FFFFFF0, s15;
	s16 =	spop (v2sf)  }
0x156: {  	[tilespmem:s14], [sflag:$0x2] =	stream.linear.gather [hbm4b:s1+s2], $0x80, $0x38;
	[tilespmem:$0x19000] =	vst v63  }
0x157: {  	s18 =	sadd.s32 s4, s3;
	s19 =	sand.u32 $0x1FFFFFF0, s16;
	s21 =	spop (v2sf)  }
0x158: {  	[tilespmem:s17], [sflag:$0x2] =	stream.linear.gather [hbm4b:s18+s2], $0x80, $0x38;
	[tilespmem:$0x19000] =	vst v63  }
0x159: {  	s3 =	sadd.s32 s4, s19;
	s1 =	sand.u32 $0x1FFFFFF0, s21;
	s26 =	spop (v2sf)  }
0x15a: {  	[tilespmem:s20], [sflag:$0x2] =	stream.linear.gather [hbm4b:s3+s2], $0x80, $0x38;
	[tilespmem:$0x19000] =	vst v63  }
0x15b: {  	s1 =	sadd.s32 s4, s1;
	s28 =	spop (v2sf);
	s3 =	sand.u32 $0x1FFFFFF0, s26  }
0x15c: {  	[tilespmem:s24], [sflag:$0x2] =	stream.linear.gather [hbm4b:s1+s2], $0x80, $0x38;
	[tilespmem:$0x19000] =	vst v63  }
0x15d: {  	s29 =	sadd.s32 $0x13180, s12;
	s31 =	sand.u32 $0x1FFFFFF0, s28;
	s30 =	sadd.s32 s4, s3  }
0x15e: {  	[tilespmem:s29], [sflag:$0x2] =	stream.linear.gather [hbm4b:s30+s2], $0x80, $0x38;
	[tilespmem:$0x19000] =	vst v63  }
0x15f: {  	s11 =	spop (v2sf);
	s3 =	sadd.s32 s4, s31;
	s1 =	sadd.s32 $0x13200, s12  }
0x160: {  	[tilespmem:s1], [sflag:$0x2] =	stream.linear.gather [hbm4b:s3+s2], $0x80, $0x38;
	[tilespmem:$0x19000] =	vst v63  }
0x161: {  	s1 =	sand.u32 $0x1FFFFFF0, s11  }
0x162: {  	s13 =	sadd.s32 $0x13280, s12;
	s1 =	sadd.s32 s4, s1;
	s14 =	spop (v2sf)  }
0x163: {  	[tilespmem:s13], [sflag:$0x2] =	stream.linear.gather [hbm4b:s1+s2], $0x80, $0x38;
	[tilespmem:$0x19000] =	vst v63  }
0x164: {  	s3 =	sand.u32 $0x1FFFFFF0, s14;
	s15 =	spop (v2sf)  }
0x165: {  	s16 =	sadd.s32 $0x13300, s12;
	s17 =	sadd.s32 s4, s3;
	s18 =	sand.u32 $0x1FFFFFF0, s15  }
0x166: {  	[tilespmem:s16], [sflag:$0x2] =	stream.linear.gather [hbm4b:s17+s2], $0x80, $0x38;
	[tilespmem:$0x19000] =	vst v63  }
0x167: {  	s19 =	sadd.s32 $0x13380, s12;
	s20 =	sadd.s32 s4, s18  }
0x168: {  	[tilespmem:s19], [sflag:$0x2] =	stream.linear.gather [hbm4b:s20+s2], $0x80, $0x38;
	[tilespmem:$0x19000] =	vst v63  }
0x169: {  	v5 =	vld.idx.msk [tilespmem:v5+s2+$0x0], $0xffff;
	_ =	sdelay $0x4  }
0x16a: {  	v5 =	vshll.u32 v5, $0x4  }
0x16b: {  	(v2sf) =	vpush v5, $0x0  }
0x16c: {  	(v2sf) =	vpush v5, $0x2  }
0x16d: {  	(v2sf) =	vpush v5, $0x1;
	_ =	sdelay $0x1  }
0x16e: {  	(v2sf) =	vpush v5, $0x3  }
0x16f: {  	(v2sf) =	vpush v5, $0x4;
	_ =	sdelay $0x2  }
0x170: {  	(v2sf) =	vpush v5, $0x5;
	_ =	sdelay $0x1  }
0x171: {  	(v2sf) =	vpush v5, $0x6;
	_ =	sdelay $0x2  }
0x172: {  	s12 =	sshra.s32 s25, $0x2  }
0x173: {  	s25 =	sadd.s32 $0x12C00, s12;
	s28 =	sadd.s32 $0x12C80, s12;
	s30 =	sadd.s32 $0x12D00, s12;
	(v2sf) =	vpush v5, $0x7  }
0x174: {  	s11 =	sadd.s32 $0x13180, s12;
	s16 =	sadd.s32 $0x12E00, s12;
	s21 =	spop (v2sf)  }
0x175: {  	s19 =	sadd.s32 $0x12E80, s12;
	(v2sf) =	vpush v5, $0x8;
	s0 =	sand.u32 $0x1FFFFFF0, s21;
	s24 =	spop (v2sf)  }
0x176: {  	s21 =	sadd.s32 $0x12F00, s12;
	s0 =	sadd.s32 s4, s0;
	s26 =	spop (v2sf)  }
0x177: {  	(v2sf) =	vpush v5, $0x9;
	[tilespmem:s25], [sflag:$0x2] =	stream.linear.gather [hbm4b:s0+s2], $0x80, $0x38;
	[tilespmem:$0x19000] =	vst v63  }
0x178: {  	s1 =	sand.u32 $0x1FFFFFF0, s24;
	s29 =	sand.u32 $0x1FFFFFF0, s26;
	s13 =	spop (v2sf)  }
0x179: {  	(v2sf) =	vpush v5, $0xA;
	s1 =	sadd.s32 s4, s1;
	s3 =	sadd.s32 s4, s29;
	s31 =	spop (v2sf)  }
0x17a: {  	[tilespmem:s28], [sflag:$0x2] =	stream.linear.gather [hbm4b:s3+s2], $0x80, $0x38;
	[tilespmem:$0x19000] =	vst v63  }
0x17b: {  	(v2sf) =	vpush v5, $0xB;
	s26 =	sadd.s32 $0x12F80, s12;
	s13 =	sand.u32 $0x1FFFFFF0, s13;
	s3 =	sand.u32 $0x1FFFFFF0, s31  }
0x17c: {  	s14 =	sadd.s32 s4, s13;
	s15 =	spop (v2sf);
	s13 =	sadd.s32 $0x13080, s12  }
0x17d: {  	(v2sf) =	vpush v5, $0xC;
	[tilespmem:s30], [sflag:$0x2] =	stream.linear.gather [hbm4b:s1+s2], $0x80, $0x38;
	[tilespmem:$0x19000] =	vst v63  }
0x17e: {  	s18 =	sand.u32 $0x1FFFFFF0, s15;
	s20 =	spop (v2sf);
	s1 =	sadd.s32 $0x12D80, s12  }
0x17f: {  	(v2sf) =	vpush v5, $0xD;
	[tilespmem:s1], [sflag:$0x2] =	stream.linear.gather [hbm4b:s14+s2], $0x80, $0x38;
	[tilespmem:$0x19000] =	vst v63  }
0x180: {  	s17 =	sadd.s32 s4, s3;
	s3 =	sadd.s32 s4, s18;
	s1 =	sand.u32 $0x1FFFFFF0, s20  }
0x181: {  	[tilespmem:s16], [sflag:$0x2] =	stream.linear.gather [hbm4b:s17+s2], $0x80, $0x38;
	[tilespmem:$0x19000] =	vst v63  }
0x182: {  	s24 =	spop (v2sf);
	s30 =	sadd.s32 $0x13000, s12;
	s1 =	sadd.s32 s4, s1  }
0x183: {  	(v2sf) =	vpush v5, $0xE;
	[tilespmem:s19], [sflag:$0x2] =	stream.linear.gather [hbm4b:s3+s2], $0x80, $0x38;
	[tilespmem:$0x19000] =	vst v63  }
0x184: {  	s16 =	sadd.s32 $0x13100, s12;
	s3 =	sand.u32 $0x1FFFFFF0, s24;
	s25 =	spop (v2sf)  }
0x185: {  	(v2sf) =	vpush v5, $0xF;
	[tilespmem:s21], [sflag:$0x2] =	stream.linear.gather [hbm4b:s1+s2], $0x80, $0x38;
	[tilespmem:$0x19000] =	vst v63  }
0x186: {  	s28 =	sadd.s32 s4, s3;
	s29 =	sand.u32 $0x1FFFFFF0, s25;
	s31 =	spop (v2sf)  }
0x187: {  	[tilespmem:s26], [sflag:$0x2] =	stream.linear.gather [hbm4b:s28+s2], $0x80, $0x38;
	[tilespmem:$0x19000] =	vst v63  }
0x188: {  	s3 =	sadd.s32 s4, s29;
	s1 =	sand.u32 $0x1FFFFFF0, s31;
	s14 =	spop (v2sf)  }
0x189: {  	[tilespmem:s30], [sflag:$0x2] =	stream.linear.gather [hbm4b:s3+s2], $0x80, $0x38;
	[tilespmem:$0x19000] =	vst v63  }
0x18a: {  	s1 =	sadd.s32 s4, s1;
	s15 =	spop (v2sf);
	s3 =	sand.u32 $0x1FFFFFF0, s14  }
0x18b: {  	[tilespmem:s13], [sflag:$0x2] =	stream.linear.gather [hbm4b:s1+s2], $0x80, $0x38;
	[tilespmem:$0x19000] =	vst v63  }
0x18c: {  	s18 =	sand.u32 $0x1FFFFFF0, s15;
	s20 =	spop (v2sf);
	s17 =	sadd.s32 s4, s3  }
0x18d: {  	[tilespmem:s16], [sflag:$0x2] =	stream.linear.gather [hbm4b:s17+s2], $0x80, $0x38;
	[tilespmem:$0x19000] =	vst v63  }
0x18e: {  	s3 =	sadd.s32 s4, s18;
	s24 =	spop (v2sf);
	s1 =	sand.u32 $0x1FFFFFF0, s20  }
0x18f: {  	[tilespmem:s11], [sflag:$0x2] =	stream.linear.gather [hbm4b:s3+s2], $0x80, $0x38;
	[tilespmem:$0x19000] =	vst v63  }
0x190: {  	s19 =	sadd.s32 $0x13200, s12;
	s1 =	sadd.s32 s4, s1;
	s11 =	sand.u32 $0x1FFFFFF0, s24  }
0x191: {  	[tilespmem:s19], [sflag:$0x2] =	stream.linear.gather [hbm4b:s1+s2], $0x80, $0x38;
	[tilespmem:$0x19000] =	vst v63  }
0x192: {  	s21 =	sadd.s32 $0x13280, s12;
	s25 =	spop (v2sf);
	s26 =	sadd.s32 s4, s11  }
0x193: {  	[tilespmem:s21], [sflag:$0x2] =	stream.linear.gather [hbm4b:s26+s2], $0x80, $0x38;
	[tilespmem:$0x19000] =	vst v63  }
0x194: {  	v4 =	vor.u32 v1, v4;
	s28 =	sand.u32 $0x1FFFFFF0, s25;
	s29 =	spop (v2sf)  }
0x195: {  	s30 =	sadd.s32 $0x13300, s12;
	s1 =	sadd.s32 s4, s28;
	s31 =	sand.u32 $0x1FFFFFF0, s29  }
0x196: {  	[tilespmem:s30], [sflag:$0x2] =	stream.linear.gather [hbm4b:s1+s2], $0x80, $0x38;
	[tilespmem:$0x19000] =	vst v63  }
0x197: {  	s11 =	sadd.s32 $0x13380, s12;
	s12 =	sadd.s32 s4, s31  }
0x198: {  	[tilespmem:s11], [sflag:$0x2] =	stream.linear.gather [hbm4b:s12+s2], $0x80, $0x38;
	[tilespmem:$0x19000] =	vst v63  }
0x199: {  	v4 =	vld.idx.msk [tilespmem:v4+s2+$0x0], $0xffff;
	_ =	sdelay $0x4  }
0x19a: {  	v4 =	vshll.u32 v4, $0x4  }
0x19b: {  	(v2sf) =	vpush v4, $0x8;
	_ =	sdelay $0x1  }
0x19c: {  	(v2sf) =	vpush v4, $0x9;
	_ =	sdelay $0x1  }
0x19d: {  	(v2sf) =	vpush v4, $0xA;
	_ =	sdelay $0x2  }
0x19e: {  	(v2sf) =	vpush v4, $0xB;
	_ =	sdelay $0x7  }
0x19f: {  	s13 =	spop (v2sf);
	(v2sf) =	vpush v4, $0xC;
	_ =	sdelay $0x1  }
0x1a0: {  	s15 =	spop (v2sf);
	(v2sf) =	vpush v4, $0xD  }
0x1a1: {  	s0 =	sand.u32 $0x1FFFFFF0, s13  }
0x1a2: {  	s14 =	simm.s32 $0x18C00;
	s0 =	sadd.s32 s4, s0;
	s17 =	spop (v2sf)  }
0x1a3: {  	(v2sf) =	vpush v4, $0xE;
	[tilespmem:s14], [sflag:$0x2] =	stream.linear.gather [hbm4b:s0+s2], $0x80, $0x38;
	[tilespmem:$0x19000] =	vst v63  }
0x1a4: {  	s0 =	sand.u32 $0x1FFFFFF0, s15  }
0x1a5: {  	s16 =	simm.s32 $0x18C80;
	s19 =	spop (v2sf);
	s0 =	sadd.s32 s4, s0  }
0x1a6: {  	(v2sf) =	vpush v4, $0xF;
	[tilespmem:s16], [sflag:$0x2] =	stream.linear.gather [hbm4b:s0+s2], $0x80, $0x38;
	[tilespmem:$0x19000] =	vst v63  }
0x1a7: {  	s0 =	sand.u32 $0x1FFFFFF0, s17  }
0x1a8: {  	s18 =	simm.s32 $0x18D00;
	s0 =	sadd.s32 s4, s0  }
0x1a9: {  	[tilespmem:s18], [sflag:$0x2] =	stream.linear.gather [hbm4b:s0+s2], $0x80, $0x38;
	[tilespmem:$0x19000] =	vst v63  }
0x1aa: {  	s0 =	sand.u32 $0x1FFFFFF0, s19  }
0x1ab: {  	s20 =	simm.s32 $0x18D80;
	s0 =	sadd.s32 s4, s0  }
0x1ac: {  	[tilespmem:s20], [sflag:$0x2] =	stream.linear.gather [hbm4b:s0+s2], $0x80, $0x38;
	[tilespmem:$0x19000] =	vst v63  }
0x1ad: {  	s21 =	spop (v2sf)  }
0x1ae: {  	s0 =	sand.u32 $0x1FFFFFF0, s21  }
0x1af: {  	s24 =	simm.s32 $0x18E00;
	s25 =	spop (v2sf);
	s0 =	sadd.s32 s4, s0  }
0x1b0: {  	[tilespmem:s24], [sflag:$0x2] =	stream.linear.gather [hbm4b:s0+s2], $0x80, $0x38;
	[tilespmem:$0x19000] =	vst v63  }
0x1b1: {  	s0 =	sand.u32 $0x1FFFFFF0, s25  }
0x1b2: {  	s26 =	simm.s32 $0x18E80;
	s28 =	spop (v2sf);
	s0 =	sadd.s32 s4, s0  }
0x1b3: {  	[tilespmem:s26], [sflag:$0x2] =	stream.linear.gather [hbm4b:s0+s2], $0x80, $0x38;
	[tilespmem:$0x19000] =	vst v63  }
0x1b4: {  	s0 =	sand.u32 $0x1FFFFFF0, s28  }
0x1b5: {  	s29 =	simm.s32 $0x18F00;
	s30 =	spop (v2sf);
	s0 =	sadd.s32 s4, s0  }
0x1b6: {  	[tilespmem:s29], [sflag:$0x2] =	stream.linear.gather [hbm4b:s0+s2], $0x80, $0x38;
	[tilespmem:$0x19000] =	vst v63  }
0x1b7: {  	s0 =	sand.u32 $0x1FFFFFF0, s30  }
0x1b8: {  	s31 =	simm.s32 $0x18F80;
	s0 =	sadd.s32 s4, s0  }
0x1b9: {  	[tilespmem:s31], [sflag:$0x2] =	stream.linear.gather [hbm4b:s0+s2], $0x80, $0x38;
	[tilespmem:$0x19000] =	vst v63  }
0x1ba: {  	_ =	swait.ge [sflag:s10], $0x6400  }
0x1bb: {  	[sflag:s10] =	ssyncset.done $0x0  }
0x1bc: {  	s25 =	simm.s32 $0xC900;
	[sflag:s10] =	ssyncadd.s32 $0xFFFF9C00  }
0x1bd: {  	v4 =	vld [tilespmem:s25+$0x80]  }
0x1be: {  	s15 =	simm.s32 $0x6500;
	v5 =	vld [tilespmem:s25+$0xFFFFFF80]  }
0x1bf: {  	v6 =	vld [tilespmem:s15+$0x80]  }
0x1c0: {  	v7 =	vld [tilespmem:s25+$0xFFFFFF00]  }
0x1c1: {  	v8 =	vld [tilespmem:s25+$0x0]  }
0x1c2: {  	v9 =	vld [tilespmem:s15+$0xFFFFFF00]  }
0x1c3: {  	v10 =	vld [tilespmem:s15+$0xFFFFFF80]  }
0x1c4: {  	v11 =	vld [tilespmem:s15+$0x0]  }
0x1c5: {  	s12 =	simm.s32 $0xCB00;
	v12 =	vld [tilespmem:s25+$0xFFFFFF10]  }
0x1c6: {  	s14 =	simm.s32 $0x6700;
	v14 =	vld [tilespmem:s12+$0xFFFFFF80];
	v4 =	vmul.f32 $8.000000000e+00, v4  }
0x1c7: {  	v15 =	vld [tilespmem:s14+$0x80]  }
0x1c8: {  	v16 =	vld [tilespmem:s12+$0xFFFFFF00];
	v7 =	vmul.f32 $8.000000000e+00, v7;
	v5 =	vmul.f32 $8.000000000e+00, v5;
	v4 =	vadd.f32 v6, v4  }
0x1c9: {  	v6 =	vld [tilespmem:s25+$0x90]  }
0x1ca: {  	v7 =	vadd.f32 v9, v7;
	v5 =	vadd.f32 v10, v5;
	v9 =	vld [tilespmem:s25+$0xFFFFFF90];
	[tilespmem:s25+$0x80] =	vst v4  }
0x1cb: {  	v8 =	vmul.f32 $8.000000000e+00, v8;
	v4 =	vld [tilespmem:s15+$0x90]  }
0x1cc: {  	v10 =	vld [tilespmem:s25+$0x10];
	[tilespmem:s25+$0xFFFFFF80] =	vst v5  }
0x1cd: {  	[tilespmem:s25+$0xFFFFFF00] =	vst v7;
	v5 =	vadd.f32 v11, v8;
	v8 =	vld [tilespmem:s15+$0xFFFFFF90]  }
0x1ce: {  	v7 =	vld [tilespmem:s15+$0xFFFFFF10];
	v6 =	vmul.f32 $8.000000000e+00, v6  }
0x1cf: {  	v17 =	vld [tilespmem:s12+$0x0];
	[tilespmem:s25+$0x0] =	vst v5  }
0x1d0: {  	v9 =	vmul.f32 $8.000000000e+00, v9;
	v4 =	vadd.f32 v4, v6;
	v6 =	vmul.f32 $8.000000000e+00, v12;
	v12 =	vld [tilespmem:s15+$0x10]  }
0x1d1: {  	v18 =	vld [tilespmem:s14+$0xFFFFFF00]  }
0x1d2: {  	v19 =	vld [tilespmem:s14+$0xFFFFFF80];
	v8 =	vadd.f32 v8, v9  }
0x1d3: {  	v9 =	vmul.f32 $8.000000000e+00, v10;
	v6 =	vadd.f32 v7, v6;
	v7 =	vld [tilespmem:s25+$0xFFFFFFA0]  }
0x1d4: {  	v20 =	vld [tilespmem:s14+$0x0];
	[tilespmem:s25+$0xFFFFFF90] =	vst v8  }
0x1d5: {  	v8 =	vadd.f32 v12, v9;
	v9 =	vld [tilespmem:s15+$0xFFFFFFA0]  }
0x1d6: {  	v21 =	vld [tilespmem:s12+$0xFFFFFF10]  }
0x1d7: {  	v54 =	vld [tilespmem:s12+$0xFFFFFF90]  }
0x1d8: {  	v55 =	vld [tilespmem:s12+$0x10];
	v7 =	vmul.f32 $8.000000000e+00, v7  }
0x1d9: {  	v56 =	vld [tilespmem:s12+$0xFFFFFF20];
	v16 =	vmul.f32 $8.000000000e+00, v16  }
0x1da: {  	v57 =	vld [tilespmem:s12+$0xA0];
	v17 =	vmul.f32 $8.000000000e+00, v17;
	v7 =	vadd.f32 v9, v7  }
0x1db: {  	v60 =	vld [tilespmem:s12+$0xFFFFFFA0];
	v16 =	vadd.f32 v18, v16  }
0x1dc: {  	v17 =	vadd.f32 v20, v17;
	[tilespmem:s25+$0xFFFFFFA0] =	vst v7;
	v7 =	vld [tilespmem:s12+$0x80]  }
0x1dd: {  	v11 =	vld [tilespmem:s25+$0xFFFFFF20];
	[tilespmem:s12+$0xFFFFFF00] =	vst v16  }
0x1de: {  	[tilespmem:s12+$0x0] =	vst v17;
	v16 =	vld [tilespmem:s14+$0xFFFFFF10]  }
0x1df: {  	v58 =	vld [tilespmem:s14+$0x10]  }
0x1e0: {  	v5 =	vld [tilespmem:s25+$0xA0]  }
0x1e1: {  	v10 =	vld [tilespmem:s25+$0x20];
	[tilespmem:s25+$0x90] =	vst v4;
	v7 =	vmul.f32 $8.000000000e+00, v7  }
0x1e2: {  	v4 =	vld [tilespmem:s15+$0xA0];
	[tilespmem:s25+$0xFFFFFF10] =	vst v6  }
0x1e3: {  	v6 =	vld [tilespmem:s15+$0xFFFFFF20];
	v7 =	vadd.f32 v15, v7  }
0x1e4: {  	v15 =	vld [tilespmem:s12+$0x90]  }
0x1e5: {  	v5 =	vmul.f32 $8.000000000e+00, v5;
	v12 =	vld [tilespmem:s25+$0xFFFFFF30];
	[tilespmem:s12+$0x80] =	vst v7  }
0x1e6: {  	v7 =	vmul.f32 $8.000000000e+00, v14;
	v14 =	vld [tilespmem:s14+$0x90]  }
0x1e7: {  	[tilespmem:s25+$0x10] =	vst v8;
	v8 =	vld [tilespmem:s25+$0xB0];
	v4 =	vadd.f32 v4, v5;
	v5 =	vmul.f32 $8.000000000e+00, v11  }
0x1e8: {  	v11 =	vld [tilespmem:s15+$0x20];
	v7 =	vadd.f32 v19, v7  }
0x1e9: {  	v5 =	vadd.f32 v6, v5;
	v6 =	vld [tilespmem:s25+$0xFFFFFFB0];
	v15 =	vmul.f32 $8.000000000e+00, v15  }
0x1ea: {  	v9 =	vld [tilespmem:s25+$0x30];
	[tilespmem:s12+$0xFFFFFF80] =	vst v7  }
0x1eb: {  	[tilespmem:s25+$0xA0] =	vst v4;
	v7 =	vld [tilespmem:s14+$0xFFFFFF90];
	v14 =	vadd.f32 v14, v15  }
0x1ec: {  	v4 =	vld [tilespmem:s15+$0xB0];
	[tilespmem:s25+$0xFFFFFF20] =	vst v5  }
0x1ed: {  	v5 =	vld [tilespmem:s15+$0xFFFFFF30];
	v15 =	vmul.f32 $8.000000000e+00, v21;
	[tilespmem:s12+$0x90] =	vst v14  }
0x1ee: {  	v14 =	vmul.f32 $8.000000000e+00, v54;
	v59 =	vld [tilespmem:s14+$0xA0]  }
0x1ef: {  	v13 =	vld [tilespmem:s15+$0xFFFFFFB0];
	v15 =	vadd.f32 v16, v15  }
0x1f0: {  	v19 =	vmul.f32 $8.000000000e+00, v55;
	v7 =	vadd.f32 v7, v14;
	v14 =	vld [tilespmem:s12+$0x20]  }
0x1f1: {  	v17 =	vmul.f32 $8.000000000e+00, v57;
	[tilespmem:s12+$0xFFFFFF10] =	vst v15;
	v15 =	vld [tilespmem:s12+$0xFFFFFF30]  }
0x1f2: {  	v8 =	vmul.f32 $8.000000000e+00, v8;
	v61 =	vld [tilespmem:s14+$0xFFFFFF20];
	[tilespmem:s12+$0xFFFFFF90] =	vst v7;
	v7 =	vmul.f32 $8.000000000e+00, v10;
	v10 =	vadd.f32 v58, v19  }
0x1f3: {  	v62 =	vld [tilespmem:s14+$0xFFFFFFA0];
	v17 =	vadd.f32 v59, v17  }
0x1f4: {  	v4 =	vadd.f32 v4, v8;
	v7 =	vadd.f32 v11, v7;
	v11 =	vmul.f32 $8.000000000e+00, v12;
	[tilespmem:s12+$0x10] =	vst v10;
	v10 =	vld [tilespmem:s12+$0xB0]  }
0x1f5: {  	v8 =	vmul.f32 $8.000000000e+00, v56;
	v12 =	vld [tilespmem:s14+$0x20];
	[tilespmem:s12+$0xA0] =	vst v17  }
0x1f6: {  	[tilespmem:s25+$0xB0] =	vst v4;
	v4 =	vmul.f32 $8.000000000e+00, v6;
	v5 =	vadd.f32 v5, v11;
	v11 =	vmul.f32 $8.000000000e+00, v60;
	v63 =	vld [tilespmem:s14+$0xB0]  }
0x1f7: {  	[tilespmem:s25+$0x20] =	vst v7;
	v8 =	vadd.f32 v61, v8;
	v7 =	vld [tilespmem:s12+$0xFFFFFFB0]  }
0x1f8: {  	v6 =	vld [tilespmem:s12+$0x30];
	[tilespmem:s25+$0xFFFFFF30] =	vst v5;
	v5 =	vadd.f32 v62, v11;
	v11 =	vadd.f32 v13, v4;
	v13 =	vmul.f32 $8.000000000e+00, v14  }
0x1f9: {  	[tilespmem:s12+$0xFFFFFF20] =	vst v8;
	v8 =	vld [tilespmem:s15+$0x30];
	v14 =	vmul.f32 $8.000000000e+00, v10  }
0x1fa: {  	v4 =	vmul.f32 $8.000000000e+00, v9;
	v9 =	vld [tilespmem:s14+$0xFFFFFF30];
	[tilespmem:s12+$0xFFFFFFA0] =	vst v5;
	v12 =	vadd.f32 v12, v13  }
0x1fb: {  	s17 =	simm.s32 $0xCD00;
	s16 =	simm.s32 $0x6700;
	s15 =	simm.s32 $0x4;
	[tilespmem:s25+$0xFFFFFFB0] =	vst v11;
	v5 =	vmul.f32 $8.000000000e+00, v15;
	v10 =	vld [tilespmem:s14+$0xFFFFFFB0];
	v11 =	vadd.f32 v63, v14  }
.LBB2_8:
0x1fc: {  	v13 =	vld [tilespmem:s17+$0x80];
	s15 =	sadd.s32 $0x4, s15;
	v7 =	vmul.f32 $8.000000000e+00, v7;
	[tilespmem:s12+$0x20] =	vst v12  }
0x1fd: {  	s14 =	sadd.s32 $0x200, s14;
	v12 =	vld [tilespmem:s17+$0xFFFFFF80];
	p0 =	slt.u32 s15, $0xC4;
	v6 =	vmul.f32 $8.000000000e+00, v6;
	[tilespmem:s12+$0xB0] =	vst v11  }
0x1fe: {  	v11 =	vld [tilespmem:s14+$0x80];
	v8 =	vadd.f32 v8, v4  }
0x1ff: {  	v14 =	vld [tilespmem:s17+$0x0];
	v5 =	vadd.f32 v9, v5;
	v4 =	vmov v6  }
0x200: {  	v6 =	vld [tilespmem:s17+$0xFFFFFF00];
	v7 =	vadd.f32 v10, v7;
	[tilespmem:s25+$0x30] =	vst v8;
	s25 =	smov.u32 s12;
	s12 =	smov.u32 s17  }
0x201: {  	v8 =	vld [tilespmem:s14+$0xFFFFFF00];
	v9 =	vmul.f32 $8.000000000e+00, v13;
	[tilespmem:s25+$0xFFFFFF30] =	vst v5  }
0x202: {  	v5 =	vmul.f32 $8.000000000e+00, v12;
	v10 =	vld [tilespmem:s14+$0xFFFFFF80];
	[tilespmem:s25+$0xFFFFFFB0] =	vst v7  }
0x203: {  	v7 =	vld [tilespmem:s14+$0x0];
	v9 =	vadd.f32 v11, v9  }
0x204: {  	v11 =	vmul.f32 $8.000000000e+00, v14;
	v12 =	vld [tilespmem:s17+$0x90]  }
0x205: {  	v6 =	vmul.f32 $8.000000000e+00, v6;
	v13 =	vld [tilespmem:s17+$0xFFFFFF10];
	[tilespmem:s17+$0x80] =	vst v9  }
0x206: {  	v9 =	vld [tilespmem:s14+$0x90]  }
0x207: {  	v6 =	vadd.f32 v8, v6;
	v5 =	vadd.f32 v10, v5;
	v8 =	vld [tilespmem:s17+$0xFFFFFF90]  }
0x208: {  	v7 =	vadd.f32 v7, v11;
	v10 =	vld [tilespmem:s17+$0x10]  }
0x209: {  	[tilespmem:s17+$0xFFFFFF00] =	vst v6;
	v6 =	vld [tilespmem:s17+$0xFFFFFF20];
	v11 =	vmul.f32 $8.000000000e+00, v12  }
0x20a: {  	v12 =	vmul.f32 $8.000000000e+00, v13;
	v13 =	vld [tilespmem:s14+$0xFFFFFF10];
	[tilespmem:s17+$0xFFFFFF80] =	vst v5  }
0x20b: {  	v5 =	vld [tilespmem:s14+$0xFFFFFF90];
	[tilespmem:s17+$0x0] =	vst v7;
	v7 =	vadd.f32 v9, v11  }
0x20c: {  	v8 =	vmul.f32 $8.000000000e+00, v8;
	v9 =	vld [tilespmem:s17+$0xA0]  }
0x20d: {  	v10 =	vmul.f32 $8.000000000e+00, v10;
	v11 =	vld [tilespmem:s14+$0x10];
	[tilespmem:s17+$0x90] =	vst v7  }
0x20e: {  	v6 =	vmul.f32 $8.000000000e+00, v6;
	v7 =	vld [tilespmem:s14+$0xA0]  }
0x20f: {  	v12 =	vadd.f32 v13, v12;
	v13 =	vld [tilespmem:s17+$0xFFFFFFA0]  }
0x210: {  	v5 =	vadd.f32 v5, v8;
	v8 =	vld [tilespmem:s17+$0x20]  }
0x211: {  	[tilespmem:s17+$0xFFFFFF10] =	vst v12;
	v12 =	vld [tilespmem:s17+$0xFFFFFF30];
	v9 =	vmul.f32 $8.000000000e+00, v9  }
0x212: {  	v14 =	vld [tilespmem:s14+$0xFFFFFF20];
	[tilespmem:s17+$0xFFFFFF90] =	vst v5;
	v5 =	vadd.f32 v11, v10  }
0x213: {  	v10 =	vld [tilespmem:s14+$0xFFFFFFA0];
	v7 =	vadd.f32 v7, v9  }
0x214: {  	v9 =	vmul.f32 $8.000000000e+00, v13;
	[tilespmem:s17+$0x10] =	vst v5;
	v11 =	vld [tilespmem:s17+$0xB0]  }
0x215: {  	v13 =	vmul.f32 $8.000000000e+00, v8;
	v15 =	vld [tilespmem:s14+$0x20];
	[tilespmem:s17+$0xA0] =	vst v7  }
0x216: {  	v5 =	vmul.f32 $8.000000000e+00, v12;
	v16 =	vld [tilespmem:s14+$0xB0]  }
.Ltmp7:
0x217: {  	v8 =	vadd.f32 v14, v6;
	v7 =	vld [tilespmem:s17+$0xFFFFFFB0];
	(pc) =	sbr.rel @p0 .LBB2_8-.Ltmp7, $4  }
0x218: {  	v10 =	vadd.f32 v10, v9;
	v6 =	vld [tilespmem:s17+$0x30]  }
0x219: {  	[tilespmem:s17+$0xFFFFFF20] =	vst v8;
	v11 =	vmul.f32 $8.000000000e+00, v11;
	v8 =	vld [tilespmem:s16+$0x30];
	s16 =	smov.u32 s14  }
0x21a: {  	v9 =	vld [tilespmem:s14+$0xFFFFFF30];
	[tilespmem:s17+$0xFFFFFFA0] =	vst v10;
	v12 =	vadd.f32 v15, v13  }
0x21b: {  	s17 =	sadd.s32 $0x200, s17;
	v10 =	vld [tilespmem:s14+$0xFFFFFFB0];
	v11 =	vadd.f32 v16, v11  }
0x21c: {  	[tilespmem:s12+$0x20] =	vst v12  }
0x21d: {  	v12 =	vld [tilespmem:s16+$0x30];
	_ =	sdelay $0x1  }
0x21e: {  	v7 =	vmul.f32 $8.000000000e+00, v7;
	v4 =	vadd.f32 v8, v4  }
0x21f: {  	p0 =	seq.s32 s9, $0x0;
	v6 =	vmul.f32 $8.000000000e+00, v6;
	[tilespmem:s12+$0xB0] =	vst v11;
	v5 =	vadd.f32 v9, v5  }
.Ltmp8:
0x220: {  	s0 =	sadd.s32 s6, s7;
	v7 =	vadd.f32 v10, v7;
	[tilespmem:s25+$0x30] =	vst v4;
	(pc) =	sbr.rel @p0 .LBB2_17-.Ltmp8, $4  }
0x221: {  	s0 =	smul.u32 $0xC80, s0;
	[tilespmem:s12+$0xFFFFFF30] =	vst v5;
	v4 =	vadd.f32 v12, v6  }
0x222: {  	[tilespmem:s12+$0xFFFFFFB0] =	vst v7  }
0x223: {  	s1 =	simm.s32 $0xC800;
	s0 =	sadd.s32 s5, s0;
	[tilespmem:s12+$0x30] =	vst v4  }
0x224: {  	[hbm4b:s0+s2] =	stream.linear.scatter [tilespmem:s1], [sflag:$0x3], $0x6400, $0x38;
	[tilespmem:$0x19000] =	vst v63  }
.LBB2_10:
0x225: {  	p0 =	seq.s32 s7, $0x1F  }
.Ltmp9:
0x226: {  	_ = 	snop;
	(pc) =	sbr.rel @p0 .LBB2_14-.Ltmp9, $4  }
0x227: {  	_ = 	snop  }
0x228: {  	_ =	swait.ge [sflag:s22], $0x6400  }
0x229: {  	[sflag:s22] =	ssyncset.done $0x0  }
0x22a: {  	[sflag:s22] =	ssyncadd.s32 $0xFFFF9C00  }
0x22b: {  	s12 =	simm.s32 $0x0  }
0x22c: {  	s0 =	sadd.s32 s7, s8;
	v4 =	vmov s12  }
0x22d: {  	v5 =	vmov s0;
	v6 =	vshll.u32 v4, $0x7  }
0x22e: {  	v4 =	vand.u32 $0xFF, v5;
	v5 =	vor.u32 v0, v6  }
0x22f: {  	v5 =	vadd.s32 v4, v5;
	_ =	sdelay $0x4  }
0x230: {  	v5 =	vld.idx.msk [tilespmem:v5+s2+$0x0], $0xffff;
	_ =	sdelay $0x4  }
0x231: {  	v6 =	vshll.u32 v5, $0x4  }
0x232: {  	(v2sf) =	vpush v6, $0x0  }
0x233: {  	(v2sf) =	vpush v6, $0x2  }
0x234: {  	s14 =	simm.s32 $0x10;
	(v2sf) =	vpush v6, $0x1  }
0x235: {  	v5 =	vmov s14  }
0x236: {  	v5 =	vshll.u32 v5, $0x7;
	(v2sf) =	vpush v6, $0x3  }
0x237: {  	v5 =	vor.u32 v0, v5;
	(v2sf) =	vpush v6, $0x4  }
0x238: {  	s9 =	simm.s32 $0x2000;
	s15 =	simm.s32 $0x4000;
	v5 =	vadd.s32 v4, v5  }
.LBB2_12:
0x239: {  	_ =	sdelay $0x1  }
0x23a: {  	p0 =	sne.s32 s15, $0x16000;
	(v2sf) =	vpush v6, $0x5;
	s0 =	smov.u32 s15;
	s15 =	sadd.s32 $0x2000, s15  }
0x23b: {  	s16 =	sshra.s32 s12, $0x2;
	s12 =	smov.u32 s9;
	s9 =	smov.u32 s0  }
0x23c: {  	s0 =	sadd.s32 $0xC880, s16;
	(v2sf) =	vpush v6, $0x6  }
0x23d: {  	s1 =	sadd.s32 $0xC800, s16  }
0x23e: {  	s19 =	sadd.s32 $0xCD80, s16;
	s18 =	sadd.s32 $0xCE00, s16;
	s17 =	sadd.s32 $0xCE80, s16;
	(v2sf) =	vpush v6, $0x7  }
0x23f: {  	s13 =	sadd.s32 $0xCC00, s16;
	s21 =	sadd.s32 $0xCC80, s16;
	s20 =	sadd.s32 $0xCD00, s16  }
0x240: {  	s3 =	sadd.s32 $0xCB00, s16;
	s25 =	sadd.s32 $0xCB80, s16;
	s11 =	spop (v2sf);
	(v2sf) =	vpush v6, $0x8  }
0x241: {  	s24 =	sadd.s32 $0xC900, s16;
	s11 =	sand.u32 $0x1FFFFFF0, s11;
	s26 =	spop (v2sf)  }
0x242: {  	s28 =	sadd.s32 $0xCA80, s16;
	s11 =	sadd.s32 s4, s11;
	s29 =	spop (v2sf);
	(v2sf) =	vpush v6, $0x9  }
0x243: {  	[tilespmem:s1], [sflag:$0x1] =	stream.linear.gather [hbm4b:s11+s2], $0x80, $0x38;
	[tilespmem:$0x19000] =	vst v63  }
0x244: {  	s1 =	sand.u32 $0x1FFFFFF0, s29;
	s11 =	sand.u32 $0x1FFFFFF0, s26;
	s26 =	spop (v2sf);
	(v2sf) =	vpush v6, $0xA  }
0x245: {  	s29 =	sadd.s32 $0xCA00, s16;
	s1 =	sadd.s32 s4, s1;
	s30 =	spop (v2sf)  }
0x246: {  	[tilespmem:s0], [sflag:$0x1] =	stream.linear.gather [hbm4b:s1+s2], $0x80, $0x38;
	(v2sf) =	vpush v6, $0xB;
	[tilespmem:$0x19000] =	vst v63  }
0x247: {  	s0 =	sadd.s32 s4, s11;
	s1 =	sand.u32 $0x1FFFFFF0, s26;
	s11 =	sand.u32 $0x1FFFFFF0, s30  }
0x248: {  	[tilespmem:s24], [sflag:$0x1] =	stream.linear.gather [hbm4b:s0+s2], $0x80, $0x38;
	(v2sf) =	vpush v6, $0xC;
	[tilespmem:$0x19000] =	vst v63  }
0x249: {  	s1 =	sadd.s32 s4, s1;
	s0 =	sadd.s32 $0xC980, s16;
	s24 =	spop (v2sf)  }
0x24a: {  	[tilespmem:s0], [sflag:$0x1] =	stream.linear.gather [hbm4b:s1+s2], $0x80, $0x38;
	(v2sf) =	vpush v6, $0xD;
	[tilespmem:$0x19000] =	vst v63  }
0x24b: {  	s0 =	sadd.s32 s4, s11;
	s1 =	sand.u32 $0x1FFFFFF0, s24;
	s11 =	spop (v2sf)  }
0x24c: {  	[tilespmem:s29], [sflag:$0x1] =	stream.linear.gather [hbm4b:s0+s2], $0x80, $0x38;
	(v2sf) =	vpush v6, $0xE;
	[tilespmem:$0x19000] =	vst v63  }
0x24d: {  	s0 =	sadd.s32 s4, s1;
	s1 =	sand.u32 $0x1FFFFFF0, s11;
	s11 =	spop (v2sf)  }
0x24e: {  	[tilespmem:s28], [sflag:$0x1] =	stream.linear.gather [hbm4b:s0+s2], $0x80, $0x38;
	(v2sf) =	vpush v6, $0xF;
	[tilespmem:$0x19000] =	vst v63  }
0x24f: {  	s0 =	sadd.s32 s4, s1;
	s1 =	sand.u32 $0x1FFFFFF0, s11;
	s11 =	spop (v2sf)  }
0x250: {  	[tilespmem:s3], [sflag:$0x1] =	stream.linear.gather [hbm4b:s0+s2], $0x80, $0x38;
	[tilespmem:$0x19000] =	vst v63  }
0x251: {  	s0 =	sadd.s32 s4, s1;
	s1 =	sand.u32 $0x1FFFFFF0, s11;
	s3 =	spop (v2sf)  }
0x252: {  	[tilespmem:s25], [sflag:$0x1] =	stream.linear.gather [hbm4b:s0+s2], $0x80, $0x38;
	[tilespmem:$0x19000] =	vst v63  }
0x253: {  	s0 =	sadd.s32 s4, s1;
	s1 =	sand.u32 $0x1FFFFFF0, s3;
	s3 =	spop (v2sf)  }
0x254: {  	[tilespmem:s13], [sflag:$0x1] =	stream.linear.gather [hbm4b:s0+s2], $0x80, $0x38;
	[tilespmem:$0x19000] =	vst v63  }
0x255: {  	s0 =	sadd.s32 s4, s1;
	s1 =	sand.u32 $0x1FFFFFF0, s3;
	s3 =	spop (v2sf)  }
0x256: {  	[tilespmem:s21], [sflag:$0x1] =	stream.linear.gather [hbm4b:s0+s2], $0x80, $0x38;
	[tilespmem:$0x19000] =	vst v63  }
0x257: {  	s0 =	sadd.s32 s4, s1;
	s1 =	sand.u32 $0x1FFFFFF0, s3;
	s3 =	spop (v2sf)  }
0x258: {  	[tilespmem:s20], [sflag:$0x1] =	stream.linear.gather [hbm4b:s0+s2], $0x80, $0x38;
	[tilespmem:$0x19000] =	vst v63  }
0x259: {  	s0 =	sadd.s32 s4, s1;
	s1 =	sand.u32 $0x1FFFFFF0, s3;
	s3 =	spop (v2sf)  }
0x25a: {  	[tilespmem:s19], [sflag:$0x1] =	stream.linear.gather [hbm4b:s0+s2], $0x80, $0x38;
	[tilespmem:$0x19000] =	vst v63  }
0x25b: {  	s0 =	sadd.s32 s4, s1;
	s1 =	sand.u32 $0x1FFFFFF0, s3;
	s3 =	spop (v2sf)  }
0x25c: {  	[tilespmem:s18], [sflag:$0x1] =	stream.linear.gather [hbm4b:s0+s2], $0x80, $0x38;
	[tilespmem:$0x19000] =	vst v63  }
0x25d: {  	s0 =	sadd.s32 s4, s1;
	s1 =	sand.u32 $0x1FFFFFF0, s3;
	s3 =	spop (v2sf)  }
0x25e: {  	[tilespmem:s17], [sflag:$0x1] =	stream.linear.gather [hbm4b:s0+s2], $0x80, $0x38;
	[tilespmem:$0x19000] =	vst v63  }
0x25f: {  	s1 =	sadd.s32 s4, s1;
	s0 =	sadd.s32 $0xCF00, s16;
	s3 =	sand.u32 $0x1FFFFFF0, s3  }
0x260: {  	[tilespmem:s0], [sflag:$0x1] =	stream.linear.gather [hbm4b:s1+s2], $0x80, $0x38;
	[tilespmem:$0x19000] =	vst v63  }
0x261: {  	s0 =	sadd.s32 $0xCF80, s16;
	s1 =	sadd.s32 s4, s3  }
0x262: {  	[tilespmem:s0], [sflag:$0x1] =	stream.linear.gather [hbm4b:s1+s2], $0x80, $0x38;
	[tilespmem:$0x19000] =	vst v63  }
0x263: {  	v5 =	vld.idx.msk [tilespmem:v5+s2+$0x0], $0xffff;
	_ =	sdelay $0x5  }
0x264: {  	v6 =	vshll.u32 v5, $0x4  }
0x265: {  	(v2sf) =	vpush v6, $0x0  }
0x266: {  	(v2sf) =	vpush v6, $0x2  }
.Ltmp10:
0x267: {  	s14 =	sadd.s32 $0x10, s14;
	(v2sf) =	vpush v6, $0x1;
	(pc) =	sbr.rel @p0 .LBB2_12-.Ltmp10, $4  }
0x268: {  	v5 =	vmov s14  }
0x269: {  	v5 =	vshll.u32 v5, $0x7;
	(v2sf) =	vpush v6, $0x3  }
0x26a: {  	v5 =	vor.u32 v0, v5;
	(v2sf) =	vpush v6, $0x4  }
0x26b: {  	v5 =	vadd.s32 v4, v5  }
0x26c: {  	_ =	sdelay $0x7  }
0x26d: {  	s0 =	spop (v2sf)  }
0x26e: {  	s3 =	spop (v2sf);
	(v2sf) =	vpush v6, $0x5;
	_ =	sdelay $0x1  }
0x26f: {  	s30 =	spop (v2sf);
	(v2sf) =	vpush v6, $0x6  }
0x270: {  	s12 =	sshra.s32 s12, $0x2;
	s0 =	sand.u32 $0x1FFFFFF0, s0  }
0x271: {  	s1 =	sadd.s32 $0xC800, s12;
	s0 =	sadd.s32 s4, s0;
	(v2sf) =	vpush v6, $0x7  }
0x272: {  	[tilespmem:s1], [sflag:$0x1] =	stream.linear.gather [hbm4b:s0+s2], $0x80, $0x38;
	[tilespmem:$0x19000] =	vst v63  }
0x273: {  	s0 =	sand.u32 $0x1FFFFFF0, s30  }
0x274: {  	s31 =	sadd.s32 $0xC880, s12;
	s0 =	sadd.s32 s4, s0;
	s13 =	spop (v2sf)  }
0x275: {  	[tilespmem:s31], [sflag:$0x1] =	stream.linear.gather [hbm4b:s0+s2], $0x80, $0x38;
	[tilespmem:$0x19000] =	vst v63  }
0x276: {  	s3 =	sand.u32 $0x1FFFFFF0, s3;
	s15 =	spop (v2sf);
	(v2sf) =	vpush v6, $0x8  }
0x277: {  	s11 =	sadd.s32 $0xC900, s12;
	s0 =	sadd.s32 s4, s3  }
0x278: {  	[tilespmem:s11], [sflag:$0x1] =	stream.linear.gather [hbm4b:s0+s2], $0x80, $0x38;
	[tilespmem:$0x19000] =	vst v63  }
0x279: {  	s0 =	sand.u32 $0x1FFFFFF0, s13  }
0x27a: {  	s14 =	sadd.s32 $0xC980, s12;
	s0 =	sadd.s32 s4, s0  }
0x27b: {  	[tilespmem:s14], [sflag:$0x1] =	stream.linear.gather [hbm4b:s0+s2], $0x80, $0x38;
	[tilespmem:$0x19000] =	vst v63  }
0x27c: {  	s17 =	spop (v2sf);
	(v2sf) =	vpush v6, $0x9  }
0x27d: {  	s0 =	sand.u32 $0x1FFFFFF0, s15  }
0x27e: {  	s16 =	sadd.s32 $0xCA00, s12;
	s0 =	sadd.s32 s4, s0;
	s19 =	spop (v2sf);
	(v2sf) =	vpush v6, $0xA  }
0x27f: {  	[tilespmem:s16], [sflag:$0x1] =	stream.linear.gather [hbm4b:s0+s2], $0x80, $0x38;
	[tilespmem:$0x19000] =	vst v63  }
0x280: {  	s21 =	spop (v2sf);
	(v2sf) =	vpush v6, $0xB  }
0x281: {  	s0 =	sand.u32 $0x1FFFFFF0, s17  }
0x282: {  	s18 =	sadd.s32 $0xCA80, s12;
	s0 =	sadd.s32 s4, s0  }
0x283: {  	[tilespmem:s18], [sflag:$0x1] =	stream.linear.gather [hbm4b:s0+s2], $0x80, $0x38;
	[tilespmem:$0x19000] =	vst v63  }
0x284: {  	s0 =	sand.u32 $0x1FFFFFF0, s19  }
0x285: {  	s20 =	sadd.s32 $0xCB00, s12;
	s0 =	sadd.s32 s4, s0;
	s25 =	spop (v2sf)  }
0x286: {  	(v2sf) =	vpush v6, $0xC;
	[tilespmem:s20], [sflag:$0x1] =	stream.linear.gather [hbm4b:s0+s2], $0x80, $0x38;
	[tilespmem:$0x19000] =	vst v63  }
0x287: {  	s0 =	sand.u32 $0x1FFFFFF0, s21  }
0x288: {  	s24 =	sadd.s32 $0xCB80, s12;
	s0 =	sadd.s32 s4, s0  }
0x289: {  	[tilespmem:s24], [sflag:$0x1] =	stream.linear.gather [hbm4b:s0+s2], $0x80, $0x38;
	[tilespmem:$0x19000] =	vst v63  }
0x28a: {  	s0 =	sand.u32 $0x1FFFFFF0, s25  }
0x28b: {  	s26 =	sadd.s32 $0xCC00, s12;
	s0 =	sadd.s32 s4, s0;
	s28 =	spop (v2sf);
	(v2sf) =	vpush v6, $0xD  }
0x28c: {  	[tilespmem:s26], [sflag:$0x1] =	stream.linear.gather [hbm4b:s0+s2], $0x80, $0x38;
	[tilespmem:$0x19000] =	vst v63  }
0x28d: {  	s30 =	spop (v2sf);
	(v2sf) =	vpush v6, $0xE  }
0x28e: {  	s0 =	sand.u32 $0x1FFFFFF0, s28  }
0x28f: {  	s29 =	sadd.s32 $0xCC80, s12;
	s0 =	sadd.s32 s4, s0;
	s1 =	spop (v2sf)  }
0x290: {  	(v2sf) =	vpush v6, $0xF;
	[tilespmem:s29], [sflag:$0x1] =	stream.linear.gather [hbm4b:s0+s2], $0x80, $0x38;
	[tilespmem:$0x19000] =	vst v63  }
0x291: {  	s0 =	sand.u32 $0x1FFFFFF0, s30  }
0x292: {  	s31 =	sadd.s32 $0xCD00, s12;
	s0 =	sadd.s32 s4, s0  }
0x293: {  	[tilespmem:s31], [sflag:$0x1] =	stream.linear.gather [hbm4b:s0+s2], $0x80, $0x38;
	[tilespmem:$0x19000] =	vst v63  }
0x294: {  	s0 =	sand.u32 $0x1FFFFFF0, s1  }
0x295: {  	s3 =	sadd.s32 $0xCD80, s12;
	s11 =	spop (v2sf);
	s0 =	sadd.s32 s4, s0  }
0x296: {  	[tilespmem:s3], [sflag:$0x1] =	stream.linear.gather [hbm4b:s0+s2], $0x80, $0x38;
	[tilespmem:$0x19000] =	vst v63  }
0x297: {  	s0 =	sand.u32 $0x1FFFFFF0, s11  }
0x298: {  	s13 =	sadd.s32 $0xCE00, s12;
	s0 =	sadd.s32 s4, s0  }
0x299: {  	[tilespmem:s13], [sflag:$0x1] =	stream.linear.gather [hbm4b:s0+s2], $0x80, $0x38;
	[tilespmem:$0x19000] =	vst v63  }
0x29a: {  	s14 =	spop (v2sf)  }
0x29b: {  	s0 =	sand.u32 $0x1FFFFFF0, s14  }
0x29c: {  	s15 =	sadd.s32 $0xCE80, s12;
	s16 =	spop (v2sf);
	s0 =	sadd.s32 s4, s0  }
0x29d: {  	[tilespmem:s15], [sflag:$0x1] =	stream.linear.gather [hbm4b:s0+s2], $0x80, $0x38;
	[tilespmem:$0x19000] =	vst v63  }
0x29e: {  	s0 =	sand.u32 $0x1FFFFFF0, s16  }
0x29f: {  	s17 =	sadd.s32 $0xCF00, s12;
	s18 =	spop (v2sf);
	s0 =	sadd.s32 s4, s0  }
0x2a0: {  	[tilespmem:s17], [sflag:$0x1] =	stream.linear.gather [hbm4b:s0+s2], $0x80, $0x38;
	[tilespmem:$0x19000] =	vst v63  }
0x2a1: {  	s0 =	sand.u32 $0x1FFFFFF0, s18  }
0x2a2: {  	s19 =	sadd.s32 $0xCF80, s12;
	s0 =	sadd.s32 s4, s0  }
0x2a3: {  	[tilespmem:s19], [sflag:$0x1] =	stream.linear.gather [hbm4b:s0+s2], $0x80, $0x38;
	[tilespmem:$0x19000] =	vst v63  }
0x2a4: {  	v5 =	vld.idx.msk [tilespmem:v5+s2+$0x0], $0xffff;
	_ =	sdelay $0x4  }
0x2a5: {  	v5 =	vshll.u32 v5, $0x4  }
0x2a6: {  	(v2sf) =	vpush v5, $0x0;
	_ =	sdelay $0x1  }
0x2a7: {  	(v2sf) =	vpush v5, $0x2;
	_ =	sdelay $0x1  }
0x2a8: {  	(v2sf) =	vpush v5, $0x1;
	_ =	sdelay $0x3  }
0x2a9: {  	(v2sf) =	vpush v5, $0x3;
	_ =	sdelay $0x4  }
0x2aa: {  	(v2sf) =	vpush v5, $0x4;
	_ =	sdelay $0x1  }
0x2ab: {  	s20 =	spop (v2sf);
	(v2sf) =	vpush v5, $0x5;
	_ =	sdelay $0x1  }
0x2ac: {  	s24 =	spop (v2sf);
	(v2sf) =	vpush v5, $0x6;
	_ =	sdelay $0x1  }
0x2ad: {  	s9 =	sshra.s32 s9, $0x2;
	s0 =	sand.u32 $0x1FFFFFF0, s20;
	s25 =	spop (v2sf);
	(v2sf) =	vpush v5, $0x7  }
0x2ae: {  	s21 =	sadd.s32 $0xC800, s9;
	s0 =	sadd.s32 s4, s0  }
0x2af: {  	[tilespmem:s21], [sflag:$0x1] =	stream.linear.gather [hbm4b:s0+s2], $0x80, $0x38;
	[tilespmem:$0x19000] =	vst v63  }
0x2b0: {  	s26 =	sadd.s32 $0xC880, s9;
	s0 =	sand.u32 $0x1FFFFFF0, s25  }
0x2b1: {  	s28 =	sand.u32 $0x1FFFFFF0, s24;
	s30 =	spop (v2sf);
	s0 =	sadd.s32 s4, s0  }
0x2b2: {  	(v2sf) =	vpush v5, $0x8;
	[tilespmem:s26], [sflag:$0x1] =	stream.linear.gather [hbm4b:s0+s2], $0x80, $0x38;
	[tilespmem:$0x19000] =	vst v63  }
0x2b3: {  	s29 =	sadd.s32 $0xC900, s9;
	s0 =	sadd.s32 s4, s28  }
0x2b4: {  	[tilespmem:s29], [sflag:$0x1] =	stream.linear.gather [hbm4b:s0+s2], $0x80, $0x38;
	[tilespmem:$0x19000] =	vst v63  }
0x2b5: {  	s0 =	sand.u32 $0x1FFFFFF0, s30  }
0x2b6: {  	s31 =	sadd.s32 $0xC980, s9;
	s1 =	spop (v2sf);
	s0 =	sadd.s32 s4, s0  }
0x2b7: {  	[tilespmem:s31], [sflag:$0x1] =	stream.linear.gather [hbm4b:s0+s2], $0x80, $0x38;
	[tilespmem:$0x19000] =	vst v63  }
0x2b8: {  	s11 =	spop (v2sf);
	(v2sf) =	vpush v5, $0x9  }
0x2b9: {  	s0 =	sand.u32 $0x1FFFFFF0, s1  }
0x2ba: {  	s3 =	sadd.s32 $0xCA00, s9;
	s0 =	sadd.s32 s4, s0;
	s13 =	spop (v2sf);
	(v2sf) =	vpush v5, $0xA  }
0x2bb: {  	[tilespmem:s3], [sflag:$0x1] =	stream.linear.gather [hbm4b:s0+s2], $0x80, $0x38;
	[tilespmem:$0x19000] =	vst v63  }
0x2bc: {  	s15 =	spop (v2sf);
	(v2sf) =	vpush v5, $0xB  }
0x2bd: {  	s0 =	sand.u32 $0x1FFFFFF0, s11  }
0x2be: {  	s12 =	sadd.s32 $0xCA80, s9;
	s0 =	sadd.s32 s4, s0  }
0x2bf: {  	[tilespmem:s12], [sflag:$0x1] =	stream.linear.gather [hbm4b:s0+s2], $0x80, $0x38;
	[tilespmem:$0x19000] =	vst v63  }
0x2c0: {  	s0 =	sand.u32 $0x1FFFFFF0, s13  }
0x2c1: {  	s14 =	sadd.s32 $0xCB00, s9;
	s17 =	spop (v2sf);
	s0 =	sadd.s32 s4, s0  }
0x2c2: {  	(v2sf) =	vpush v5, $0xC;
	[tilespmem:s14], [sflag:$0x1] =	stream.linear.gather [hbm4b:s0+s2], $0x80, $0x38;
	[tilespmem:$0x19000] =	vst v63  }
0x2c3: {  	s0 =	sand.u32 $0x1FFFFFF0, s15  }
0x2c4: {  	s16 =	sadd.s32 $0xCB80, s9;
	s0 =	sadd.s32 s4, s0  }
0x2c5: {  	[tilespmem:s16], [sflag:$0x1] =	stream.linear.gather [hbm4b:s0+s2], $0x80, $0x38;
	[tilespmem:$0x19000] =	vst v63  }
0x2c6: {  	s0 =	sand.u32 $0x1FFFFFF0, s17  }
0x2c7: {  	s18 =	sadd.s32 $0xCC00, s9;
	s0 =	sadd.s32 s4, s0;
	s19 =	spop (v2sf);
	(v2sf) =	vpush v5, $0xD  }
0x2c8: {  	[tilespmem:s18], [sflag:$0x1] =	stream.linear.gather [hbm4b:s0+s2], $0x80, $0x38;
	[tilespmem:$0x19000] =	vst v63  }
0x2c9: {  	s21 =	spop (v2sf);
	(v2sf) =	vpush v5, $0xE  }
0x2ca: {  	s0 =	sand.u32 $0x1FFFFFF0, s19  }
0x2cb: {  	s20 =	sadd.s32 $0xCC80, s9;
	s0 =	sadd.s32 s4, s0;
	s25 =	spop (v2sf)  }
0x2cc: {  	(v2sf) =	vpush v5, $0xF;
	[tilespmem:s20], [sflag:$0x1] =	stream.linear.gather [hbm4b:s0+s2], $0x80, $0x38;
	[tilespmem:$0x19000] =	vst v63  }
0x2cd: {  	s0 =	sand.u32 $0x1FFFFFF0, s21  }
0x2ce: {  	s24 =	sadd.s32 $0xCD00, s9;
	s0 =	sadd.s32 s4, s0  }
0x2cf: {  	[tilespmem:s24], [sflag:$0x1] =	stream.linear.gather [hbm4b:s0+s2], $0x80, $0x38;
	[tilespmem:$0x19000] =	vst v63  }
0x2d0: {  	s0 =	sand.u32 $0x1FFFFFF0, s25  }
0x2d1: {  	s26 =	sadd.s32 $0xCD80, s9;
	s28 =	spop (v2sf);
	s0 =	sadd.s32 s4, s0  }
0x2d2: {  	[tilespmem:s26], [sflag:$0x1] =	stream.linear.gather [hbm4b:s0+s2], $0x80, $0x38;
	[tilespmem:$0x19000] =	vst v63  }
0x2d3: {  	s0 =	sand.u32 $0x1FFFFFF0, s28  }
0x2d4: {  	s29 =	sadd.s32 $0xCE00, s9;
	s0 =	sadd.s32 s4, s0  }
0x2d5: {  	[tilespmem:s29], [sflag:$0x1] =	stream.linear.gather [hbm4b:s0+s2], $0x80, $0x38;
	[tilespmem:$0x19000] =	vst v63  }
0x2d6: {  	s30 =	spop (v2sf)  }
0x2d7: {  	s0 =	sand.u32 $0x1FFFFFF0, s30  }
0x2d8: {  	s31 =	sadd.s32 $0xCE80, s9;
	s1 =	spop (v2sf);
	s0 =	sadd.s32 s4, s0  }
0x2d9: {  	[tilespmem:s31], [sflag:$0x1] =	stream.linear.gather [hbm4b:s0+s2], $0x80, $0x38;
	[tilespmem:$0x19000] =	vst v63  }
0x2da: {  	s0 =	sand.u32 $0x1FFFFFF0, s1  }
0x2db: {  	v4 =	vadd.s32 v1, v4;
	s3 =	sadd.s32 $0xCF00, s9;
	s11 =	spop (v2sf);
	s0 =	sadd.s32 s4, s0  }
0x2dc: {  	[tilespmem:s3], [sflag:$0x1] =	stream.linear.gather [hbm4b:s0+s2], $0x80, $0x38;
	[tilespmem:$0x19000] =	vst v63  }
0x2dd: {  	s0 =	sand.u32 $0x1FFFFFF0, s11  }
0x2de: {  	s12 =	sadd.s32 $0xCF80, s9;
	s0 =	sadd.s32 s4, s0  }
0x2df: {  	[tilespmem:s12], [sflag:$0x1] =	stream.linear.gather [hbm4b:s0+s2], $0x80, $0x38;
	[tilespmem:$0x19000] =	vst v63  }
0x2e0: {  	v4 =	vld.idx.msk [tilespmem:v4+s2+$0x0], $0xffff;
	_ =	sdelay $0x4  }
0x2e1: {  	v4 =	vshll.u32 v4, $0x4  }
0x2e2: {  	(v2sf) =	vpush v4, $0x8;
	_ =	sdelay $0x1  }
0x2e3: {  	(v2sf) =	vpush v4, $0x9;
	_ =	sdelay $0x1  }
0x2e4: {  	(v2sf) =	vpush v4, $0xA;
	_ =	sdelay $0x2  }
0x2e5: {  	(v2sf) =	vpush v4, $0xB;
	_ =	sdelay $0x7  }
0x2e6: {  	s13 =	spop (v2sf);
	(v2sf) =	vpush v4, $0xC;
	_ =	sdelay $0x1  }
0x2e7: {  	s15 =	spop (v2sf);
	(v2sf) =	vpush v4, $0xD  }
0x2e8: {  	s0 =	sand.u32 $0x1FFFFFF0, s13  }
0x2e9: {  	s14 =	simm.s32 $0x12800;
	s0 =	sadd.s32 s4, s0;
	s17 =	spop (v2sf)  }
0x2ea: {  	(v2sf) =	vpush v4, $0xE;
	[tilespmem:s14], [sflag:$0x1] =	stream.linear.gather [hbm4b:s0+s2], $0x80, $0x38;
	[tilespmem:$0x19000] =	vst v63  }
0x2eb: {  	s0 =	sand.u32 $0x1FFFFFF0, s15  }
0x2ec: {  	s16 =	simm.s32 $0x12880;
	s19 =	spop (v2sf);
	s0 =	sadd.s32 s4, s0  }
0x2ed: {  	(v2sf) =	vpush v4, $0xF;
	[tilespmem:s16], [sflag:$0x1] =	stream.linear.gather [hbm4b:s0+s2], $0x80, $0x38;
	[tilespmem:$0x19000] =	vst v63  }
0x2ee: {  	s0 =	sand.u32 $0x1FFFFFF0, s17  }
0x2ef: {  	s18 =	simm.s32 $0x12900;
	s0 =	sadd.s32 s4, s0  }
0x2f0: {  	[tilespmem:s18], [sflag:$0x1] =	stream.linear.gather [hbm4b:s0+s2], $0x80, $0x38;
	[tilespmem:$0x19000] =	vst v63  }
0x2f1: {  	s0 =	sand.u32 $0x1FFFFFF0, s19  }
0x2f2: {  	s20 =	simm.s32 $0x12980;
	s0 =	sadd.s32 s4, s0  }
0x2f3: {  	[tilespmem:s20], [sflag:$0x1] =	stream.linear.gather [hbm4b:s0+s2], $0x80, $0x38;
	[tilespmem:$0x19000] =	vst v63  }
0x2f4: {  	s21 =	spop (v2sf)  }
0x2f5: {  	s0 =	sand.u32 $0x1FFFFFF0, s21  }
0x2f6: {  	s24 =	simm.s32 $0x12A00;
	s25 =	spop (v2sf);
	s0 =	sadd.s32 s4, s0  }
0x2f7: {  	[tilespmem:s24], [sflag:$0x1] =	stream.linear.gather [hbm4b:s0+s2], $0x80, $0x38;
	[tilespmem:$0x19000] =	vst v63  }
0x2f8: {  	s0 =	sand.u32 $0x1FFFFFF0, s25  }
0x2f9: {  	s26 =	simm.s32 $0x12A80;
	s28 =	spop (v2sf);
	s0 =	sadd.s32 s4, s0  }
0x2fa: {  	[tilespmem:s26], [sflag:$0x1] =	stream.linear.gather [hbm4b:s0+s2], $0x80, $0x38;
	[tilespmem:$0x19000] =	vst v63  }
0x2fb: {  	s0 =	sand.u32 $0x1FFFFFF0, s28  }
0x2fc: {  	s29 =	simm.s32 $0x12B00;
	s30 =	spop (v2sf);
	s0 =	sadd.s32 s4, s0  }
0x2fd: {  	[tilespmem:s29], [sflag:$0x1] =	stream.linear.gather [hbm4b:s0+s2], $0x80, $0x38;
	[tilespmem:$0x19000] =	vst v63  }
0x2fe: {  	s0 =	sand.u32 $0x1FFFFFF0, s30  }
0x2ff: {  	s31 =	simm.s32 $0x12B80;
	s0 =	sadd.s32 s4, s0  }
0x300: {  	[tilespmem:s31], [sflag:$0x1] =	stream.linear.gather [hbm4b:s0+s2], $0x80, $0x38;
	[tilespmem:$0x19000] =	vst v63  }
.LBB2_14:
0x301: {  	_ =	swait.ge [sflag:s23], $0x6400  }
0x302: {  	[sflag:s23] =	ssyncset.done $0x0  }
0x303: {  	s9 =	simm.s32 $0x12D00;
	[sflag:s23] =	ssyncadd.s32 $0xFFFF9C00  }
0x304: {  	v4 =	vld [tilespmem:s9+$0x80]  }
0x305: {  	s15 =	simm.s32 $0x6500;
	v5 =	vld [tilespmem:s9+$0xFFFFFF80]  }
0x306: {  	v6 =	vld [tilespmem:s15+$0x80]  }
0x307: {  	v7 =	vld [tilespmem:s9+$0xFFFFFF00]  }
0x308: {  	v8 =	vld [tilespmem:s9+$0x0]  }
0x309: {  	v9 =	vld [tilespmem:s15+$0xFFFFFF00]  }
0x30a: {  	v10 =	vld [tilespmem:s15+$0xFFFFFF80]  }
0x30b: {  	v11 =	vld [tilespmem:s15+$0x0]  }
0x30c: {  	s12 =	simm.s32 $0x12F00;
	v12 =	vld [tilespmem:s9+$0xFFFFFF10]  }
0x30d: {  	s14 =	simm.s32 $0x6700;
	v14 =	vld [tilespmem:s12+$0xFFFFFF80];
	v4 =	vmul.f32 $8.000000000e+00, v4  }
0x30e: {  	v15 =	vld [tilespmem:s14+$0x80]  }
0x30f: {  	v16 =	vld [tilespmem:s12+$0xFFFFFF00];
	v7 =	vmul.f32 $8.000000000e+00, v7;
	v5 =	vmul.f32 $8.000000000e+00, v5;
	v4 =	vadd.f32 v6, v4  }
0x310: {  	v6 =	vld [tilespmem:s9+$0x90]  }
0x311: {  	v7 =	vadd.f32 v9, v7;
	v5 =	vadd.f32 v10, v5;
	v9 =	vld [tilespmem:s9+$0xFFFFFF90];
	[tilespmem:s9+$0x80] =	vst v4  }
0x312: {  	v8 =	vmul.f32 $8.000000000e+00, v8;
	v4 =	vld [tilespmem:s15+$0x90]  }
0x313: {  	v10 =	vld [tilespmem:s9+$0x10];
	[tilespmem:s9+$0xFFFFFF80] =	vst v5  }
0x314: {  	[tilespmem:s9+$0xFFFFFF00] =	vst v7;
	v5 =	vadd.f32 v11, v8;
	v8 =	vld [tilespmem:s15+$0xFFFFFF90]  }
0x315: {  	v7 =	vld [tilespmem:s15+$0xFFFFFF10];
	v6 =	vmul.f32 $8.000000000e+00, v6  }
0x316: {  	v17 =	vld [tilespmem:s12+$0x0];
	[tilespmem:s9+$0x0] =	vst v5  }
0x317: {  	v9 =	vmul.f32 $8.000000000e+00, v9;
	v4 =	vadd.f32 v4, v6;
	v6 =	vmul.f32 $8.000000000e+00, v12;
	v12 =	vld [tilespmem:s15+$0x10]  }
0x318: {  	v18 =	vld [tilespmem:s14+$0xFFFFFF00]  }
0x319: {  	v19 =	vld [tilespmem:s14+$0xFFFFFF80];
	v8 =	vadd.f32 v8, v9  }
0x31a: {  	v9 =	vmul.f32 $8.000000000e+00, v10;
	v6 =	vadd.f32 v7, v6;
	v7 =	vld [tilespmem:s9+$0xFFFFFFA0]  }
0x31b: {  	v20 =	vld [tilespmem:s14+$0x0];
	[tilespmem:s9+$0xFFFFFF90] =	vst v8  }
0x31c: {  	v8 =	vadd.f32 v12, v9;
	v9 =	vld [tilespmem:s15+$0xFFFFFFA0]  }
0x31d: {  	v21 =	vld [tilespmem:s12+$0xFFFFFF10]  }
0x31e: {  	v54 =	vld [tilespmem:s12+$0xFFFFFF90]  }
0x31f: {  	v55 =	vld [tilespmem:s12+$0x10];
	v7 =	vmul.f32 $8.000000000e+00, v7  }
0x320: {  	v56 =	vld [tilespmem:s12+$0xFFFFFF20];
	v16 =	vmul.f32 $8.000000000e+00, v16  }
0x321: {  	v57 =	vld [tilespmem:s12+$0xA0];
	v17 =	vmul.f32 $8.000000000e+00, v17;
	v7 =	vadd.f32 v9, v7  }
0x322: {  	v60 =	vld [tilespmem:s12+$0xFFFFFFA0];
	v16 =	vadd.f32 v18, v16  }
0x323: {  	v17 =	vadd.f32 v20, v17;
	[tilespmem:s9+$0xFFFFFFA0] =	vst v7;
	v7 =	vld [tilespmem:s12+$0x80]  }
0x324: {  	v11 =	vld [tilespmem:s9+$0xFFFFFF20];
	[tilespmem:s12+$0xFFFFFF00] =	vst v16  }
0x325: {  	[tilespmem:s12+$0x0] =	vst v17;
	v16 =	vld [tilespmem:s14+$0xFFFFFF10]  }
0x326: {  	v58 =	vld [tilespmem:s14+$0x10]  }
0x327: {  	v5 =	vld [tilespmem:s9+$0xA0]  }
0x328: {  	v10 =	vld [tilespmem:s9+$0x20];
	[tilespmem:s9+$0x90] =	vst v4;
	v7 =	vmul.f32 $8.000000000e+00, v7  }
0x329: {  	v4 =	vld [tilespmem:s15+$0xA0];
	[tilespmem:s9+$0xFFFFFF10] =	vst v6  }
0x32a: {  	v6 =	vld [tilespmem:s15+$0xFFFFFF20];
	v7 =	vadd.f32 v15, v7  }
0x32b: {  	v15 =	vld [tilespmem:s12+$0x90]  }
0x32c: {  	v5 =	vmul.f32 $8.000000000e+00, v5;
	v12 =	vld [tilespmem:s9+$0xFFFFFF30];
	[tilespmem:s12+$0x80] =	vst v7  }
0x32d: {  	v7 =	vmul.f32 $8.000000000e+00, v14;
	v14 =	vld [tilespmem:s14+$0x90]  }
0x32e: {  	[tilespmem:s9+$0x10] =	vst v8;
	v8 =	vld [tilespmem:s9+$0xB0];
	v4 =	vadd.f32 v4, v5;
	v5 =	vmul.f32 $8.000000000e+00, v11  }
0x32f: {  	v11 =	vld [tilespmem:s15+$0x20];
	v7 =	vadd.f32 v19, v7  }
0x330: {  	v5 =	vadd.f32 v6, v5;
	v6 =	vld [tilespmem:s9+$0xFFFFFFB0];
	v15 =	vmul.f32 $8.000000000e+00, v15  }
0x331: {  	v9 =	vld [tilespmem:s9+$0x30];
	[tilespmem:s12+$0xFFFFFF80] =	vst v7  }
0x332: {  	[tilespmem:s9+$0xA0] =	vst v4;
	v7 =	vld [tilespmem:s14+$0xFFFFFF90];
	v14 =	vadd.f32 v14, v15  }
0x333: {  	v4 =	vld [tilespmem:s15+$0xB0];
	[tilespmem:s9+$0xFFFFFF20] =	vst v5  }
0x334: {  	v5 =	vld [tilespmem:s15+$0xFFFFFF30];
	v15 =	vmul.f32 $8.000000000e+00, v21;
	[tilespmem:s12+$0x90] =	vst v14  }
0x335: {  	v14 =	vmul.f32 $8.000000000e+00, v54;
	v59 =	vld [tilespmem:s14+$0xA0]  }
0x336: {  	v13 =	vld [tilespmem:s15+$0xFFFFFFB0];
	v15 =	vadd.f32 v16, v15  }
0x337: {  	v19 =	vmul.f32 $8.000000000e+00, v55;
	v7 =	vadd.f32 v7, v14;
	v14 =	vld [tilespmem:s12+$0x20]  }
0x338: {  	v17 =	vmul.f32 $8.000000000e+00, v57;
	[tilespmem:s12+$0xFFFFFF10] =	vst v15;
	v15 =	vld [tilespmem:s12+$0xFFFFFF30]  }
0x339: {  	v8 =	vmul.f32 $8.000000000e+00, v8;
	v61 =	vld [tilespmem:s14+$0xFFFFFF20];
	[tilespmem:s12+$0xFFFFFF90] =	vst v7;
	v7 =	vmul.f32 $8.000000000e+00, v10;
	v10 =	vadd.f32 v58, v19  }
0x33a: {  	v62 =	vld [tilespmem:s14+$0xFFFFFFA0];
	v17 =	vadd.f32 v59, v17  }
0x33b: {  	v4 =	vadd.f32 v4, v8;
	v7 =	vadd.f32 v11, v7;
	v11 =	vmul.f32 $8.000000000e+00, v12;
	[tilespmem:s12+$0x10] =	vst v10;
	v10 =	vld [tilespmem:s12+$0xB0]  }
0x33c: {  	v8 =	vmul.f32 $8.000000000e+00, v56;
	v12 =	vld [tilespmem:s14+$0x20];
	[tilespmem:s12+$0xA0] =	vst v17  }
0x33d: {  	[tilespmem:s9+$0xB0] =	vst v4;
	v4 =	vmul.f32 $8.000000000e+00, v6;
	v5 =	vadd.f32 v5, v11;
	v11 =	vmul.f32 $8.000000000e+00, v60;
	v63 =	vld [tilespmem:s14+$0xB0]  }
0x33e: {  	[tilespmem:s9+$0x20] =	vst v7;
	v8 =	vadd.f32 v61, v8;
	v7 =	vld [tilespmem:s12+$0xFFFFFFB0]  }
0x33f: {  	v6 =	vld [tilespmem:s12+$0x30];
	[tilespmem:s9+$0xFFFFFF30] =	vst v5;
	v5 =	vadd.f32 v62, v11;
	v11 =	vadd.f32 v13, v4;
	v13 =	vmul.f32 $8.000000000e+00, v14  }
0x340: {  	[tilespmem:s12+$0xFFFFFF20] =	vst v8;
	v8 =	vld [tilespmem:s15+$0x30];
	v14 =	vmul.f32 $8.000000000e+00, v10  }
0x341: {  	v4 =	vmul.f32 $8.000000000e+00, v9;
	v9 =	vld [tilespmem:s14+$0xFFFFFF30];
	[tilespmem:s12+$0xFFFFFFA0] =	vst v5;
	v12 =	vadd.f32 v12, v13  }
0x342: {  	s17 =	simm.s32 $0x13100;
	s16 =	simm.s32 $0x6700;
	s15 =	simm.s32 $0x4;
	[tilespmem:s9+$0xFFFFFFB0] =	vst v11;
	v5 =	vmul.f32 $8.000000000e+00, v15;
	v10 =	vld [tilespmem:s14+$0xFFFFFFB0];
	v11 =	vadd.f32 v63, v14  }
.LBB2_15:
0x343: {  	v13 =	vld [tilespmem:s17+$0x80];
	s15 =	sadd.s32 $0x4, s15;
	v7 =	vmul.f32 $8.000000000e+00, v7;
	[tilespmem:s12+$0x20] =	vst v12  }
0x344: {  	s14 =	sadd.s32 $0x200, s14;
	v12 =	vld [tilespmem:s17+$0xFFFFFF80];
	p0 =	slt.u32 s15, $0xC4;
	v6 =	vmul.f32 $8.000000000e+00, v6;
	[tilespmem:s12+$0xB0] =	vst v11  }
0x345: {  	v11 =	vld [tilespmem:s14+$0x80];
	v8 =	vadd.f32 v8, v4  }
0x346: {  	v14 =	vld [tilespmem:s17+$0x0];
	v5 =	vadd.f32 v9, v5;
	v4 =	vmov v6  }
0x347: {  	v6 =	vld [tilespmem:s17+$0xFFFFFF00];
	v7 =	vadd.f32 v10, v7;
	[tilespmem:s9+$0x30] =	vst v8;
	s9 =	smov.u32 s12;
	s12 =	smov.u32 s17  }
0x348: {  	v8 =	vld [tilespmem:s14+$0xFFFFFF00];
	v9 =	vmul.f32 $8.000000000e+00, v13;
	[tilespmem:s9+$0xFFFFFF30] =	vst v5  }
0x349: {  	v5 =	vmul.f32 $8.000000000e+00, v12;
	v10 =	vld [tilespmem:s14+$0xFFFFFF80];
	[tilespmem:s9+$0xFFFFFFB0] =	vst v7  }
0x34a: {  	v7 =	vld [tilespmem:s14+$0x0];
	v9 =	vadd.f32 v11, v9  }
0x34b: {  	v11 =	vmul.f32 $8.000000000e+00, v14;
	v12 =	vld [tilespmem:s17+$0x90]  }
0x34c: {  	v6 =	vmul.f32 $8.000000000e+00, v6;
	v13 =	vld [tilespmem:s17+$0xFFFFFF10];
	[tilespmem:s17+$0x80] =	vst v9  }
0x34d: {  	v9 =	vld [tilespmem:s14+$0x90]  }
0x34e: {  	v6 =	vadd.f32 v8, v6;
	v5 =	vadd.f32 v10, v5;
	v8 =	vld [tilespmem:s17+$0xFFFFFF90]  }
0x34f: {  	v7 =	vadd.f32 v7, v11;
	v10 =	vld [tilespmem:s17+$0x10]  }
0x350: {  	[tilespmem:s17+$0xFFFFFF00] =	vst v6;
	v6 =	vld [tilespmem:s17+$0xFFFFFF20];
	v11 =	vmul.f32 $8.000000000e+00, v12  }
0x351: {  	v12 =	vmul.f32 $8.000000000e+00, v13;
	v13 =	vld [tilespmem:s14+$0xFFFFFF10];
	[tilespmem:s17+$0xFFFFFF80] =	vst v5  }
0x352: {  	v5 =	vld [tilespmem:s14+$0xFFFFFF90];
	[tilespmem:s17+$0x0] =	vst v7;
	v7 =	vadd.f32 v9, v11  }
0x353: {  	v8 =	vmul.f32 $8.000000000e+00, v8;
	v9 =	vld [tilespmem:s17+$0xA0]  }
0x354: {  	v10 =	vmul.f32 $8.000000000e+00, v10;
	v11 =	vld [tilespmem:s14+$0x10];
	[tilespmem:s17+$0x90] =	vst v7  }
0x355: {  	v6 =	vmul.f32 $8.000000000e+00, v6;
	v7 =	vld [tilespmem:s14+$0xA0]  }
0x356: {  	v12 =	vadd.f32 v13, v12;
	v13 =	vld [tilespmem:s17+$0xFFFFFFA0]  }
0x357: {  	v5 =	vadd.f32 v5, v8;
	v8 =	vld [tilespmem:s17+$0x20]  }
0x358: {  	[tilespmem:s17+$0xFFFFFF10] =	vst v12;
	v12 =	vld [tilespmem:s17+$0xFFFFFF30];
	v9 =	vmul.f32 $8.000000000e+00, v9  }
0x359: {  	v14 =	vld [tilespmem:s14+$0xFFFFFF20];
	[tilespmem:s17+$0xFFFFFF90] =	vst v5;
	v5 =	vadd.f32 v11, v10  }
0x35a: {  	v10 =	vld [tilespmem:s14+$0xFFFFFFA0];
	v7 =	vadd.f32 v7, v9  }
0x35b: {  	v9 =	vmul.f32 $8.000000000e+00, v13;
	[tilespmem:s17+$0x10] =	vst v5;
	v11 =	vld [tilespmem:s17+$0xB0]  }
0x35c: {  	v13 =	vmul.f32 $8.000000000e+00, v8;
	v15 =	vld [tilespmem:s14+$0x20];
	[tilespmem:s17+$0xA0] =	vst v7  }
0x35d: {  	v5 =	vmul.f32 $8.000000000e+00, v12;
	v16 =	vld [tilespmem:s14+$0xB0]  }
.Ltmp11:
0x35e: {  	v8 =	vadd.f32 v14, v6;
	v7 =	vld [tilespmem:s17+$0xFFFFFFB0];
	(pc) =	sbr.rel @p0 .LBB2_15-.Ltmp11, $4  }
0x35f: {  	v10 =	vadd.f32 v10, v9;
	v6 =	vld [tilespmem:s17+$0x30]  }
0x360: {  	[tilespmem:s17+$0xFFFFFF20] =	vst v8;
	v11 =	vmul.f32 $8.000000000e+00, v11;
	v8 =	vld [tilespmem:s16+$0x30];
	s16 =	smov.u32 s14  }
0x361: {  	v9 =	vld [tilespmem:s14+$0xFFFFFF30];
	[tilespmem:s17+$0xFFFFFFA0] =	vst v10;
	v12 =	vadd.f32 v15, v13  }
0x362: {  	s17 =	sadd.s32 $0x200, s17;
	v10 =	vld [tilespmem:s14+$0xFFFFFFB0];
	v11 =	vadd.f32 v16, v11  }
0x363: {  	[tilespmem:s12+$0x20] =	vst v12  }
0x364: {  	v12 =	vld [tilespmem:s16+$0x30];
	_ =	sdelay $0x1  }
0x365: {  	v7 =	vmul.f32 $8.000000000e+00, v7;
	v4 =	vadd.f32 v8, v4  }
0x366: {  	v6 =	vmul.f32 $8.000000000e+00, v6;
	[tilespmem:s12+$0xB0] =	vst v11;
	v5 =	vadd.f32 v9, v5  }
.Ltmp12:
0x367: {  	s0 =	sadd.s32 s6, s7;
	v7 =	vadd.f32 v10, v7;
	[tilespmem:s9+$0x30] =	vst v4;
	(pc) =	sbr.rel .LBB2_17-.Ltmp12, $4  }
0x368: {  	s0 =	smul.u32 $0xC80, s0;
	[tilespmem:s12+$0xFFFFFF30] =	vst v5;
	v4 =	vadd.f32 v12, v6  }
0x369: {  	[tilespmem:s12+$0xFFFFFFB0] =	vst v7  }
0x36a: {  	s1 =	simm.s32 $0x12C00;
	s0 =	sadd.s32 s5, s0;
	[tilespmem:s12+$0x30] =	vst v4  }
0x36b: {  	[hbm4b:s0+s2] =	stream.linear.scatter [tilespmem:s1], [sflag:$0x4], $0x6400, $0x38;
	[tilespmem:$0x19000] =	vst v63  }
.LBB2_19:
0x36c: {  	_ =	sfence.sel $0x180000  }
0x36d: {  	[bflag:$0x0] =	sbarrier.arrive $0xFFFF  }
0x36e: {  	_ =	strace $0x90000047  }
0x36f: {  	s0 =	stileid.u32;
	[bflag:$0x2] =	sbarrier.arrive $0xFFFF  }
0x370: {  	p0 =	sne.s32 s0, $0x0;
	s0 =	rddreg [dreg:$0x3]  }
0x371: {  	s0 =	sadd.s32 @!p0 $0x100000, s0  }
0x372: {  	[sflag:s0] =	ssyncadd.tile.s32 @!p0 $0x1;
	_ =	shalt  }
.Lfunc_end2:
_tile_overlayer_lowered:
.L_overlay_start_2:
0x373: {  	(tag) =	ssettag $0x2  }
0x374: {  	s0 =	rddreg [dreg:$0x0];
	s2 =	stileid.u32  }
0x375: {  	s1 =	rddreg [dreg:$0x1];
	p0 =	sne.s32 s2, $0x0  }
0x376: {  	s3 =	rddreg [dreg:$0x2];
	[bflag:$0x3] =	sbarrier.arrive $0xFFFF;
	s2 =	simm.s32 @!p0 $0x1C05  }
0x377: {  	[timem:s3], [sflag:s2] =	dma.local @!p0 [hbm:s0], s1  }
0x378: {  	s0 =	simm.s32 @!p0 $0x5  }
0x379: {  	_ =	swait.ge @!p0 [sflag:s0], s1  }
0x37a: {  	s1 =	ssub.s32 @!p0 $0x0, s1;
	[sflag:s0] =	ssyncset.done @!p0 $0x0  }
0x37b: {  	[sflag:s0] =	ssyncadd.s32 @!p0 s1  }
0x37c: {  	[bflag:$0x3] =	sbarrier.arrive $0xFFFF  }
0x37d: {  	_ =	shalt  }

// kernel: sparse-core-data-format-call.cloned.1.call-start
scs
called_computation_lowered:
.L_overlay_start_0:
0x0: {  	s2 =	sld [smem:$0x3FD9]  }
0x1: {  	s3 =	sld [smem:$0x3FFE];
	_ =	sdelay $0x1  }
0x2: {  	s1 =	srdreg.scid  }
0x3: {  	s0 =	sand.u32 $0x1, s1  }
0x4: {  	s18 =	sshll.u32 s0, $0xA;
	s2 =	sadd.s32 s3, s2  }
0x5: {  	s2 =	sadd.s32 s2, s18  }
0x6: {  	[smem:$0x3FC6] =	sst s2  }
0x7: {  	_ = 	snop  }
0x8: {  	s2 =	sld [smem:$0x3FD0];
	(tm) =	ssettm $0x1  }
0x9: {  	s19 =	sld [smem:$0x3FFB];
	_ =	sdelay $0x3  }
0xa: {  	_ =	strace s19  }
0xb: {  	s3 =	sld [smem:$0x3FFC];
	_ =	sdelay $0x3  }
0xc: {  	_ =	strace s3  }
0xd: {  	s3 =	sld [smem:$0x3FFD];
	_ =	sdelay $0x3  }
0xe: {  	_ =	strace s3  }
0xf: {  	_ =	strace $0x8FFFFFFF  }
0x10: {  	s20 =	sld [smem:$0x3FDB];
	_ =	sdelay $0x1  }
0x11: {  	s4 =	simm.s32 $_scs_section_size  }
0x12: {  	s5 =	simm.s32 $_size__tile_overlayer_lowered;
	s6 =	simm.s32 $_tile_overlayer_lowered  }
0x13: {  	s23 =	simm.s32 $0x1BFF;
	s22 =	sshll.u32 s6, $0x1;
	s3 =	sadd.s32 s4, s20  }
0x14: {  	s7 =	simm.s32 $0x0;
	s21 =	sshll.u32 s5, $0x1;
	s5 =	sadd.s32 s22, s3  }
0x15: {  	[timem:s7], [sflag:s23] =	dma.local [hbm:s5], s21  }
0x16: {  	_ =	swait.ge [sflag:s23], s21  }
0x17: {  	s4 =	ssub.s32 $0x0, s21;
	[sflag:s23] =	ssyncset.done $0x0  }
0x18: {  	[sflag:s23] =	ssyncadd.s32 s4;
	_ =	sdelay $0x1  }
0x19: {  	s24 =	simm.s32 $0x1B8B  }
0x1a: {  	_ =	swait.ge [sflag:s24], $0x1  }
0x1b: {  	[sflag:s24] =	ssyncset.done $0x0  }
0x1c: {  	s26 =	simm.s32 $0x1B8E;
	s25 =	sld [smem:$0x3FFE];
	[sflag:s24] =	ssyncadd.s32 $0xFFFFFFFF  }
0x1d: {  	s27 =	simm.s32 $execute0_lowered;
	[smem:$0x3FD2] =	sst s26  }
0x1e: {  	s5 =	sshll.u32 s27, $0x1;
	_ =	strace $0x80000049;
	[dreg:$0x1] =	wrdreg $0xFFFFFFFF  }
0x1f: {  	s28 =	simm.s32 $_size_execute0_lowered;
	s3 =	sadd.s32 s3, s5;
	[dreg:$0x0] =	wrdreg $0x0  }
0x20: {  	s5 =	sshll.u32 s28, $0x1;
	[dreg:$0x2] =	wrdreg s3  }
0x21: {  	[dreg:$0x3] =	wrdreg s5  }
0x22: {  	[dreg:$0x4] =	wrdreg $0xC0  }
0x23: {  	_ =	task [dreg:s7], $0x5FFFF  }
0x24: {  	[dreg:$0x1] =	wrdreg $0xFFFFFFFF  }
0x25: {  	[dreg:$0x0] =	wrdreg $0x60  }
0x26: {  	[dreg:$0x2] =	wrdreg s25  }
0x27: {  	[dreg:$0x3] =	wrdreg s2  }
0x28: {  	[dreg:$0x4] =	wrdreg $0x9  }
0x29: {  	_ =	task.clear_ibuf [dreg:s7], $0x5FFFF;
	_ =	strace $0x90000049  }
0x2a: {  	s29 =	simm.s32 $0x9;
	_ =	strace $0x8000004B  }
0x2b: {  	_ =	swait.ge [sflag:s29], $0x1  }
0x2c: {  	[sflag:s29] =	ssyncadd.s32 $0xFFFFFFFF  }
0x2d: {  	_ =	strace $0x9000004B  }
0x2e: {  	_ =	sfence  }
0x2f: {  	s30 =	sld [smem:$0x0];
	_ =	sdelay $0x2  }
0x30: {  	s31 =	sshll.u32 s1, $0xD;
	s1 =	sshrl.u32 s1, $0x2  }
0x31: {  	s3 =	sand.u32 $0x4000, s31;
	s1 =	sadd.s32 s1, s30  }
0x32: {  	s0 =	sor.u32 s3, s0;
	s1 =	sshll.u32 s1, $0x11  }
0x33: {  	s0 =	sor.u32 s1, s0  }
0x34: {  	s0 =	sadd.s32 $0x8F2B, s0  }
0x35: {  	[sflag:s0] =	ssyncadd.remote.s32 $0x1  }
0x36: {  	_ =	sfence.sel $0xFFFF  }
0x37: {  	[dreg:$0x0] =	wrdreg $0xFFFFFFFF;
	(pc) =	sbr.abs _section_cstart, $3  }
0x38: {  	[dreg:$0x1] =	wrdreg $0xFFFFFFFF  }
0x39: {  	_ =	task.clear_ibuf [dreg:s7], $0x2FFFF;
	_ =	strace $0x9FFFFFFF  }
0x3a: {  	(tm) =	ssettm $0x7FFFFFFF  }
0x3b: {  	_ =	shalt  }
tec
execute0_lowered:
.L_overlay_start_1:
0x0: {  	(tag) =	ssettag $0x1  }
0x1: {  	s0 =	stileid.u32;
	s6 =	rddreg [dreg:$0x0]  }
0x2: {  	s2 =	rddreg [dreg:$0x1];
	s5 =	srdreg.scid  }
0x3: {  	s31 =	simm.s32 $0x2;
	s13 =	simm.s32 $0x0;
	s1 =	sshll.u32 s0, $0x7  }
0x4: {  	s14 =	simm.s32 $0x0;
	s12 =	simm.s32 $0x0;
	s3 =	sand.u32 $0x380, s1  }
0x5: {  	s5 =	sshll.u32 s5, $0x4;
	s6 =	sadd.s32 $0xF42E00, s6;
	s4 =	ssub.s32 $0x400, s3  }
0x6: {  	s1 =	rddreg [dreg:$0x2];
	_ =	strace $0x8000004A;
	s7 =	sand.u32 $0x380, s4  }
0x7: {  	s5 =	sand.u32 $0x10, s5;
	p0 =	sne.s32 s7, $0x0;
	s7 =	simm.s32 $0x1  }
.Ltmp0:
0x8: {  	s8 =	sshrl.u32 s4, $0xA;
	s7 =	simm.s32 @!p0 $0x0;
	(pc) =	sbr.rel .LBB1_1-.Ltmp0, $4  }
0x9: {  	s9 =	sor.u32 s0, s5;
	s4 =	simm.s32 $0x1;
	s30 =	sadd.s32 s7, s8  }
0xa: {  	s11 =	smov.u32 s3;
	[sflag:s4] =	ssyncpa.u1 $0x0;
	s5 =	smul.u32 $0x32, s30  }
0xb: {  	[sflag:s31] =	ssyncpa.u1 $0x0;
	p0 =	por $0x0, $0x0;
	s7 =	sshrl.u32 s9, $0x3  }
0xc: {  	s9 =	simm.s32 $0x2000;
	s10 =	smov.u32 s7;
	s8 =	sor.u32 $0x1, s5  }
.LBB1_4:
0xd: {  	s17 =	sand.u32 $0x1F80, s14;
	s13 =	sshll.u32 s13, $0xD  }
0xe: {  	[tilespmem:s16+$0x810 ss:$0x81] =	vst.msk $0xffff, v2;
	s18 =	sshrl.u32 s14, $0x3;
	s31 =	sand.u32 $0x7, s14;
	s17 =	sadd.s32 s2, s17  }
0xf: {  	[tilespmem:s16+$0x1020 ss:$0x81] =	vst.msk $0xffff, v0;
	s18 =	sand.u32 $0xF, s18;
	s14 =	sshll.u32 s31, $0x12;
	s13 =	sadd.s32 s13, s17  }
0x10: {  	[tilespmem:s16+$0x0 ss:$0x81] =	vst.msk $0xffff, v1;
	s14 =	sor.u32 $0x400, s14;
	s13 =	sadd.s32 s18, s13  }
0x11: {  	[hbm4b:s13+s14] =	stream.strided.scatter [tilespmem:s15], [sflag:$0x2], $0x2000, s9, s14, $0x20;
	[tilespmem:$0x8080] =	vst v63  }
.LBB1_5:
0x12: {  	s15 =	sadd.s32 $0x4, s10  }
0x13: {  	s13 =	sadd.s32 $0x400, s11;
	s17 =	smov.u32 s11;
	p2 =	sgt.s32 s15, $0xC7  }
0x14: {  	s17 =	smov.u32 @p2 s13  }
0x15: {  	s15 =	smov.u32 @p2 s7;
	p2 =	sgt.s32 s17, $0x3FF  }
0x16: {  	s17 =	smov.u32 @p2 s3;
	p2 =	sne.s32 s12, s8  }
.Ltmp1:
0x17: {  	p1 =	slt.u32 s12, $0x2;
	(pc) =	sbr.rel @!p2 .LBB1_6-.Ltmp1, $4  }
0x18: {  	s16 =	simm.s32 @!p1 $0x2  }
0x19: {  	s14 =	smov.u32 s11;
	p0 =	por !p0, !p0;
	_ =	swait.ge @!p1 [sflag:s16], $0x2000  }
0x1a: {  	s13 =	smov.u32 s10;
	[sflag:s16] =	ssyncset.done @!p1 $0x0;
	s10 =	smov.u32 s15  }
0x1b: {  	s12 =	sadd.s32 $0x1, s12;
	[sflag:s16] =	ssyncadd.s32 @!p1 $0xFFFFE000;
	s11 =	smov.u32 s17  }
.LBB1_1:
0x1c: {  	p1 =	sge.u32 s12, s5  }
0x1d: {  	s15 =	sand.u32 @!p1 $0x1FFFFFF, s10  }
0x1e: {  	s16 =	smulhi.u32 @!p1 $0x147AE15, s15;
	_ =	sdelay $0x1  }
0x1f: {  	s16 =	smul.u32 @!p1 $0xC8, s16  }
0x20: {  	s17 =	sxor.u32 @!p1 $0xFFFFFFFF, s12;
	s18 =	smul.u32 @!p1 $0xC80, s11  }
0x21: {  	s31 =	sadd.s32 $0xFFFFFFFF, s12;
	s17 =	sshll.u32 @!p1 s17, $0xD;
	s15 =	ssub.s32 @!p1 s15, s16  }
0x22: {  	s16 =	sand.u32 @!p1 $0x2000, s17;
	s17 =	sadd.s32 @!p1 s6, s18;
	s15 =	sshll.u32 @!p1 s15, $0x4  }
0x23: {  	s18 =	simm.s32 @!p1 $0x6400;
	s15 =	sadd.s32 @!p1 s15, s17;
	s17 =	simm.s32 @!p1 $0x40  }
0x24: {  	[tilespmem:s16], [sflag:$0x1] =	stream.strided.gather @!p1 [hbm4b:s15+s17], $0x2000, s18, s17, $0x38;
	[tilespmem:$0x8080] =	vst v63  }
0x25: {  	p1 =	sge.u32 s31, s5  }
.Ltmp2:
0x26: {  	_ = 	snop;
	(pc) =	sbr.rel @p1 .LBB1_5-.Ltmp2, $1  }
0x27: {  	_ =	sdelay $0x3  }
0x28: {  	s15 =	simm.s32 $0x1  }
0x29: {  	_ =	swait.ge [sflag:s4], $0x2000;
	s15 =	simm.s32 @!p0 $0x0  }
0x2a: {  	[sflag:s4] =	ssyncset.done $0x0;
	s16 =	sshll.u32 s15, $0xD  }
0x2b: {  	[sflag:s4] =	ssyncadd.s32 $0xFFFFE000;
	s19 =	sor.u32 $0x20, s16  }
0x2c: {  	s15 =	smul.u32 $0x8100, s15;
	v3 =	vld [tilespmem:s19+$0x10]  }
0x2d: {  	s30 =	sand.u32 $0x1, s12;
	v2 =	vld [tilespmem:s19+$0xFFFFFFF0]  }
0x2e: {  	s16 =	smul.u32 $0x8100, s30;
	s15 =	sshrl.u32 s15, $0x2;
	v0 =	vld [tilespmem:s19+$0x0]  }
0x2f: {  	v1 =	vld [tilespmem:s19+$0xFFFFFFE0];
	s17 =	sor.u32 $0x4000, s15  }
0x30: {  	s31 =	sshrl.u32 s16, $0x2;
	s16 =	sadd.s32 $0x0, s17  }
0x31: {  	s18 =	simm.s32 $0x4;
	s19 =	sadd.s32 $0x40, s19;
	s15 =	sor.u32 $0x4000, s31;
	[tilespmem:s16+$0x1830 ss:$0x81] =	vst.msk $0xffff, v3  }
.LBB1_3:
0x32: {  	v3 =	vld [tilespmem:s19+$0x10];
	p1 =	sne.s32 s18, $0x1FC;
	[tilespmem:s16+$0x810 ss:$0x81] =	vst.msk $0xffff, v2;
	s20 =	smov.u32 s18;
	s18 =	sadd.s32 $0x4, s18  }
.Ltmp3:
0x33: {  	v2 =	vld [tilespmem:s19+$0xFFFFFFF0];
	[tilespmem:s16+$0x1020 ss:$0x81] =	vst.msk $0xffff, v0;
	(pc) =	sbr.rel @p1 .LBB1_3-.Ltmp3, $4  }
0x34: {  	v0 =	vld [tilespmem:s19+$0x0];
	[tilespmem:s16+$0x0 ss:$0x81] =	vst.msk $0xffff, v1  }
0x35: {  	s16 =	sshra.s32 s20, $0x2;
	v1 =	vld [tilespmem:s19+$0xFFFFFFE0]  }
0x36: {  	s16 =	sadd.s32 s16, s17  }
0x37: {  	s19 =	sadd.s32 $0x40, s19;
	[tilespmem:s16+$0x1830 ss:$0x81] =	vst.msk $0xffff, v3  }
.Ltmp4:
0x38: {  	_ = 	snop;
	(pc) =	sbr.rel .LBB1_4-.Ltmp4, $1  }
0x39: {  	_ =	sdelay $0x3  }
.LBB1_6:
0x3a: {  	_ =	sfence.sel $0x180000  }
0x3b: {  	s2 =	simm.s32 $0x1;
	[bflag:$0x0] =	sbarrier.arrive $0xFFFF  }
0x3c: {  	s31 =	simm.s32 $0x2;
	[sflag:s2] =	ssyncpa.u1 $0x1  }
0x3d: {  	[sflag:s31] =	ssyncpa.u1 $0x1  }
0x3e: {  	p0 =	sne.s32 s0, $0x0;
	_ =	strace $0x9000004A  }
0x3f: {  	s0 =	sadd.s32 @!p0 $0x100000, s1;
	[bflag:$0x2] =	sbarrier.arrive $0xFFFF  }
0x40: {  	[sflag:s0] =	ssyncadd.tile.s32 @!p0 $0x1;
	_ =	shalt  }
.Lfunc_end1:
_tile_overlayer_lowered:
.L_overlay_start_2:
0x41: {  	(tag) =	ssettag $0x2  }
0x42: {  	s0 =	rddreg [dreg:$0x0];
	s2 =	stileid.u32  }
0x43: {  	s1 =	rddreg [dreg:$0x1];
	p0 =	sne.s32 s2, $0x0  }
0x44: {  	s3 =	rddreg [dreg:$0x2];
	[bflag:$0x3] =	sbarrier.arrive $0xFFFF;
	s2 =	simm.s32 @!p0 $0x1C01  }
0x45: {  	[timem:s3], [sflag:s2] =	dma.local @!p0 [hbm:s0], s1  }
0x46: {  	s0 =	simm.s32 @!p0 $0x1  }
0x47: {  	_ =	swait.ge @!p0 [sflag:s0], s1  }
0x48: {  	s1 =	ssub.s32 @!p0 $0x0, s1;
	[sflag:s0] =	ssyncset.done @!p0 $0x0  }
0x49: {  	[sflag:s0] =	ssyncadd.s32 @!p0 s1  }
0x4a: {  	[bflag:$0x3] =	sbarrier.arrive $0xFFFF  }
0x4b: {  	_ =	shalt  }

</sc_bundles>
